<compile_context>
chip_gen: v7x
topology: tpu7x:2x2x1
jax: 0.10.2.dev20260603
libtpu: 0.0.44.dev20260713+nightly
codegen_flags: <defaults>
</compile_context>

<pallas_src>
import functools

import jax
import jax.numpy as jnp
from jax import lax
from jax.experimental import pallas as pl
from jax.experimental.pallas import tpu as pltpu
from jax.experimental.pallas import tpu_sc as plsc

N = 50000
F = 256
B = 128
OUT = 256
NW = 32
R = 64
NCH = 25
NPAIR = (NCH - 1) // 2
L = 16
NJ = F // L
SEGDMA = 1624
SEGBUF = SEGDMA + L
NG = N // 8
GBASE = NG // NW
GREM = NG % NW


def _sc_body(feat_h, seg_h, wa_h, psum_h, pmax_h,
             buf0, buf1, segbuf, wabuf, accsum, accmax, sem0, sem1):
    cid = lax.axis_index("c")
    sid = lax.axis_index("s")
    wid = sid * 2 + cid
    s = 8 * (wid * GBASE + jnp.minimum(wid, GREM))
    cnt = 8 * (GBASE + (wid < GREM).astype(jnp.int32))
    e = s + cnt
    a = jnp.minimum((s // 8) * 8, N - SEGDMA)

    pltpu.sync_copy(wa_h, wabuf)
    pltpu.sync_copy(seg_h.at[pl.ds(a, SEGDMA)], segbuf.at[pl.ds(0, SEGDMA)])

    zero16 = jnp.zeros((L,), jnp.float32)
    ninf16 = jnp.full((L,), -jnp.inf, jnp.float32)
    bav = wabuf[pl.ds(F, L)]

    def init_body(i, _):
        accsum[pl.ds(i * L, L)] = zero16
        accmax[pl.ds(i * L, L)] = ninf16
        return 0
    lax.fori_loop(0, (B * F) // L, init_body, 0)

    def chunk_base(i):
        return jnp.minimum(s + i * R, e - R)

    def start_copy(i, buf, sem):
        pltpu.async_copy(feat_h.at[pl.ds(chunk_base(i), R)], buf, sem)

    def wait_copy(buf, sem):
        pltpu.make_async_copy(feat_h.at[pl.ds(0, R)], buf, sem).wait()

    def seg_of(rg):
        return segbuf[pl.ds(rg - a, L)][0]

    def flush(carry):
        ps = carry[0]
        base = ps * F
        for j in range(NJ):
            accsum[pl.ds(base + j * L, L)] = carry[1 + j]
            accmax[pl.ds(base + j * L, L)] = carry[1 + NJ + j]
        return (jnp.int32(0),) + (zero16,) * NJ + (ninf16,) * NJ

    def process_chunk(i, buf, carry):
        cc = chunk_base(i)
        lo = (s + i * R) - cc

        def row_body(k, carry):
            ps = carry[0]
            sr = seg_of(cc + k)

            def do_flush(c):
                out = flush(c)
                return (sr,) + out[1:]

            def keep(c):
                return (sr,) + c[1:]

            carry = lax.cond(sr != ps, do_flush, keep, carry)
            sums = list(carry[1:1 + NJ])
            maxs = list(carry[1 + NJ:1 + 2 * NJ])
            dot = zero16
            for j in range(NJ):
                v = buf[k, pl.ds(j * L, L)]
                dot = dot + v * wabuf[pl.ds(j * L, L)]
                maxs[j] = jnp.maximum(maxs[j], v)
            tv = jnp.full((L,), jnp.sum(dot)) + bav
            wv = 1.0 / (1.0 + jnp.exp(-tv))
            for j in range(NJ):
                v = buf[k, pl.ds(j * L, L)]
                sums[j] = sums[j] + v * wv
            return (sr,) + tuple(sums) + tuple(maxs)

        return lax.fori_loop(lo, R, row_body, carry)

    carry0 = (seg_of(s),) + (zero16,) * NJ + (ninf16,) * NJ

    start_copy(0, buf0, sem0)

    def g_body(g, carry):
        start_copy(2 * g + 1, buf1, sem1)
        wait_copy(buf0, sem0)
        carry = process_chunk(2 * g, buf0, carry)
        start_copy(2 * g + 2, buf0, sem0)
        wait_copy(buf1, sem1)
        carry = process_chunk(2 * g + 1, buf1, carry)
        return carry

    carry = lax.fori_loop(0, NPAIR, g_body, carry0)
    wait_copy(buf0, sem0)
    carry = process_chunk(NCH - 1, buf0, carry)
    flush(carry)

    pltpu.sync_copy(accsum, psum_h.at[pl.ds(wid * (B * F), B * F)])
    pltpu.sync_copy(accmax, pmax_h.at[pl.ds(wid * (B * F), B * F)])


_sc_pool = functools.partial(
    pl.kernel,
    mesh=plsc.VectorSubcoreMesh(core_axis_name="c", subcore_axis_name="s"),
    out_type=(
        jax.ShapeDtypeStruct((NW * B * F,), jnp.float32),
        jax.ShapeDtypeStruct((NW * B * F,), jnp.float32),
    ),
    scratch_types=[
        pltpu.VMEM((R, F), jnp.float32),
        pltpu.VMEM((R, F), jnp.float32),
        pltpu.VMEM((SEGBUF,), jnp.int32),
        pltpu.VMEM((F + L,), jnp.float32),
        pltpu.VMEM((B * F,), jnp.float32),
        pltpu.VMEM((B * F,), jnp.float32),
        pltpu.SemaphoreType.DMA,
        pltpu.SemaphoreType.DMA,
    ],
    compiler_params=pltpu.CompilerParams(needs_layout_passes=False),
)(_sc_body)


def _tc_body(psum_ref, pmax_ref, wl_ref, bl_ref, out_ref):
    hs = jnp.sum(psum_ref[...], axis=0)
    hm = jnp.max(pmax_ref[...], axis=0)
    acc = jnp.dot(hs, wl_ref[0:F, :], preferred_element_type=jnp.float32)
    acc = acc + jnp.dot(hm, wl_ref[F:2 * F, :], preferred_element_type=jnp.float32)
    out_ref[...] = acc + bl_ref[...]


_tc_finish = pl.pallas_call(
    _tc_body,
    out_shape=jax.ShapeDtypeStruct((B, OUT), jnp.float32),
)


def kernel(feat, segment_ids, Wa, ba, Wl, bl):
    seg32 = segment_ids.astype(jnp.int32)
    wa_ext = jnp.concatenate(
        [Wa.reshape(F), jnp.full((L,), ba[0])]).astype(jnp.float32)
    psum, pmax = _sc_pool(feat, seg32, wa_ext)
    return _tc_finish(psum.reshape(NW, B, F), pmax.reshape(NW, B, F),
                      Wl, bl.reshape(1, OUT))

# --- scband reference (transcript-rebuilt; emitter-appended) ---
"""Pipeline reference for scband-weighted-sum-and-max-transform-52175262712465 (READ-ONLY COPY).

The authoritative reference and input builder live on the scoring server;
editing this copy changes nothing except your own understanding.
"""

import jax, jax.numpy as jnp
import numpy as np

N = 50000
F = 256
B = 128
OUT = 256

def setup_inputs(seed: int = 0) -> dict:
    key = jax.random.key(seed)
    ks = jax.random.split(key, 6)
    feat = jax.random.normal(ks[0], (N, F), dtype=jnp.float32)
    segment_ids = jnp.sort(jax.random.randint(ks[1], (N,), 0, B, dtype=jnp.int64))
    # atom_weighting: nn.Linear(gnn_out_feats, 1)
    Wa = jax.random.normal(ks[2], (F, 1), dtype=jnp.float32) * 0.05
    ba = jnp.zeros((1,), dtype=jnp.float32)
    # final transform: nn.Linear(gnn_out_feats * 2, output_feats)
    Wl = jax.random.normal(ks[3], (2 * F, OUT), dtype=jnp.float32) * 0.05
    bl = jnp.zeros((OUT,), dtype=jnp.float32)
    return {"feat": feat, "segment_ids": segment_ids, "Wa": Wa, "ba": ba, "Wl": Wl, "bl": bl}

def reference(feat, segment_ids, Wa, ba, Wl, bl):
    # WeightedSumAndMax: per-node gate = sigmoid(Linear(feat)); weighted sum pool + max pool per graph
    w = jax.nn.sigmoid(feat @ Wa + ba)                      # [N, 1]
    h_sum = jax.ops.segment_sum(feat * w, segment_ids, num_segments=B)   # [B, F]
    h_max = jax.ops.segment_max(feat, segment_ids, num_segments=B)      # [B, F]
    h = jnp.concatenate([h_sum, h_max], axis=-1)            # [B, 2F]
    # final linear transform
    return h @ Wl + bl                                      # [B, OUT]

if __name__ == "__main__":
    import jax
    _d = setup_inputs()
    print(jax.jit(kernel)(*tuple(_d.values())))

</pallas_src>

<mosaic_0001>
#map = affine_map<(d0, d1) -> (0, 0)>
#map1 = affine_map<(d0, d1) -> (0)>
module attributes {stable_mosaic.version = 14 : i64} {
  func.func @_sc_body(%arg0: i32, %arg1: i32, %arg2: memref<50000x256xf32, #tpu.memory_space<hbm>>, %arg3: memref<50000xi32, #tpu.memory_space<hbm>>, %arg4: memref<272xf32, #tpu.memory_space<hbm>>, %arg5: memref<1048576xf32, #tpu.memory_space<hbm>>, %arg6: memref<1048576xf32, #tpu.memory_space<hbm>>, %arg7: memref<64x256xf32, #tpu.memory_space<vmem>>, %arg8: memref<64x256xf32, #tpu.memory_space<vmem>>, %arg9: memref<1640xi32, #tpu.memory_space<vmem>>, %arg10: memref<272xf32, #tpu.memory_space<vmem>>, %arg11: memref<32768xf32, #tpu.memory_space<vmem>>, %arg12: memref<32768xf32, #tpu.memory_space<vmem>>, %arg13: memref<!tpu.dma_semaphore, #tpu.memory_space<semaphore_mem>>, %arg14: memref<!tpu.dma_semaphore, #tpu.memory_space<semaphore_mem>>) attributes {dimension_semantics = [#tpu.dimension_semantics<core_parallel>, #tpu.dimension_semantics<subcore_parallel>], iteration_bounds = array<i64: 2, 16>, scalar_prefetch = 0 : i64, scratch_operands = 8 : i64, tpu.core_type = #tpu.core_type<sc_vector_subcore>, window_params = [{transform_indices = #map}, {transform_indices = #map1}, {transform_indices = #map1}, {transform_indices = #map1}, {transform_indices = #map1}]} {
    %mul3A = arith.constant 2 : i32
    %mul3A_0 = arith.muli %arg1, %mul3A : i32
    %add3A = arith.addi %mul3A_0, %arg0 : i32
    %mul3A_1 = arith.constant 195 : i32
    %mul3A_2 = arith.muli %add3A, %mul3A_1 : i32
    %min3A = arith.constant 10 : i32
    %min3A_3 = arith.minsi %add3A, %min3A : i32
    %add3A_4 = arith.addi %mul3A_2, %min3A_3 : i32
    %mul3A_5 = arith.constant 8 : i32
    %mul3A_6 = arith.muli %mul3A_5, %add3A_4 : i32
    %lt3A = arith.constant 10 : i32
    %lt3A_7 = arith.cmpi slt, %add3A, %lt3A : i32
    %convert_element_type3A = arith.extui %lt3A_7 : i1 to i32
    %add3A_8 = arith.constant 195 : i32
    %add3A_9 = arith.addi %add3A_8, %convert_element_type3A : i32
    %mul3A_10 = arith.constant 8 : i32
    %mul3A_11 = arith.muli %mul3A_10, %add3A_9 : i32
    %add3A_12 = arith.addi %mul3A_6, %mul3A_11 : i32
    %jit3A = arith.constant 8 : i32
    %div3A = arith.divsi %mul3A_6, %jit3A : i32
    %sign3A = arith.constant 0 : i32
    %sign3A_13 = arith.cmpi sgt, %mul3A_6, %sign3A : i32
    %sign3A_14 = arith.extui %sign3A_13 : i1 to i32
    %sign3A_15 = arith.constant 0 : i32
    %sign3A_16 = arith.cmpi slt, %mul3A_6, %sign3A_15 : i32
    %sign3A_17 = arith.extui %sign3A_16 : i1 to i32
    %sign3A_18 = arith.subi %sign3A_14, %sign3A_17 : i32
    %sign3A_19 = arith.constant 0 : i32
    %sign3A_20 = arith.cmpi sgt, %jit3A, %sign3A_19 : i32
    %sign3A_21 = arith.extui %sign3A_20 : i1 to i32
    %sign3A_22 = arith.constant 0 : i32
    %sign3A_23 = arith.cmpi slt, %jit3A, %sign3A_22 : i32
    %sign3A_24 = arith.extui %sign3A_23 : i1 to i32
    %sign3A_25 = arith.subi %sign3A_21, %sign3A_24 : i32
    %ne3A = arith.cmpi ne, %sign3A_18, %sign3A_25 : i32
    %rem3A = arith.remsi %mul3A_6, %jit3A : i32
    %ne3A_26 = arith.constant 0 : i32
    %ne3A_27 = arith.cmpi ne, %rem3A, %ne3A_26 : i32
    %and3A = arith.andi %ne3A, %ne3A_27 : i1
    %sub3A = arith.constant 1 : i32
    %sub3A_28 = arith.subi %div3A, %sub3A : i32
    %select_n3A = arith.select %and3A, %sub3A_28, %div3A : i32
    %mul3A_29 = arith.constant 8 : i32
    %mul3A_30 = arith.muli %select_n3A, %mul3A_29 : i32
    %min3A_31 = arith.constant 48376 : i32
    %min3A_32 = arith.minsi %mul3A_30, %min3A_31 : i32
    "tpu.region"() ({
      %run_scoped3A = tpu.sem_alloc : memref<!tpu.dma_semaphore, #tpu.memory_space<semaphore_mem>>
      tpu.enqueue_dma source(%arg4 : memref<272xf32, #tpu.memory_space<hbm>>) target(%arg10 : memref<272xf32, #tpu.memory_space<vmem>>) target_semaphore(%run_scoped3A : memref<!tpu.dma_semaphore, #tpu.memory_space<semaphore_mem>>)
      tpu.wait_dma2 semaphore(%run_scoped3A : memref<!tpu.dma_semaphore, #tpu.memory_space<semaphore_mem>>) src(%arg4 : memref<272xf32, #tpu.memory_space<hbm>>) dst(%arg10 : memref<272xf32, #tpu.memory_space<vmem>>)
      tpu.yield
    }) : () -> ()
    "tpu.region"() ({
      %run_scoped3A = tpu.sem_alloc : memref<!tpu.dma_semaphore, #tpu.memory_space<semaphore_mem>>
      %dma_start3A_216 = arith.constant 0 : i32
      %dma_start3A_217 = tpu.memref_slice %arg9[%dma_start3A_216] : memref<1640xi32, #tpu.memory_space<vmem>> -> memref<1624xi32, #tpu.memory_space<vmem>>
      %dma_start3A_218 = tpu.memref_slice %arg3[%min3A_32] : memref<50000xi32, #tpu.memory_space<hbm>> -> memref<1624xi32, #tpu.memory_space<hbm>>
      %dma_start3A_219 = arith.constant 0 : i32
      %dma_start3A_220 = tpu.memref_slice %arg9[%dma_start3A_219] : memref<1640xi32, #tpu.memory_space<vmem>> -> memref<1624xi32, #tpu.memory_space<vmem>>
      %dma_start3A_221 = tpu.memref_slice %arg3[%min3A_32] : memref<50000xi32, #tpu.memory_space<hbm>> -> memref<1624xi32, #tpu.memory_space<hbm>>
      tpu.enqueue_dma source(%dma_start3A_221 : memref<1624xi32, #tpu.memory_space<hbm>>) target(%dma_start3A_220 : memref<1624xi32, #tpu.memory_space<vmem>>) target_semaphore(%run_scoped3A : memref<!tpu.dma_semaphore, #tpu.memory_space<semaphore_mem>>)
      %dma_wait3A_222 = arith.constant 0 : i32
      %dma_wait3A_223 = tpu.memref_slice %arg9[%dma_wait3A_222] : memref<1640xi32, #tpu.memory_space<vmem>> -> memref<1624xi32, #tpu.memory_space<vmem>>
      %dma_wait3A_224 = tpu.memref_slice %arg3[%min3A_32] : memref<50000xi32, #tpu.memory_space<hbm>> -> memref<1624xi32, #tpu.memory_space<hbm>>
      %dma_wait3A_225 = arith.constant 0 : i32
      %dma_wait3A_226 = tpu.memref_slice %arg9[%dma_wait3A_225] : memref<1640xi32, #tpu.memory_space<vmem>> -> memref<1624xi32, #tpu.memory_space<vmem>>
      %dma_wait3A_227 = tpu.memref_slice %arg3[%min3A_32] : memref<50000xi32, #tpu.memory_space<hbm>> -> memref<1624xi32, #tpu.memory_space<hbm>>
      tpu.wait_dma2 semaphore(%run_scoped3A : memref<!tpu.dma_semaphore, #tpu.memory_space<semaphore_mem>>) src(%dma_wait3A_227 : memref<1624xi32, #tpu.memory_space<hbm>>) dst(%dma_wait3A_226 : memref<1624xi32, #tpu.memory_space<vmem>>)
      tpu.yield
    }) : () -> ()
    %broadcast_in_dim3A = arith.constant 0.000000e+00 : f32
    %broadcast_in_dim3A_33 = vector.broadcast %broadcast_in_dim3A : f32 to vector<16xf32>
    %broadcast_in_dim3A_34 = arith.constant 0xFF800000 : f32
    %broadcast_in_dim3A_35 = vector.broadcast %broadcast_in_dim3A_34 : f32 to vector<16xf32>
    %get3A = arith.constant 256 : index
    %get3A_36 = tpu.vector_load %arg10[%get3A] {strides = array<i32>} : memref<272xf32, #tpu.memory_space<vmem>>, vector<16xf32>,
    %scan3A = arith.constant 0 : i32
    %scan3A_37 = arith.constant 0 : i32
    %scan3A_38 = arith.constant 2048 : i32
    %scan3A_39 = arith.addi %scan3A_37, %scan3A_38 : i32
    %scan3A_40 = arith.constant 1 : i32
    %scan3A_41 = scf.for %scan3A_216 = %scan3A_37 to %scan3A_39 step %scan3A_40 iter_args(%scan3A_217 = %scan3A) -> (i32)  : i32 {
      %mul3A_218 = arith.constant 16 : i32
      %mul3A_219 = arith.muli %scan3A_216, %mul3A_218 : i32
      %swap3A_220 = arith.index_cast %mul3A_219 : i32 to index
      %swap3A_221 = tpu.vector_load %arg11[%swap3A_220] {strides = array<i32>} : memref<32768xf32, #tpu.memory_space<vmem>>, vector<16xf32>,
      tpu.vector_store %arg11[%swap3A_220], %broadcast_in_dim3A_33 {strides = array<i32>} : memref<32768xf32, #tpu.memory_space<vmem>>, vector<16xf32>,
      %mul3A_222 = arith.constant 16 : i32
      %mul3A_223 = arith.muli %scan3A_216, %mul3A_222 : i32
      %swap3A_224 = arith.index_cast %mul3A_223 : i32 to index
      %swap3A_225 = tpu.vector_load %arg12[%swap3A_224] {strides = array<i32>} : memref<32768xf32, #tpu.memory_space<vmem>>, vector<16xf32>,
      tpu.vector_store %arg12[%swap3A_224], %broadcast_in_dim3A_35 {strides = array<i32>} : memref<32768xf32, #tpu.memory_space<vmem>>, vector<16xf32>,
      %scan3A_226 = arith.constant 0 : i32
      scf.yield %scan3A_226 : i32
    }
    %scan3A_42 = arith.constant 2048 : i32
    %sub3A_43 = arith.subi %mul3A_6, %min3A_32 : i32
    %get3A_44 = arith.index_cast %sub3A_43 : i32 to index
    %get3A_45 = tpu.vector_load %arg9[%get3A_44] {strides = array<i32>} : memref<1640xi32, #tpu.memory_space<vmem>>, vector<16xi32>,
    %slice3A = vector.extract_strided_slice %get3A_45 {offsets = [0], sizes = [1], strides = [1]} : vector<16xi32> to vector<1xi32>
    %squeeze3A = vector.extract %slice3A[0] : i32 from vector<1xi32>
    %add3A_46 = arith.constant 0 : i32
    %add3A_47 = arith.addi %mul3A_6, %add3A_46 : i32
    %sub3A_48 = arith.constant 64 : i32
    %sub3A_49 = arith.subi %add3A_12, %sub3A_48 : i32
    %min3A_50 = arith.minsi %add3A_47, %sub3A_49 : i32
    %dma_start3A = arith.constant 0 : i32
    %dma_start3A_51 = tpu.memref_slice %arg2[%min3A_50, %dma_start3A] : memref<50000x256xf32, #tpu.memory_space<hbm>> -> memref<64x256xf32, #tpu.memory_space<hbm>>
    %dma_start3A_52 = arith.constant 0 : i32
    %dma_start3A_53 = tpu.memref_slice %arg2[%min3A_50, %dma_start3A_52] : memref<50000x256xf32, #tpu.memory_space<hbm>> -> memref<64x256xf32, #tpu.memory_space<hbm>>
    tpu.enqueue_dma source(%dma_start3A_53 : memref<64x256xf32, #tpu.memory_space<hbm>>) target(%arg7 : memref<64x256xf32, #tpu.memory_space<vmem>>) target_semaphore(%arg13 : memref<!tpu.dma_semaphore, #tpu.memory_space<semaphore_mem>>)
    %scan3A_54 = arith.constant 0 : i32
    %scan3A_55 = arith.constant 12 : i32
    %scan3A_56 = arith.addi %scan3A_54, %scan3A_55 : i32
    %scan3A_57 = arith.constant 1 : i32
    %scan3A_58:33 = scf.for %scan3A_216 = %scan3A_54 to %scan3A_56 step %scan3A_57 iter_args(%scan3A_217 = %squeeze3A, %scan3A_218 = %broadcast_in_dim3A_33, %scan3A_219 = %broadcast_in_dim3A_33, %scan3A_220 = %broadcast_in_dim3A_33, %scan3A_221 = %broadcast_in_dim3A_33, %scan3A_222 = %broadcast_in_dim3A_33, %scan3A_223 = %broadcast_in_dim3A_33, %scan3A_224 = %broadcast_in_dim3A_33, %scan3A_225 = %broadcast_in_dim3A_33, %scan3A_226 = %broadcast_in_dim3A_33, %scan3A_227 = %broadcast_in_dim3A_33, %scan3A_228 = %broadcast_in_dim3A_33, %scan3A_229 = %broadcast_in_dim3A_33, %scan3A_230 = %broadcast_in_dim3A_33, %scan3A_231 = %broadcast_in_dim3A_33, %scan3A_232 = %broadcast_in_dim3A_33, %scan3A_233 = %broadcast_in_dim3A_33, %scan3A_234 = %broadcast_in_dim3A_35, %scan3A_235 = %broadcast_in_dim3A_35, %scan3A_236 = %broadcast_in_dim3A_35, %scan3A_237 = %broadcast_in_dim3A_35, %scan3A_238 = %broadcast_in_dim3A_35, %scan3A_239 = %broadcast_in_dim3A_35, %scan3A_240 = %broadcast_in_dim3A_35, %scan3A_241 = %broadcast_in_dim3A_35, %scan3A_242 = %broadcast_in_dim3A_35, %scan3A_243 = %broadcast_in_dim3A_35, %scan3A_244 = %broadcast_in_dim3A_35, %scan3A_245 = %broadcast_in_dim3A_35, %scan3A_246 = %broadcast_in_dim3A_35, %scan3A_247 = %broadcast_in_dim3A_35, %scan3A_248 = %broadcast_in_dim3A_35, %scan3A_249 = %broadcast_in_dim3A_35) -> (i32, vector<16xf32>, vector<16xf32>, vector<16xf32>, vector<16xf32>, vector<16xf32>, vector<16xf32>, vector<16xf32>, vector<16xf32>, vector<16xf32>, vector<16xf32>, vector<16xf32>, vector<16xf32>, vector<16xf32>, vector<16xf32>, vector<16xf32>, vector<16xf32>, vector<16xf32>, vector<16xf32>, vector<16xf32>, vector<16xf32>, vector<16xf32>, vector<16xf32>, vector<16xf32>, vector<16xf32>, vector<16xf32>, vector<16xf32>, vector<16xf32>, vector<16xf32>, vector<16xf32>, vector<16xf32>, vector<16xf32>, vector<16xf32>)  : i32 {
      %mul3A_250 = arith.constant 2 : i32
      %mul3A_251 = arith.muli %mul3A_250, %scan3A_216 : i32
      %add3A_252 = arith.constant 1 : i32
      %add3A_253 = arith.addi %mul3A_251, %add3A_252 : i32
      %mul3A_254 = arith.constant 64 : i32
      %mul3A_255 = arith.muli %add3A_253, %mul3A_254 : i32
      %add3A_256 = arith.addi %mul3A_6, %mul3A_255 : i32
      %sub3A_257 = arith.constant 64 : i32
      %sub3A_258 = arith.subi %add3A_12, %sub3A_257 : i32
      %min3A_259 = arith.minsi %add3A_256, %sub3A_258 : i32
      %dma_start3A_260 = arith.constant 0 : i32
      %dma_start3A_261 = tpu.memref_slice %arg2[%min3A_259, %dma_start3A_260] : memref<50000x256xf32, #tpu.memory_space<hbm>> -> memref<64x256xf32, #tpu.memory_space<hbm>>
      %dma_start3A_262 = arith.constant 0 : i32
      %dma_start3A_263 = tpu.memref_slice %arg2[%min3A_259, %dma_start3A_262] : memref<50000x256xf32, #tpu.memory_space<hbm>> -> memref<64x256xf32, #tpu.memory_space<hbm>>
      tpu.enqueue_dma source(%dma_start3A_263 : memref<64x256xf32, #tpu.memory_space<hbm>>) target(%arg8 : memref<64x256xf32, #tpu.memory_space<vmem>>) target_semaphore(%arg14 : memref<!tpu.dma_semaphore, #tpu.memory_space<semaphore_mem>>)
      %dma_wait3A_264 = arith.constant 0 : i32
      %dma_wait3A_265 = arith.constant 0 : i32
      %dma_wait3A_266 = tpu.memref_slice %arg2[%dma_wait3A_264, %dma_wait3A_265] : memref<50000x256xf32, #tpu.memory_space<hbm>> -> memref<64x256xf32, #tpu.memory_space<hbm>>
      %dma_wait3A_267 = arith.constant 0 : i32
      %dma_wait3A_268 = arith.constant 0 : i32
      %dma_wait3A_269 = tpu.memref_slice %arg2[%dma_wait3A_267, %dma_wait3A_268] : memref<50000x256xf32, #tpu.memory_space<hbm>> -> memref<64x256xf32, #tpu.memory_space<hbm>>
      tpu.wait_dma2 semaphore(%arg13 : memref<!tpu.dma_semaphore, #tpu.memory_space<semaphore_mem>>) src(%dma_wait3A_269 : memref<64x256xf32, #tpu.memory_space<hbm>>) dst(%arg7 : memref<64x256xf32, #tpu.memory_space<vmem>>)
      %mul3A_270 = arith.constant 2 : i32
      %mul3A_271 = arith.muli %mul3A_270, %scan3A_216 : i32
      %mul3A_272 = arith.constant 64 : i32
      %mul3A_273 = arith.muli %mul3A_271, %mul3A_272 : i32
      %add3A_274 = arith.addi %mul3A_6, %mul3A_273 : i32
      %sub3A_275 = arith.constant 64 : i32
      %sub3A_276 = arith.subi %add3A_12, %sub3A_275 : i32
      %min3A_277 = arith.minsi %add3A_274, %sub3A_276 : i32
      %mul3A_278 = arith.constant 64 : i32
      %mul3A_279 = arith.muli %mul3A_271, %mul3A_278 : i32
      %add3A_280 = arith.addi %mul3A_6, %mul3A_279 : i32
      %sub3A_281 = arith.subi %add3A_280, %min3A_277 : i32
      %while3A_282 = arith.constant 64 : i32
      %while3A_283 = arith.subi %while3A_282, %sub3A_281 : i32
      %while3A_284 = arith.addi %sub3A_281, %while3A_283 : i32
      %while3A_285 = arith.constant 1 : i32
      %while3A_286 = arith.divsi %while3A_283, %while3A_285 : i32
      %while3A_287 = arith.muli %while3A_286, %while3A_285 : i32
      %while3A_288 = arith.addi %sub3A_281, %while3A_287 : i32
      %while3A_289 = arith.constant 1 : i32
      %while3A_290:33 = scf.for %while3A_338 = %sub3A_281 to %while3A_288 step %while3A_289 iter_args(%while3A_339 = %scan3A_217, %while3A_340 = %scan3A_218, %while3A_341 = %scan3A_219, %while3A_342 = %scan3A_220, %while3A_343 = %scan3A_221, %while3A_344 = %scan3A_222, %while3A_345 = %scan3A_223, %while3A_346 = %scan3A_224, %while3A_347 = %scan3A_225, %while3A_348 = %scan3A_226, %while3A_349 = %scan3A_227, %while3A_350 = %scan3A_228, %while3A_351 = %scan3A_229, %while3A_352 = %scan3A_230, %while3A_353 = %scan3A_231, %while3A_354 = %scan3A_232, %while3A_355 = %scan3A_233, %while3A_356 = %scan3A_234, %while3A_357 = %scan3A_235, %while3A_358 = %scan3A_236, %while3A_359 = %scan3A_237, %while3A_360 = %scan3A_238, %while3A_361 = %scan3A_239, %while3A_362 = %scan3A_240, %while3A_363 = %scan3A_241, %while3A_364 = %scan3A_242, %while3A_365 = %scan3A_243, %while3A_366 = %scan3A_244, %while3A_367 = %scan3A_245, %while3A_368 = %scan3A_246, %while3A_369 = %scan3A_247, %while3A_370 = %scan3A_248, %while3A_371 = %scan3A_249) -> (i32, vector<16xf32>, vector<16xf32>, vector<16xf32>, vector<16xf32>, vector<16xf32>, vector<16xf32>, vector<16xf32>, vector<16xf32>, vector<16xf32>, vector<16xf32>, vector<16xf32>, vector<16xf32>, vector<16xf32>, vector<16xf32>, vector<16xf32>, vector<16xf32>, vector<16xf32>, vector<16xf32>, vector<16xf32>, vector<16xf32>, vector<16xf32>, vector<16xf32>, vector<16xf32>, vector<16xf32>, vector<16xf32>, vector<16xf32>, vector<16xf32>, vector<16xf32>, vector<16xf32>, vector<16xf32>, vector<16xf32>, vector<16xf32>)  : i32 {
        %add3A_372 = arith.addi %min3A_277, %while3A_338 : i32
        %sub3A_373 = arith.subi %add3A_372, %min3A_32 : i32
        %get3A_374 = arith.index_cast %sub3A_373 : i32 to index
        %get3A_375 = tpu.vector_load %arg9[%get3A_374] {strides = array<i32>} : memref<1640xi32, #tpu.memory_space<vmem>>, vector<16xi32>,
        %slice3A_376 = vector.extract_strided_slice %get3A_375 {offsets = [0], sizes = [1], strides = [1]} : vector<16xi32> to vector<1xi32>
        %squeeze3A_377 = vector.extract %slice3A_376[0] : i32 from vector<1xi32>
        %ne3A_378 = arith.cmpi ne, %squeeze3A_377, %while3A_339 : i32
        %convert_element_type3A_379 = arith.extui %ne3A_378 : i1 to i32
        %cond3A = arith.constant 0 : i32
        %cond3A_380 = arith.cmpi ne, %convert_element_type3A_379, %cond3A : i32
        %cond3A_381:32 = scf.if %cond3A_380 -> (vector<16xf32>, vector<16xf32>, vector<16xf32>, vector<16xf32>, vector<16xf32>, vector<16xf32>, vector<16xf32>, vector<16xf32>, vector<16xf32>, vector<16xf32>, vector<16xf32>, vector<16xf32>, vector<16xf32>, vector<16xf32>, vector<16xf32>, vector<16xf32>, vector<16xf32>, vector<16xf32>, vector<16xf32>, vector<16xf32>, vector<16xf32>, vector<16xf32>, vector<16xf32>, vector<16xf32>, vector<16xf32>, vector<16xf32>, vector<16xf32>, vector<16xf32>, vector<16xf32>, vector<16xf32>, vector<16xf32>, vector<16xf32>) {
          %mul3A_602 = arith.constant 256 : i32
          %mul3A_603 = arith.muli %while3A_339, %mul3A_602 : i32
          %add3A_604 = arith.constant 0 : i32
          %add3A_605 = arith.addi %mul3A_603, %add3A_604 : i32
          %swap3A_606 = arith.index_cast %add3A_605 : i32 to index
          %swap3A_607 = tpu.vector_load %arg11[%swap3A_606] {strides = array<i32>} : memref<32768xf32, #tpu.memory_space<vmem>>, vector<16xf32>,
          tpu.vector_store %arg11[%swap3A_606], %while3A_340 {strides = array<i32>} : memref<32768xf32, #tpu.memory_space<vmem>>, vector<16xf32>,
          %add3A_608 = arith.constant 0 : i32
          %add3A_609 = arith.addi %mul3A_603, %add3A_608 : i32
          %swap3A_610 = arith.index_cast %add3A_609 : i32 to index
          %swap3A_611 = tpu.vector_load %arg12[%swap3A_610] {strides = array<i32>} : memref<32768xf32, #tpu.memory_space<vmem>>, vector<16xf32>,
          tpu.vector_store %arg12[%swap3A_610], %while3A_356 {strides = array<i32>} : memref<32768xf32, #tpu.memory_space<vmem>>, vector<16xf32>,
          %add3A_612 = arith.constant 16 : i32
          %add3A_613 = arith.addi %mul3A_603, %add3A_612 : i32
          %swap3A_614 = arith.index_cast %add3A_613 : i32 to index
          %swap3A_615 = tpu.vector_load %arg11[%swap3A_614] {strides = array<i32>} : memref<32768xf32, #tpu.memory_space<vmem>>, vector<16xf32>,
          tpu.vector_store %arg11[%swap3A_614], %while3A_341 {strides = array<i32>} : memref<32768xf32, #tpu.memory_space<vmem>>, vector<16xf32>,
          %add3A_616 = arith.constant 16 : i32
          %add3A_617 = arith.addi %mul3A_603, %add3A_616 : i32
          %swap3A_618 = arith.index_cast %add3A_617 : i32 to index
          %swap3A_619 = tpu.vector_load %arg12[%swap3A_618] {strides = array<i32>} : memref<32768xf32, #tpu.memory_space<vmem>>, vector<16xf32>,
          tpu.vector_store %arg12[%swap3A_618], %while3A_357 {strides = array<i32>} : memref<32768xf32, #tpu.memory_space<vmem>>, vector<16xf32>,
          %add3A_620 = arith.constant 32 : i32
          %add3A_621 = arith.addi %mul3A_603, %add3A_620 : i32
          %swap3A_622 = arith.index_cast %add3A_621 : i32 to index
          %swap3A_623 = tpu.vector_load %arg11[%swap3A_622] {strides = array<i32>} : memref<32768xf32, #tpu.memory_space<vmem>>, vector<16xf32>,
          tpu.vector_store %arg11[%swap3A_622], %while3A_342 {strides = array<i32>} : memref<32768xf32, #tpu.memory_space<vmem>>, vector<16xf32>,
          %add3A_624 = arith.constant 32 : i32
          %add3A_625 = arith.addi %mul3A_603, %add3A_624 : i32
          %swap3A_626 = arith.index_cast %add3A_625 : i32 to index
          %swap3A_627 = tpu.vector_load %arg12[%swap3A_626] {strides = array<i32>} : memref<32768xf32, #tpu.memory_space<vmem>>, vector<16xf32>,
          tpu.vector_store %arg12[%swap3A_626], %while3A_358 {strides = array<i32>} : memref<32768xf32, #tpu.memory_space<vmem>>, vector<16xf32>,
          %add3A_628 = arith.constant 48 : i32
          %add3A_629 = arith.addi %mul3A_603, %add3A_628 : i32
          %swap3A_630 = arith.index_cast %add3A_629 : i32 to index
          %swap3A_631 = tpu.vector_load %arg11[%swap3A_630] {strides = array<i32>} : memref<32768xf32, #tpu.memory_space<vmem>>, vector<16xf32>,
          tpu.vector_store %arg11[%swap3A_630], %while3A_343 {strides = array<i32>} : memref<32768xf32, #tpu.memory_space<vmem>>, vector<16xf32>,
          %add3A_632 = arith.constant 48 : i32
          %add3A_633 = arith.addi %mul3A_603, %add3A_632 : i32
          %swap3A_634 = arith.index_cast %add3A_633 : i32 to index
          %swap3A_635 = tpu.vector_load %arg12[%swap3A_634] {strides = array<i32>} : memref<32768xf32, #tpu.memory_space<vmem>>, vector<16xf32>,
          tpu.vector_store %arg12[%swap3A_634], %while3A_359 {strides = array<i32>} : memref<32768xf32, #tpu.memory_space<vmem>>, vector<16xf32>,
          %add3A_636 = arith.constant 64 : i32
          %add3A_637 = arith.addi %mul3A_603, %add3A_636 : i32
          %swap3A_638 = arith.index_cast %add3A_637 : i32 to index
          %swap3A_639 = tpu.vector_load %arg11[%swap3A_638] {strides = array<i32>} : memref<32768xf32, #tpu.memory_space<vmem>>, vector<16xf32>,
          tpu.vector_store %arg11[%swap3A_638], %while3A_344 {strides = array<i32>} : memref<32768xf32, #tpu.memory_space<vmem>>, vector<16xf32>,
          %add3A_640 = arith.constant 64 : i32
          %add3A_641 = arith.addi %mul3A_603, %add3A_640 : i32
          %swap3A_642 = arith.index_cast %add3A_641 : i32 to index
          %swap3A_643 = tpu.vector_load %arg12[%swap3A_642] {strides = array<i32>} : memref<32768xf32, #tpu.memory_space<vmem>>, vector<16xf32>,
          tpu.vector_store %arg12[%swap3A_642], %while3A_360 {strides = array<i32>} : memref<32768xf32, #tpu.memory_space<vmem>>, vector<16xf32>,
          %add3A_644 = arith.constant 80 : i32
          %add3A_645 = arith.addi %mul3A_603, %add3A_644 : i32
          %swap3A_646 = arith.index_cast %add3A_645 : i32 to index
          %swap3A_647 = tpu.vector_load %arg11[%swap3A_646] {strides = array<i32>} : memref<32768xf32, #tpu.memory_space<vmem>>, vector<16xf32>,
          tpu.vector_store %arg11[%swap3A_646], %while3A_345 {strides = array<i32>} : memref<32768xf32, #tpu.memory_space<vmem>>, vector<16xf32>,
          %add3A_648 = arith.constant 80 : i32
          %add3A_649 = arith.addi %mul3A_603, %add3A_648 : i32
          %swap3A_650 = arith.index_cast %add3A_649 : i32 to index
          %swap3A_651 = tpu.vector_load %arg12[%swap3A_650] {strides = array<i32>} : memref<32768xf32, #tpu.memory_space<vmem>>, vector<16xf32>,
          tpu.vector_store %arg12[%swap3A_650], %while3A_361 {strides = array<i32>} : memref<32768xf32, #tpu.memory_space<vmem>>, vector<16xf32>,
          %add3A_652 = arith.constant 96 : i32
          %add3A_653 = arith.addi %mul3A_603, %add3A_652 : i32
          %swap3A_654 = arith.index_cast %add3A_653 : i32 to index
          %swap3A_655 = tpu.vector_load %arg11[%swap3A_654] {strides = array<i32>} : memref<32768xf32, #tpu.memory_space<vmem>>, vector<16xf32>,
          tpu.vector_store %arg11[%swap3A_654], %while3A_346 {strides = array<i32>} : memref<32768xf32, #tpu.memory_space<vmem>>, vector<16xf32>,
          %add3A_656 = arith.constant 96 : i32
          %add3A_657 = arith.addi %mul3A_603, %add3A_656 : i32
          %swap3A_658 = arith.index_cast %add3A_657 : i32 to index
          %swap3A_659 = tpu.vector_load %arg12[%swap3A_658] {strides = array<i32>} : memref<32768xf32, #tpu.memory_space<vmem>>, vector<16xf32>,
          tpu.vector_store %arg12[%swap3A_658], %while3A_362 {strides = array<i32>} : memref<32768xf32, #tpu.memory_space<vmem>>, vector<16xf32>,
          %add3A_660 = arith.constant 112 : i32
          %add3A_661 = arith.addi %mul3A_603, %add3A_660 : i32
          %swap3A_662 = arith.index_cast %add3A_661 : i32 to index
          %swap3A_663 = tpu.vector_load %arg11[%swap3A_662] {strides = array<i32>} : memref<32768xf32, #tpu.memory_space<vmem>>, vector<16xf32>,
          tpu.vector_store %arg11[%swap3A_662], %while3A_347 {strides = array<i32>} : memref<32768xf32, #tpu.memory_space<vmem>>, vector<16xf32>,
          %add3A_664 = arith.constant 112 : i32
          %add3A_665 = arith.addi %mul3A_603, %add3A_664 : i32
          %swap3A_666 = arith.index_cast %add3A_665 : i32 to index
          %swap3A_667 = tpu.vector_load %arg12[%swap3A_666] {strides = array<i32>} : memref<32768xf32, #tpu.memory_space<vmem>>, vector<16xf32>,
          tpu.vector_store %arg12[%swap3A_666], %while3A_363 {strides = array<i32>} : memref<32768xf32, #tpu.memory_space<vmem>>, vector<16xf32>,
          %add3A_668 = arith.constant 128 : i32
          %add3A_669 = arith.addi %mul3A_603, %add3A_668 : i32
          %swap3A_670 = arith.index_cast %add3A_669 : i32 to index
          %swap3A_671 = tpu.vector_load %arg11[%swap3A_670] {strides = array<i32>} : memref<32768xf32, #tpu.memory_space<vmem>>, vector<16xf32>,
          tpu.vector_store %arg11[%swap3A_670], %while3A_348 {strides = array<i32>} : memref<32768xf32, #tpu.memory_space<vmem>>, vector<16xf32>,
          %add3A_672 = arith.constant 128 : i32
          %add3A_673 = arith.addi %mul3A_603, %add3A_672 : i32
          %swap3A_674 = arith.index_cast %add3A_673 : i32 to index
          %swap3A_675 = tpu.vector_load %arg12[%swap3A_674] {strides = array<i32>} : memref<32768xf32, #tpu.memory_space<vmem>>, vector<16xf32>,
          tpu.vector_store %arg12[%swap3A_674], %while3A_364 {strides = array<i32>} : memref<32768xf32, #tpu.memory_space<vmem>>, vector<16xf32>,
          %add3A_676 = arith.constant 144 : i32
          %add3A_677 = arith.addi %mul3A_603, %add3A_676 : i32
          %swap3A_678 = arith.index_cast %add3A_677 : i32 to index
          %swap3A_679 = tpu.vector_load %arg11[%swap3A_678] {strides = array<i32>} : memref<32768xf32, #tpu.memory_space<vmem>>, vector<16xf32>,
          tpu.vector_store %arg11[%swap3A_678], %while3A_349 {strides = array<i32>} : memref<32768xf32, #tpu.memory_space<vmem>>, vector<16xf32>,
          %add3A_680 = arith.constant 144 : i32
          %add3A_681 = arith.addi %mul3A_603, %add3A_680 : i32
          %swap3A_682 = arith.index_cast %add3A_681 : i32 to index
          %swap3A_683 = tpu.vector_load %arg12[%swap3A_682] {strides = array<i32>} : memref<32768xf32, #tpu.memory_space<vmem>>, vector<16xf32>,
          tpu.vector_store %arg12[%swap3A_682], %while3A_365 {strides = array<i32>} : memref<32768xf32, #tpu.memory_space<vmem>>, vector<16xf32>,
          %add3A_684 = arith.constant 160 : i32
          %add3A_685 = arith.addi %mul3A_603, %add3A_684 : i32
          %swap3A_686 = arith.index_cast %add3A_685 : i32 to index
          %swap3A_687 = tpu.vector_load %arg11[%swap3A_686] {strides = array<i32>} : memref<32768xf32, #tpu.memory_space<vmem>>, vector<16xf32>,
          tpu.vector_store %arg11[%swap3A_686], %while3A_350 {strides = array<i32>} : memref<32768xf32, #tpu.memory_space<vmem>>, vector<16xf32>,
          %add3A_688 = arith.constant 160 : i32
          %add3A_689 = arith.addi %mul3A_603, %add3A_688 : i32
          %swap3A_690 = arith.index_cast %add3A_689 : i32 to index
          %swap3A_691 = tpu.vector_load %arg12[%swap3A_690] {strides = array<i32>} : memref<32768xf32, #tpu.memory_space<vmem>>, vector<16xf32>,
          tpu.vector_store %arg12[%swap3A_690], %while3A_366 {strides = array<i32>} : memref<32768xf32, #tpu.memory_space<vmem>>, vector<16xf32>,
          %add3A_692 = arith.constant 176 : i32
          %add3A_693 = arith.addi %mul3A_603, %add3A_692 : i32
          %swap3A_694 = arith.index_cast %add3A_693 : i32 to index
          %swap3A_695 = tpu.vector_load %arg11[%swap3A_694] {strides = array<i32>} : memref<32768xf32, #tpu.memory_space<vmem>>, vector<16xf32>,
          tpu.vector_store %arg11[%swap3A_694], %while3A_351 {strides = array<i32>} : memref<32768xf32, #tpu.memory_space<vmem>>, vector<16xf32>,
          %add3A_696 = arith.constant 176 : i32
          %add3A_697 = arith.addi %mul3A_603, %add3A_696 : i32
          %swap3A_698 = arith.index_cast %add3A_697 : i32 to index
          %swap3A_699 = tpu.vector_load %arg12[%swap3A_698] {strides = array<i32>} : memref<32768xf32, #tpu.memory_space<vmem>>, vector<16xf32>,
          tpu.vector_store %arg12[%swap3A_698], %while3A_367 {strides = array<i32>} : memref<32768xf32, #tpu.memory_space<vmem>>, vector<16xf32>,
          %add3A_700 = arith.constant 192 : i32
          %add3A_701 = arith.addi %mul3A_603, %add3A_700 : i32
          %swap3A_702 = arith.index_cast %add3A_701 : i32 to index
          %swap3A_703 = tpu.vector_load %arg11[%swap3A_702] {strides = array<i32>} : memref<32768xf32, #tpu.memory_space<vmem>>, vector<16xf32>,
          tpu.vector_store %arg11[%swap3A_702], %while3A_352 {strides = array<i32>} : memref<32768xf32, #tpu.memory_space<vmem>>, vector<16xf32>,
          %add3A_704 = arith.constant 192 : i32
          %add3A_705 = arith.addi %mul3A_603, %add3A_704 : i32
          %swap3A_706 = arith.index_cast %add3A_705 : i32 to index
          %swap3A_707 = tpu.vector_load %arg12[%swap3A_706] {strides = array<i32>} : memref<32768xf32, #tpu.memory_space<vmem>>, vector<16xf32>,
          tpu.vector_store %arg12[%swap3A_706], %while3A_368 {strides = array<i32>} : memref<32768xf32, #tpu.memory_space<vmem>>, vector<16xf32>,
          %add3A_708 = arith.constant 208 : i32
          %add3A_709 = arith.addi %mul3A_603, %add3A_708 : i32
          %swap3A_710 = arith.index_cast %add3A_709 : i32 to index
          %swap3A_711 = tpu.vector_load %arg11[%swap3A_710] {strides = array<i32>} : memref<32768xf32, #tpu.memory_space<vmem>>, vector<16xf32>,
          tpu.vector_store %arg11[%swap3A_710], %while3A_353 {strides = array<i32>} : memref<32768xf32, #tpu.memory_space<vmem>>, vector<16xf32>,
          %add3A_712 = arith.constant 208 : i32
          %add3A_713 = arith.addi %mul3A_603, %add3A_712 : i32
          %swap3A_714 = arith.index_cast %add3A_713 : i32 to index
          %swap3A_715 = tpu.vector_load %arg12[%swap3A_714] {strides = array<i32>} : memref<32768xf32, #tpu.memory_space<vmem>>, vector<16xf32>,
          tpu.vector_store %arg12[%swap3A_714], %while3A_369 {strides = array<i32>} : memref<32768xf32, #tpu.memory_space<vmem>>, vector<16xf32>,
          %add3A_716 = arith.constant 224 : i32
          %add3A_717 = arith.addi %mul3A_603, %add3A_716 : i32
          %swap3A_718 = arith.index_cast %add3A_717 : i32 to index
          %swap3A_719 = tpu.vector_load %arg11[%swap3A_718] {strides = array<i32>} : memref<32768xf32, #tpu.memory_space<vmem>>, vector<16xf32>,
          tpu.vector_store %arg11[%swap3A_718], %while3A_354 {strides = array<i32>} : memref<32768xf32, #tpu.memory_space<vmem>>, vector<16xf32>,
          %add3A_720 = arith.constant 224 : i32
          %add3A_721 = arith.addi %mul3A_603, %add3A_720 : i32
          %swap3A_722 = arith.index_cast %add3A_721 : i32 to index
          %swap3A_723 = tpu.vector_load %arg12[%swap3A_722] {strides = array<i32>} : memref<32768xf32, #tpu.memory_space<vmem>>, vector<16xf32>,
          tpu.vector_store %arg12[%swap3A_722], %while3A_370 {strides = array<i32>} : memref<32768xf32, #tpu.memory_space<vmem>>, vector<16xf32>,
          %add3A_724 = arith.constant 240 : i32
          %add3A_725 = arith.addi %mul3A_603, %add3A_724 : i32
          %swap3A_726 = arith.index_cast %add3A_725 : i32 to index
          %swap3A_727 = tpu.vector_load %arg11[%swap3A_726] {strides = array<i32>} : memref<32768xf32, #tpu.memory_space<vmem>>, vector<16xf32>,
          tpu.vector_store %arg11[%swap3A_726], %while3A_355 {strides = array<i32>} : memref<32768xf32, #tpu.memory_space<vmem>>, vector<16xf32>,
          %add3A_728 = arith.constant 240 : i32
          %add3A_729 = arith.addi %mul3A_603, %add3A_728 : i32
          %swap3A_730 = arith.index_cast %add3A_729 : i32 to index
          %swap3A_731 = tpu.vector_load %arg12[%swap3A_730] {strides = array<i32>} : memref<32768xf32, #tpu.memory_space<vmem>>, vector<16xf32>,
          tpu.vector_store %arg12[%swap3A_730], %while3A_371 {strides = array<i32>} : memref<32768xf32, #tpu.memory_space<vmem>>, vector<16xf32>,
          scf.yield %broadcast_in_dim3A_33, %broadcast_in_dim3A_33, %broadcast_in_dim3A_33, %broadcast_in_dim3A_33, %broadcast_in_dim3A_33, %broadcast_in_dim3A_33, %broadcast_in_dim3A_33, %broadcast_in_dim3A_33, %broadcast_in_dim3A_33, %broadcast_in_dim3A_33, %broadcast_in_dim3A_33, %broadcast_in_dim3A_33, %broadcast_in_dim3A_33, %broadcast_in_dim3A_33, %broadcast_in_dim3A_33, %broadcast_in_dim3A_33, %broadcast_in_dim3A_35, %broadcast_in_dim3A_35, %broadcast_in_dim3A_35, %broadcast_in_dim3A_35, %broadcast_in_dim3A_35, %broadcast_in_dim3A_35, %broadcast_in_dim3A_35, %broadcast_in_dim3A_35, %broadcast_in_dim3A_35, %broadcast_in_dim3A_35, %broadcast_in_dim3A_35, %broadcast_in_dim3A_35, %broadcast_in_dim3A_35, %broadcast_in_dim3A_35, %broadcast_in_dim3A_35, %broadcast_in_dim3A_35 : vector<16xf32>, vector<16xf32>, vector<16xf32>, vector<16xf32>, vector<16xf32>, vector<16xf32>, vector<16xf32>, vector<16xf32>, vector<16xf32>, vector<16xf32>, vector<16xf32>, vector<16xf32>, vector<16xf32>, vector<16xf32>, vector<16xf32>, vector<16xf32>, vector<16xf32>, vector<16xf32>, vector<16xf32>, vector<16xf32>, vector<16xf32>, vector<16xf32>, vector<16xf32>, vector<16xf32>, vector<16xf32>, vector<16xf32>, vector<16xf32>, vector<16xf32>, vector<16xf32>, vector<16xf32>, vector<16xf32>, vector<16xf32>
        } else {
          scf.yield %while3A_340, %while3A_341, %while3A_342, %while3A_343, %while3A_344, %while3A_345, %while3A_346, %while3A_347, %while3A_348, %while3A_349, %while3A_350, %while3A_351, %while3A_352, %while3A_353, %while3A_354, %while3A_355, %while3A_356, %while3A_357, %while3A_358, %while3A_359, %while3A_360, %while3A_361, %while3A_362, %while3A_363, %while3A_364, %while3A_365, %while3A_366, %while3A_367, %while3A_368, %while3A_369, %while3A_370, %while3A_371 : vector<16xf32>, vector<16xf32>, vector<16xf32>, vector<16xf32>, vector<16xf32>, vector<16xf32>, vector<16xf32>, vector<16xf32>, vector<16xf32>, vector<16xf32>, vector<16xf32>, vector<16xf32>, vector<16xf32>, vector<16xf32>, vector<16xf32>, vector<16xf32>, vector<16xf32>, vector<16xf32>, vector<16xf32>, vector<16xf32>, vector<16xf32>, vector<16xf32>, vector<16xf32>, vector<16xf32>, vector<16xf32>, vector<16xf32>, vector<16xf32>, vector<16xf32>, vector<16xf32>, vector<16xf32>, vector<16xf32>, vector<16xf32>
        }
        %get3A_382 = arith.index_cast %while3A_338 : i32 to index
        %get3A_383 = arith.constant 0 : index
        %get3A_384 = tpu.vector_load %arg7[%get3A_382, %get3A_383] {strides = array<i32>} : memref<64x256xf32, #tpu.memory_space<vmem>>, vector<16xf32>,
        %get3A_385 = arith.constant 0 : index
        %get3A_386 = tpu.vector_load %arg10[%get3A_385] {strides = array<i32>} : memref<272xf32, #tpu.memory_space<vmem>>, vector<16xf32>,
        %mul3A_387 = arith.mulf %get3A_384, %get3A_386 : vector<16xf32>
        %add3A_388 = arith.addf %broadcast_in_dim3A_33, %mul3A_387 : vector<16xf32>
        %max3A = arith.maximumf %cond3A_381#16, %get3A_384 : vector<16xf32>
        %get3A_389 = arith.index_cast %while3A_338 : i32 to index
        %get3A_390 = arith.constant 16 : index
        %get3A_391 = tpu.vector_load %arg7[%get3A_389, %get3A_390] {strides = array<i32>} : memref<64x256xf32, #tpu.memory_space<vmem>>, vector<16xf32>,
        %get3A_392 = arith.constant 16 : index
        %get3A_393 = tpu.vector_load %arg10[%get3A_392] {strides = array<i32>} : memref<272xf32, #tpu.memory_space<vmem>>, vector<16xf32>,
        %mul3A_394 = arith.mulf %get3A_391, %get3A_393 : vector<16xf32>
        %add3A_395 = arith.addf %add3A_388, %mul3A_394 : vector<16xf32>
        %max3A_396 = arith.maximumf %cond3A_381#17, %get3A_391 : vector<16xf32>
        %get3A_397 = arith.index_cast %while3A_338 : i32 to index
        %get3A_398 = arith.constant 32 : index
        %get3A_399 = tpu.vector_load %arg7[%get3A_397, %get3A_398] {strides = array<i32>} : memref<64x256xf32, #tpu.memory_space<vmem>>, vector<16xf32>,
        %get3A_400 = arith.constant 32 : index
        %get3A_401 = tpu.vector_load %arg10[%get3A_400] {strides = array<i32>} : memref<272xf32, #tpu.memory_space<vmem>>, vector<16xf32>,
        %mul3A_402 = arith.mulf %get3A_399, %get3A_401 : vector<16xf32>
        %add3A_403 = arith.addf %add3A_395, %mul3A_402 : vector<16xf32>
        %max3A_404 = arith.maximumf %cond3A_381#18, %get3A_399 : vector<16xf32>
        %get3A_405 = arith.index_cast %while3A_338 : i32 to index
        %get3A_406 = arith.constant 48 : index
        %get3A_407 = tpu.vector_load %arg7[%get3A_405, %get3A_406] {strides = array<i32>} : memref<64x256xf32, #tpu.memory_space<vmem>>, vector<16xf32>,
        %get3A_408 = arith.constant 48 : index
        %get3A_409 = tpu.vector_load %arg10[%get3A_408] {strides = array<i32>} : memref<272xf32, #tpu.memory_space<vmem>>, vector<16xf32>,
        %mul3A_410 = arith.mulf %get3A_407, %get3A_409 : vector<16xf32>
        %add3A_411 = arith.addf %add3A_403, %mul3A_410 : vector<16xf32>
        %max3A_412 = arith.maximumf %cond3A_381#19, %get3A_407 : vector<16xf32>
        %get3A_413 = arith.index_cast %while3A_338 : i32 to index
        %get3A_414 = arith.constant 64 : index
        %get3A_415 = tpu.vector_load %arg7[%get3A_413, %get3A_414] {strides = array<i32>} : memref<64x256xf32, #tpu.memory_space<vmem>>, vector<16xf32>,
        %get3A_416 = arith.constant 64 : index
        %get3A_417 = tpu.vector_load %arg10[%get3A_416] {strides = array<i32>} : memref<272xf32, #tpu.memory_space<vmem>>, vector<16xf32>,
        %mul3A_418 = arith.mulf %get3A_415, %get3A_417 : vector<16xf32>
        %add3A_419 = arith.addf %add3A_411, %mul3A_418 : vector<16xf32>
        %max3A_420 = arith.maximumf %cond3A_381#20, %get3A_415 : vector<16xf32>
        %get3A_421 = arith.index_cast %while3A_338 : i32 to index
        %get3A_422 = arith.constant 80 : index
        %get3A_423 = tpu.vector_load %arg7[%get3A_421, %get3A_422] {strides = array<i32>} : memref<64x256xf32, #tpu.memory_space<vmem>>, vector<16xf32>,
        %get3A_424 = arith.constant 80 : index
        %get3A_425 = tpu.vector_load %arg10[%get3A_424] {strides = array<i32>} : memref<272xf32, #tpu.memory_space<vmem>>, vector<16xf32>,
        %mul3A_426 = arith.mulf %get3A_423, %get3A_425 : vector<16xf32>
        %add3A_427 = arith.addf %add3A_419, %mul3A_426 : vector<16xf32>
        %max3A_428 = arith.maximumf %cond3A_381#21, %get3A_423 : vector<16xf32>
        %get3A_429 = arith.index_cast %while3A_338 : i32 to index
        %get3A_430 = arith.constant 96 : index
        %get3A_431 = tpu.vector_load %arg7[%get3A_429, %get3A_430] {strides = array<i32>} : memref<64x256xf32, #tpu.memory_space<vmem>>, vector<16xf32>,
        %get3A_432 = arith.constant 96 : index
        %get3A_433 = tpu.vector_load %arg10[%get3A_432] {strides = array<i32>} : memref<272xf32, #tpu.memory_space<vmem>>, vector<16xf32>,
        %mul3A_434 = arith.mulf %get3A_431, %get3A_433 : vector<16xf32>
        %add3A_435 = arith.addf %add3A_427, %mul3A_434 : vector<16xf32>
        %max3A_436 = arith.maximumf %cond3A_381#22, %get3A_431 : vector<16xf32>
        %get3A_437 = arith.index_cast %while3A_338 : i32 to index
        %get3A_438 = arith.constant 112 : index
        %get3A_439 = tpu.vector_load %arg7[%get3A_437, %get3A_438] {strides = array<i32>} : memref<64x256xf32, #tpu.memory_space<vmem>>, vector<16xf32>,
        %get3A_440 = arith.constant 112 : index
        %get3A_441 = tpu.vector_load %arg10[%get3A_440] {strides = array<i32>} : memref<272xf32, #tpu.memory_space<vmem>>, vector<16xf32>,
        %mul3A_442 = arith.mulf %get3A_439, %get3A_441 : vector<16xf32>
        %add3A_443 = arith.addf %add3A_435, %mul3A_442 : vector<16xf32>
        %max3A_444 = arith.maximumf %cond3A_381#23, %get3A_439 : vector<16xf32>
        %get3A_445 = arith.index_cast %while3A_338 : i32 to index
        %get3A_446 = arith.constant 128 : index
        %get3A_447 = tpu.vector_load %arg7[%get3A_445, %get3A_446] {strides = array<i32>} : memref<64x256xf32, #tpu.memory_space<vmem>>, vector<16xf32>,
        %get3A_448 = arith.constant 128 : index
        %get3A_449 = tpu.vector_load %arg10[%get3A_448] {strides = array<i32>} : memref<272xf32, #tpu.memory_space<vmem>>, vector<16xf32>,
        %mul3A_450 = arith.mulf %get3A_447, %get3A_449 : vector<16xf32>
        %add3A_451 = arith.addf %add3A_443, %mul3A_450 : vector<16xf32>
        %max3A_452 = arith.maximumf %cond3A_381#24, %get3A_447 : vector<16xf32>
        %get3A_453 = arith.index_cast %while3A_338 : i32 to index
        %get3A_454 = arith.constant 144 : index
        %get3A_455 = tpu.vector_load %arg7[%get3A_453, %get3A_454] {strides = array<i32>} : memref<64x256xf32, #tpu.memory_space<vmem>>, vector<16xf32>,
        %get3A_456 = arith.constant 144 : index
        %get3A_457 = tpu.vector_load %arg10[%get3A_456] {strides = array<i32>} : memref<272xf32, #tpu.memory_space<vmem>>, vector<16xf32>,
        %mul3A_458 = arith.mulf %get3A_455, %get3A_457 : vector<16xf32>
        %add3A_459 = arith.addf %add3A_451, %mul3A_458 : vector<16xf32>
        %max3A_460 = arith.maximumf %cond3A_381#25, %get3A_455 : vector<16xf32>
        %get3A_461 = arith.index_cast %while3A_338 : i32 to index
        %get3A_462 = arith.constant 160 : index
        %get3A_463 = tpu.vector_load %arg7[%get3A_461, %get3A_462] {strides = array<i32>} : memref<64x256xf32, #tpu.memory_space<vmem>>, vector<16xf32>,
        %get3A_464 = arith.constant 160 : index
        %get3A_465 = tpu.vector_load %arg10[%get3A_464] {strides = array<i32>} : memref<272xf32, #tpu.memory_space<vmem>>, vector<16xf32>,
        %mul3A_466 = arith.mulf %get3A_463, %get3A_465 : vector<16xf32>
        %add3A_467 = arith.addf %add3A_459, %mul3A_466 : vector<16xf32>
        %max3A_468 = arith.maximumf %cond3A_381#26, %get3A_463 : vector<16xf32>
        %get3A_469 = arith.index_cast %while3A_338 : i32 to index
        %get3A_470 = arith.constant 176 : index
        %get3A_471 = tpu.vector_load %arg7[%get3A_469, %get3A_470] {strides = array<i32>} : memref<64x256xf32, #tpu.memory_space<vmem>>, vector<16xf32>,
        %get3A_472 = arith.constant 176 : index
        %get3A_473 = tpu.vector_load %arg10[%get3A_472] {strides = array<i32>} : memref<272xf32, #tpu.memory_space<vmem>>, vector<16xf32>,
        %mul3A_474 = arith.mulf %get3A_471, %get3A_473 : vector<16xf32>
        %add3A_475 = arith.addf %add3A_467, %mul3A_474 : vector<16xf32>
        %max3A_476 = arith.maximumf %cond3A_381#27, %get3A_471 : vector<16xf32>
        %get3A_477 = arith.index_cast %while3A_338 : i32 to index
        %get3A_478 = arith.constant 192 : index
        %get3A_479 = tpu.vector_load %arg7[%get3A_477, %get3A_478] {strides = array<i32>} : memref<64x256xf32, #tpu.memory_space<vmem>>, vector<16xf32>,
        %get3A_480 = arith.constant 192 : index
        %get3A_481 = tpu.vector_load %arg10[%get3A_480] {strides = array<i32>} : memref<272xf32, #tpu.memory_space<vmem>>, vector<16xf32>,
        %mul3A_482 = arith.mulf %get3A_479, %get3A_481 : vector<16xf32>
        %add3A_483 = arith.addf %add3A_475, %mul3A_482 : vector<16xf32>
        %max3A_484 = arith.maximumf %cond3A_381#28, %get3A_479 : vector<16xf32>
        %get3A_485 = arith.index_cast %while3A_338 : i32 to index
        %get3A_486 = arith.constant 208 : index
        %get3A_487 = tpu.vector_load %arg7[%get3A_485, %get3A_486] {strides = array<i32>} : memref<64x256xf32, #tpu.memory_space<vmem>>, vector<16xf32>,
        %get3A_488 = arith.constant 208 : index
        %get3A_489 = tpu.vector_load %arg10[%get3A_488] {strides = array<i32>} : memref<272xf32, #tpu.memory_space<vmem>>, vector<16xf32>,
        %mul3A_490 = arith.mulf %get3A_487, %get3A_489 : vector<16xf32>
        %add3A_491 = arith.addf %add3A_483, %mul3A_490 : vector<16xf32>
        %max3A_492 = arith.maximumf %cond3A_381#29, %get3A_487 : vector<16xf32>
        %get3A_493 = arith.index_cast %while3A_338 : i32 to index
        %get3A_494 = arith.constant 224 : index
        %get3A_495 = tpu.vector_load %arg7[%get3A_493, %get3A_494] {strides = array<i32>} : memref<64x256xf32, #tpu.memory_space<vmem>>, vector<16xf32>,
        %get3A_496 = arith.constant 224 : index
        %get3A_497 = tpu.vector_load %arg10[%get3A_496] {strides = array<i32>} : memref<272xf32, #tpu.memory_space<vmem>>, vector<16xf32>,
        %mul3A_498 = arith.mulf %get3A_495, %get3A_497 : vector<16xf32>
        %add3A_499 = arith.addf %add3A_491, %mul3A_498 : vector<16xf32>
        %max3A_500 = arith.maximumf %cond3A_381#30, %get3A_495 : vector<16xf32>
        %get3A_501 = arith.index_cast %while3A_338 : i32 to index
        %get3A_502 = arith.constant 240 : index
        %get3A_503 = tpu.vector_load %arg7[%get3A_501, %get3A_502] {strides = array<i32>} : memref<64x256xf32, #tpu.memory_space<vmem>>, vector<16xf32>,
        %get3A_504 = arith.constant 240 : index
        %get3A_505 = tpu.vector_load %arg10[%get3A_504] {strides = array<i32>} : memref<272xf32, #tpu.memory_space<vmem>>, vector<16xf32>,
        %mul3A_506 = arith.mulf %get3A_503, %get3A_505 : vector<16xf32>
        %add3A_507 = arith.addf %add3A_499, %mul3A_506 : vector<16xf32>
        %max3A_508 = arith.maximumf %cond3A_381#31, %get3A_503 : vector<16xf32>
        %reduce_sum3A = arith.constant true
        %reduce_sum3A_509 = vector.broadcast %reduce_sum3A : i1 to vector<16xi1>
        %reduce_sum3A_510 = tpu.scan <sum>, %add3A_507 masked %reduce_sum3A_509 : vector<16xf32>, vector<16xi1> -> vector<16xf32>
        %reduce_sum3A_511 = vector.extract %reduce_sum3A_510[15] : f32 from vector<16xf32>
        %broadcast_in_dim3A_512 = vector.broadcast %reduce_sum3A_511 : f32 to vector<16xf32>
        %add3A_513 = arith.addf %broadcast_in_dim3A_512, %get3A_36 : vector<16xf32>
        %neg3A = arith.constant 0.000000e+00 : f32
        %neg3A_514 = vector.broadcast %neg3A : f32 to vector<16xf32>
        %neg3A_515 = arith.subf %neg3A_514, %add3A_513 : vector<16xf32>
        %exp3A = math.exp %neg3A_515 : vector<16xf32>
        %add3A_516 = arith.constant 1.000000e+00 : f32
        %add3A_517 = vector.broadcast %add3A_516 : f32 to vector<16xf32>
        %add3A_518 = arith.addf %add3A_517, %exp3A : vector<16xf32>
        %div3A_519 = arith.constant 1.000000e+00 : f32
        %div3A_520 = vector.broadcast %div3A_519 : f32 to vector<16xf32>
        %div3A_521 = arith.divf %div3A_520, %add3A_518 : vector<16xf32>
        %get3A_522 = arith.index_cast %while3A_338 : i32 to index
        %get3A_523 = arith.constant 0 : index
        %get3A_524 = tpu.vector_load %arg7[%get3A_522, %get3A_523] {strides = array<i32>} : memref<64x256xf32, #tpu.memory_space<vmem>>, vector<16xf32>,
        %mul3A_525 = arith.mulf %get3A_524, %div3A_521 : vector<16xf32>
        %add3A_526 = arith.addf %cond3A_381#0, %mul3A_525 : vector<16xf32>
        %get3A_527 = arith.index_cast %while3A_338 : i32 to index
        %get3A_528 = arith.constant 16 : index
        %get3A_529 = tpu.vector_load %arg7[%get3A_527, %get3A_528] {strides = array<i32>} : memref<64x256xf32, #tpu.memory_space<vmem>>, vector<16xf32>,
        %mul3A_530 = arith.mulf %get3A_529, %div3A_521 : vector<16xf32>
        %add3A_531 = arith.addf %cond3A_381#1, %mul3A_530 : vector<16xf32>
        %get3A_532 = arith.index_cast %while3A_338 : i32 to index
        %get3A_533 = arith.constant 32 : index
        %get3A_534 = tpu.vector_load %arg7[%get3A_532, %get3A_533] {strides = array<i32>} : memref<64x256xf32, #tpu.memory_space<vmem>>, vector<16xf32>,
        %mul3A_535 = arith.mulf %get3A_534, %div3A_521 : vector<16xf32>
        %add3A_536 = arith.addf %cond3A_381#2, %mul3A_535 : vector<16xf32>
        %get3A_537 = arith.index_cast %while3A_338 : i32 to index
        %get3A_538 = arith.constant 48 : index
        %get3A_539 = tpu.vector_load %arg7[%get3A_537, %get3A_538] {strides = array<i32>} : memref<64x256xf32, #tpu.memory_space<vmem>>, vector<16xf32>,
        %mul3A_540 = arith.mulf %get3A_539, %div3A_521 : vector<16xf32>
        %add3A_541 = arith.addf %cond3A_381#3, %mul3A_540 : vector<16xf32>
        %get3A_542 = arith.index_cast %while3A_338 : i32 to index
        %get3A_543 = arith.constant 64 : index
        %get3A_544 = tpu.vector_load %arg7[%get3A_542, %get3A_543] {strides = array<i32>} : memref<64x256xf32, #tpu.memory_space<vmem>>, vector<16xf32>,
        %mul3A_545 = arith.mulf %get3A_544, %div3A_521 : vector<16xf32>
        %add3A_546 = arith.addf %cond3A_381#4, %mul3A_545 : vector<16xf32>
        %get3A_547 = arith.index_cast %while3A_338 : i32 to index
        %get3A_548 = arith.constant 80 : index
        %get3A_549 = tpu.vector_load %arg7[%get3A_547, %get3A_548] {strides = array<i32>} : memref<64x256xf32, #tpu.memory_space<vmem>>, vector<16xf32>,
        %mul3A_550 = arith.mulf %get3A_549, %div3A_521 : vector<16xf32>
        %add3A_551 = arith.addf %cond3A_381#5, %mul3A_550 : vector<16xf32>
        %get3A_552 = arith.index_cast %while3A_338 : i32 to index
        %get3A_553 = arith.constant 96 : index
        %get3A_554 = tpu.vector_load %arg7[%get3A_552, %get3A_553] {strides = array<i32>} : memref<64x256xf32, #tpu.memory_space<vmem>>, vector<16xf32>,
        %mul3A_555 = arith.mulf %get3A_554, %div3A_521 : vector<16xf32>
        %add3A_556 = arith.addf %cond3A_381#6, %mul3A_555 : vector<16xf32>
        %get3A_557 = arith.index_cast %while3A_338 : i32 to index
        %get3A_558 = arith.constant 112 : index
        %get3A_559 = tpu.vector_load %arg7[%get3A_557, %get3A_558] {strides = array<i32>} : memref<64x256xf32, #tpu.memory_space<vmem>>, vector<16xf32>,
        %mul3A_560 = arith.mulf %get3A_559, %div3A_521 : vector<16xf32>
        %add3A_561 = arith.addf %cond3A_381#7, %mul3A_560 : vector<16xf32>
        %get3A_562 = arith.index_cast %while3A_338 : i32 to index
        %get3A_563 = arith.constant 128 : index
        %get3A_564 = tpu.vector_load %arg7[%get3A_562, %get3A_563] {strides = array<i32>} : memref<64x256xf32, #tpu.memory_space<vmem>>, vector<16xf32>,
        %mul3A_565 = arith.mulf %get3A_564, %div3A_521 : vector<16xf32>
        %add3A_566 = arith.addf %cond3A_381#8, %mul3A_565 : vector<16xf32>
        %get3A_567 = arith.index_cast %while3A_338 : i32 to index
        %get3A_568 = arith.constant 144 : index
        %get3A_569 = tpu.vector_load %arg7[%get3A_567, %get3A_568] {strides = array<i32>} : memref<64x256xf32, #tpu.memory_space<vmem>>, vector<16xf32>,
        %mul3A_570 = arith.mulf %get3A_569, %div3A_521 : vector<16xf32>
        %add3A_571 = arith.addf %cond3A_381#9, %mul3A_570 : vector<16xf32>
        %get3A_572 = arith.index_cast %while3A_338 : i32 to index
        %get3A_573 = arith.constant 160 : index
        %get3A_574 = tpu.vector_load %arg7[%get3A_572, %get3A_573] {strides = array<i32>} : memref<64x256xf32, #tpu.memory_space<vmem>>, vector<16xf32>,
        %mul3A_575 = arith.mulf %get3A_574, %div3A_521 : vector<16xf32>
        %add3A_576 = arith.addf %cond3A_381#10, %mul3A_575 : vector<16xf32>
        %get3A_577 = arith.index_cast %while3A_338 : i32 to index
        %get3A_578 = arith.constant 176 : index
        %get3A_579 = tpu.vector_load %arg7[%get3A_577, %get3A_578] {strides = array<i32>} : memref<64x256xf32, #tpu.memory_space<vmem>>, vector<16xf32>,
        %mul3A_580 = arith.mulf %get3A_579, %div3A_521 : vector<16xf32>
        %add3A_581 = arith.addf %cond3A_381#11, %mul3A_580 : vector<16xf32>
        %get3A_582 = arith.index_cast %while3A_338 : i32 to index
        %get3A_583 = arith.constant 192 : index
        %get3A_584 = tpu.vector_load %arg7[%get3A_582, %get3A_583] {strides = array<i32>} : memref<64x256xf32, #tpu.memory_space<vmem>>, vector<16xf32>,
        %mul3A_585 = arith.mulf %get3A_584, %div3A_521 : vector<16xf32>
        %add3A_586 = arith.addf %cond3A_381#12, %mul3A_585 : vector<16xf32>
        %get3A_587 = arith.index_cast %while3A_338 : i32 to index
        %get3A_588 = arith.constant 208 : index
        %get3A_589 = tpu.vector_load %arg7[%get3A_587, %get3A_588] {strides = array<i32>} : memref<64x256xf32, #tpu.memory_space<vmem>>, vector<16xf32>,
        %mul3A_590 = arith.mulf %get3A_589, %div3A_521 : vector<16xf32>
        %add3A_591 = arith.addf %cond3A_381#13, %mul3A_590 : vector<16xf32>
        %get3A_592 = arith.index_cast %while3A_338 : i32 to index
        %get3A_593 = arith.constant 224 : index
        %get3A_594 = tpu.vector_load %arg7[%get3A_592, %get3A_593] {strides = array<i32>} : memref<64x256xf32, #tpu.memory_space<vmem>>, vector<16xf32>,
        %mul3A_595 = arith.mulf %get3A_594, %div3A_521 : vector<16xf32>
        %add3A_596 = arith.addf %cond3A_381#14, %mul3A_595 : vector<16xf32>
        %get3A_597 = arith.index_cast %while3A_338 : i32 to index
        %get3A_598 = arith.constant 240 : index
        %get3A_599 = tpu.vector_load %arg7[%get3A_597, %get3A_598] {strides = array<i32>} : memref<64x256xf32, #tpu.memory_space<vmem>>, vector<16xf32>,
        %mul3A_600 = arith.mulf %get3A_599, %div3A_521 : vector<16xf32>
        %add3A_601 = arith.addf %cond3A_381#15, %mul3A_600 : vector<16xf32>
        scf.yield %squeeze3A_377, %add3A_526, %add3A_531, %add3A_536, %add3A_541, %add3A_546, %add3A_551, %add3A_556, %add3A_561, %add3A_566, %add3A_571, %add3A_576, %add3A_581, %add3A_586, %add3A_591, %add3A_596, %add3A_601, %max3A, %max3A_396, %max3A_404, %max3A_412, %max3A_420, %max3A_428, %max3A_436, %max3A_444, %max3A_452, %max3A_460, %max3A_468, %max3A_476, %max3A_484, %max3A_492, %max3A_500, %max3A_508 : i32, vector<16xf32>, vector<16xf32>, vector<16xf32>, vector<16xf32>, vector<16xf32>, vector<16xf32>, vector<16xf32>, vector<16xf32>, vector<16xf32>, vector<16xf32>, vector<16xf32>, vector<16xf32>, vector<16xf32>, vector<16xf32>, vector<16xf32>, vector<16xf32>, vector<16xf32>, vector<16xf32>, vector<16xf32>, vector<16xf32>, vector<16xf32>, vector<16xf32>, vector<16xf32>, vector<16xf32>, vector<16xf32>, vector<16xf32>, vector<16xf32>, vector<16xf32>, vector<16xf32>, vector<16xf32>, vector<16xf32>, vector<16xf32>
      }
      %while3A_291 = arith.constant 1 : i32
      %while3A_292:33 = scf.for %while3A_338 = %while3A_288 to %while3A_284 step %while3A_291 iter_args(%while3A_339 = %while3A_290#0, %while3A_340 = %while3A_290#1, %while3A_341 = %while3A_290#2, %while3A_342 = %while3A_290#3, %while3A_343 = %while3A_290#4, %while3A_344 = %while3A_290#5, %while3A_345 = %while3A_290#6, %while3A_346 = %while3A_290#7, %while3A_347 = %while3A_290#8, %while3A_348 = %while3A_290#9, %while3A_349 = %while3A_290#10, %while3A_350 = %while3A_290#11, %while3A_351 = %while3A_290#12, %while3A_352 = %while3A_290#13, %while3A_353 = %while3A_290#14, %while3A_354 = %while3A_290#15, %while3A_355 = %while3A_290#16, %while3A_356 = %while3A_290#17, %while3A_357 = %while3A_290#18, %while3A_358 = %while3A_290#19, %while3A_359 = %while3A_290#20, %while3A_360 = %while3A_290#21, %while3A_361 = %while3A_290#22, %while3A_362 = %while3A_290#23, %while3A_363 = %while3A_290#24, %while3A_364 = %while3A_290#25, %while3A_365 = %while3A_290#26, %while3A_366 = %while3A_290#27, %while3A_367 = %while3A_290#28, %while3A_368 = %while3A_290#29, %while3A_369 = %while3A_290#30, %while3A_370 = %while3A_290#31, %while3A_371 = %while3A_290#32) -> (i32, vector<16xf32>, vector<16xf32>, vector<16xf32>, vector<16xf32>, vector<16xf32>, vector<16xf32>, vector<16xf32>, vector<16xf32>, vector<16xf32>, vector<16xf32>, vector<16xf32>, vector<16xf32>, vector<16xf32>, vector<16xf32>, vector<16xf32>, vector<16xf32>, vector<16xf32>, vector<16xf32>, vector<16xf32>, vector<16xf32>, vector<16xf32>, vector<16xf32>, vector<16xf32>, vector<16xf32>, vector<16xf32>, vector<16xf32>, vector<16xf32>, vector<16xf32>, vector<16xf32>, vector<16xf32>, vector<16xf32>, vector<16xf32>)  : i32 {
        %add3A_372 = arith.addi %min3A_277, %while3A_338 : i32
        %sub3A_373 = arith.subi %add3A_372, %min3A_32 : i32
        %get3A_374 = arith.index_cast %sub3A_373 : i32 to index
        %get3A_375 = tpu.vector_load %arg9[%get3A_374] {strides = array<i32>} : memref<1640xi32, #tpu.memory_space<vmem>>, vector<16xi32>,
        %slice3A_376 = vector.extract_strided_slice %get3A_375 {offsets = [0], sizes = [1], strides = [1]} : vector<16xi32> to vector<1xi32>
        %squeeze3A_377 = vector.extract %slice3A_376[0] : i32 from vector<1xi32>
        %ne3A_378 = arith.cmpi ne, %squeeze3A_377, %while3A_339 : i32
        %convert_element_type3A_379 = arith.extui %ne3A_378 : i1 to i32
        %cond3A = arith.constant 0 : i32
        %cond3A_380 = arith.cmpi ne, %convert_element_type3A_379, %cond3A : i32
        %cond3A_381:32 = scf.if %cond3A_380 -> (vector<16xf32>, vector<16xf32>, vector<16xf32>, vector<16xf32>, vector<16xf32>, vector<16xf32>, vector<16xf32>, vector<16xf32>, vector<16xf32>, vector<16xf32>, vector<16xf32>, vector<16xf32>, vector<16xf32>, vector<16xf32>, vector<16xf32>, vector<16xf32>, vector<16xf32>, vector<16xf32>, vector<16xf32>, vector<16xf32>, vector<16xf32>, vector<16xf32>, vector<16xf32>, vector<16xf32>, vector<16xf32>, vector<16xf32>, vector<16xf32>, vector<16xf32>, vector<16xf32>, vector<16xf32>, vector<16xf32>, vector<16xf32>) {
          %mul3A_602 = arith.constant 256 : i32
          %mul3A_603 = arith.muli %while3A_339, %mul3A_602 : i32
          %add3A_604 = arith.constant 0 : i32
          %add3A_605 = arith.addi %mul3A_603, %add3A_604 : i32
          %swap3A_606 = arith.index_cast %add3A_605 : i32 to index
          %swap3A_607 = tpu.vector_load %arg11[%swap3A_606] {strides = array<i32>} : memref<32768xf32, #tpu.memory_space<vmem>>, vector<16xf32>,
          tpu.vector_store %arg11[%swap3A_606], %while3A_340 {strides = array<i32>} : memref<32768xf32, #tpu.memory_space<vmem>>, vector<16xf32>,
          %add3A_608 = arith.constant 0 : i32
          %add3A_609 = arith.addi %mul3A_603, %add3A_608 : i32
          %swap3A_610 = arith.index_cast %add3A_609 : i32 to index
          %swap3A_611 = tpu.vector_load %arg12[%swap3A_610] {strides = array<i32>} : memref<32768xf32, #tpu.memory_space<vmem>>, vector<16xf32>,
          tpu.vector_store %arg12[%swap3A_610], %while3A_356 {strides = array<i32>} : memref<32768xf32, #tpu.memory_space<vmem>>, vector<16xf32>,
          %add3A_612 = arith.constant 16 : i32
          %add3A_613 = arith.addi %mul3A_603, %add3A_612 : i32
          %swap3A_614 = arith.index_cast %add3A_613 : i32 to index
          %swap3A_615 = tpu.vector_load %arg11[%swap3A_614] {strides = array<i32>} : memref<32768xf32, #tpu.memory_space<vmem>>, vector<16xf32>,
          tpu.vector_store %arg11[%swap3A_614], %while3A_341 {strides = array<i32>} : memref<32768xf32, #tpu.memory_space<vmem>>, vector<16xf32>,
          %add3A_616 = arith.constant 16 : i32
          %add3A_617 = arith.addi %mul3A_603, %add3A_616 : i32
          %swap3A_618 = arith.index_cast %add3A_617 : i32 to index
          %swap3A_619 = tpu.vector_load %arg12[%swap3A_618] {strides = array<i32>} : memref<32768xf32, #tpu.memory_space<vmem>>, vector<16xf32>,
          tpu.vector_store %arg12[%swap3A_618], %while3A_357 {strides = array<i32>} : memref<32768xf32, #tpu.memory_space<vmem>>, vector<16xf32>,
          %add3A_620 = arith.constant 32 : i32
          %add3A_621 = arith.addi %mul3A_603, %add3A_620 : i32
          %swap3A_622 = arith.index_cast %add3A_621 : i32 to index
          %swap3A_623 = tpu.vector_load %arg11[%swap3A_622] {strides = array<i32>} : memref<32768xf32, #tpu.memory_space<vmem>>, vector<16xf32>,
          tpu.vector_store %arg11[%swap3A_622], %while3A_342 {strides = array<i32>} : memref<32768xf32, #tpu.memory_space<vmem>>, vector<16xf32>,
          %add3A_624 = arith.constant 32 : i32
          %add3A_625 = arith.addi %mul3A_603, %add3A_624 : i32
          %swap3A_626 = arith.index_cast %add3A_625 : i32 to index
          %swap3A_627 = tpu.vector_load %arg12[%swap3A_626] {strides = array<i32>} : memref<32768xf32, #tpu.memory_space<vmem>>, vector<16xf32>,
          tpu.vector_store %arg12[%swap3A_626], %while3A_358 {strides = array<i32>} : memref<32768xf32, #tpu.memory_space<vmem>>, vector<16xf32>,
          %add3A_628 = arith.constant 48 : i32
          %add3A_629 = arith.addi %mul3A_603, %add3A_628 : i32
          %swap3A_630 = arith.index_cast %add3A_629 : i32 to index
          %swap3A_631 = tpu.vector_load %arg11[%swap3A_630] {strides = array<i32>} : memref<32768xf32, #tpu.memory_space<vmem>>, vector<16xf32>,
          tpu.vector_store %arg11[%swap3A_630], %while3A_343 {strides = array<i32>} : memref<32768xf32, #tpu.memory_space<vmem>>, vector<16xf32>,
          %add3A_632 = arith.constant 48 : i32
          %add3A_633 = arith.addi %mul3A_603, %add3A_632 : i32
          %swap3A_634 = arith.index_cast %add3A_633 : i32 to index
          %swap3A_635 = tpu.vector_load %arg12[%swap3A_634] {strides = array<i32>} : memref<32768xf32, #tpu.memory_space<vmem>>, vector<16xf32>,
          tpu.vector_store %arg12[%swap3A_634], %while3A_359 {strides = array<i32>} : memref<32768xf32, #tpu.memory_space<vmem>>, vector<16xf32>,
          %add3A_636 = arith.constant 64 : i32
          %add3A_637 = arith.addi %mul3A_603, %add3A_636 : i32
          %swap3A_638 = arith.index_cast %add3A_637 : i32 to index
          %swap3A_639 = tpu.vector_load %arg11[%swap3A_638] {strides = array<i32>} : memref<32768xf32, #tpu.memory_space<vmem>>, vector<16xf32>,
          tpu.vector_store %arg11[%swap3A_638], %while3A_344 {strides = array<i32>} : memref<32768xf32, #tpu.memory_space<vmem>>, vector<16xf32>,
          %add3A_640 = arith.constant 64 : i32
          %add3A_641 = arith.addi %mul3A_603, %add3A_640 : i32
          %swap3A_642 = arith.index_cast %add3A_641 : i32 to index
          %swap3A_643 = tpu.vector_load %arg12[%swap3A_642] {strides = array<i32>} : memref<32768xf32, #tpu.memory_space<vmem>>, vector<16xf32>,
          tpu.vector_store %arg12[%swap3A_642], %while3A_360 {strides = array<i32>} : memref<32768xf32, #tpu.memory_space<vmem>>, vector<16xf32>,
          %add3A_644 = arith.constant 80 : i32
          %add3A_645 = arith.addi %mul3A_603, %add3A_644 : i32
          %swap3A_646 = arith.index_cast %add3A_645 : i32 to index
          %swap3A_647 = tpu.vector_load %arg11[%swap3A_646] {strides = array<i32>} : memref<32768xf32, #tpu.memory_space<vmem>>, vector<16xf32>,
          tpu.vector_store %arg11[%swap3A_646], %while3A_345 {strides = array<i32>} : memref<32768xf32, #tpu.memory_space<vmem>>, vector<16xf32>,
          %add3A_648 = arith.constant 80 : i32
          %add3A_649 = arith.addi %mul3A_603, %add3A_648 : i32
          %swap3A_650 = arith.index_cast %add3A_649 : i32 to index
          %swap3A_651 = tpu.vector_load %arg12[%swap3A_650] {strides = array<i32>} : memref<32768xf32, #tpu.memory_space<vmem>>, vector<16xf32>,
          tpu.vector_store %arg12[%swap3A_650], %while3A_361 {strides = array<i32>} : memref<32768xf32, #tpu.memory_space<vmem>>, vector<16xf32>,
          %add3A_652 = arith.constant 96 : i32
          %add3A_653 = arith.addi %mul3A_603, %add3A_652 : i32
          %swap3A_654 = arith.index_cast %add3A_653 : i32 to index
          %swap3A_655 = tpu.vector_load %arg11[%swap3A_654] {strides = array<i32>} : memref<32768xf32, #tpu.memory_space<vmem>>, vector<16xf32>,
          tpu.vector_store %arg11[%swap3A_654], %while3A_346 {strides = array<i32>} : memref<32768xf32, #tpu.memory_space<vmem>>, vector<16xf32>,
          %add3A_656 = arith.constant 96 : i32
          %add3A_657 = arith.addi %mul3A_603, %add3A_656 : i32
          %swap3A_658 = arith.index_cast %add3A_657 : i32 to index
          %swap3A_659 = tpu.vector_load %arg12[%swap3A_658] {strides = array<i32>} : memref<32768xf32, #tpu.memory_space<vmem>>, vector<16xf32>,
          tpu.vector_store %arg12[%swap3A_658], %while3A_362 {strides = array<i32>} : memref<32768xf32, #tpu.memory_space<vmem>>, vector<16xf32>,
          %add3A_660 = arith.constant 112 : i32
          %add3A_661 = arith.addi %mul3A_603, %add3A_660 : i32
          %swap3A_662 = arith.index_cast %add3A_661 : i32 to index
          %swap3A_663 = tpu.vector_load %arg11[%swap3A_662] {strides = array<i32>} : memref<32768xf32, #tpu.memory_space<vmem>>, vector<16xf32>,
          tpu.vector_store %arg11[%swap3A_662], %while3A_347 {strides = array<i32>} : memref<32768xf32, #tpu.memory_space<vmem>>, vector<16xf32>,
          %add3A_664 = arith.constant 112 : i32
          %add3A_665 = arith.addi %mul3A_603, %add3A_664 : i32
          %swap3A_666 = arith.index_cast %add3A_665 : i32 to index
          %swap3A_667 = tpu.vector_load %arg12[%swap3A_666] {strides = array<i32>} : memref<32768xf32, #tpu.memory_space<vmem>>, vector<16xf32>,
          tpu.vector_store %arg12[%swap3A_666], %while3A_363 {strides = array<i32>} : memref<32768xf32, #tpu.memory_space<vmem>>, vector<16xf32>,
          %add3A_668 = arith.constant 128 : i32
          %add3A_669 = arith.addi %mul3A_603, %add3A_668 : i32
          %swap3A_670 = arith.index_cast %add3A_669 : i32 to index
          %swap3A_671 = tpu.vector_load %arg11[%swap3A_670] {strides = array<i32>} : memref<32768xf32, #tpu.memory_space<vmem>>, vector<16xf32>,
          tpu.vector_store %arg11[%swap3A_670], %while3A_348 {strides = array<i32>} : memref<32768xf32, #tpu.memory_space<vmem>>, vector<16xf32>,
          %add3A_672 = arith.constant 128 : i32
          %add3A_673 = arith.addi %mul3A_603, %add3A_672 : i32
          %swap3A_674 = arith.index_cast %add3A_673 : i32 to index
          %swap3A_675 = tpu.vector_load %arg12[%swap3A_674] {strides = array<i32>} : memref<32768xf32, #tpu.memory_space<vmem>>, vector<16xf32>,
          tpu.vector_store %arg12[%swap3A_674], %while3A_364 {strides = array<i32>} : memref<32768xf32, #tpu.memory_space<vmem>>, vector<16xf32>,
          %add3A_676 = arith.constant 144 : i32
          %add3A_677 = arith.addi %mul3A_603, %add3A_676 : i32
          %swap3A_678 = arith.index_cast %add3A_677 : i32 to index
          %swap3A_679 = tpu.vector_load %arg11[%swap3A_678] {strides = array<i32>} : memref<32768xf32, #tpu.memory_space<vmem>>, vector<16xf32>,
          tpu.vector_store %arg11[%swap3A_678], %while3A_349 {strides = array<i32>} : memref<32768xf32, #tpu.memory_space<vmem>>, vector<16xf32>,
          %add3A_680 = arith.constant 144 : i32
          %add3A_681 = arith.addi %mul3A_603, %add3A_680 : i32
          %swap3A_682 = arith.index_cast %add3A_681 : i32 to index
          %swap3A_683 = tpu.vector_load %arg12[%swap3A_682] {strides = array<i32>} : memref<32768xf32, #tpu.memory_space<vmem>>, vector<16xf32>,
          tpu.vector_store %arg12[%swap3A_682], %while3A_365 {strides = array<i32>} : memref<32768xf32, #tpu.memory_space<vmem>>, vector<16xf32>,
          %add3A_684 = arith.constant 160 : i32
          %add3A_685 = arith.addi %mul3A_603, %add3A_684 : i32
          %swap3A_686 = arith.index_cast %add3A_685 : i32 to index
          %swap3A_687 = tpu.vector_load %arg11[%swap3A_686] {strides = array<i32>} : memref<32768xf32, #tpu.memory_space<vmem>>, vector<16xf32>,
          tpu.vector_store %arg11[%swap3A_686], %while3A_350 {strides = array<i32>} : memref<32768xf32, #tpu.memory_space<vmem>>, vector<16xf32>,
          %add3A_688 = arith.constant 160 : i32
          %add3A_689 = arith.addi %mul3A_603, %add3A_688 : i32
          %swap3A_690 = arith.index_cast %add3A_689 : i32 to index
          %swap3A_691 = tpu.vector_load %arg12[%swap3A_690] {strides = array<i32>} : memref<32768xf32, #tpu.memory_space<vmem>>, vector<16xf32>,
          tpu.vector_store %arg12[%swap3A_690], %while3A_366 {strides = array<i32>} : memref<32768xf32, #tpu.memory_space<vmem>>, vector<16xf32>,
          %add3A_692 = arith.constant 176 : i32
          %add3A_693 = arith.addi %mul3A_603, %add3A_692 : i32
          %swap3A_694 = arith.index_cast %add3A_693 : i32 to index
          %swap3A_695 = tpu.vector_load %arg11[%swap3A_694] {strides = array<i32>} : memref<32768xf32, #tpu.memory_space<vmem>>, vector<16xf32>,
          tpu.vector_store %arg11[%swap3A_694], %while3A_351 {strides = array<i32>} : memref<32768xf32, #tpu.memory_space<vmem>>, vector<16xf32>,
          %add3A_696 = arith.constant 176 : i32
          %add3A_697 = arith.addi %mul3A_603, %add3A_696 : i32
          %swap3A_698 = arith.index_cast %add3A_697 : i32 to index
          %swap3A_699 = tpu.vector_load %arg12[%swap3A_698] {strides = array<i32>} : memref<32768xf32, #tpu.memory_space<vmem>>, vector<16xf32>,
          tpu.vector_store %arg12[%swap3A_698], %while3A_367 {strides = array<i32>} : memref<32768xf32, #tpu.memory_space<vmem>>, vector<16xf32>,
          %add3A_700 = arith.constant 192 : i32
          %add3A_701 = arith.addi %mul3A_603, %add3A_700 : i32
          %swap3A_702 = arith.index_cast %add3A_701 : i32 to index
          %swap3A_703 = tpu.vector_load %arg11[%swap3A_702] {strides = array<i32>} : memref<32768xf32, #tpu.memory_space<vmem>>, vector<16xf32>,
          tpu.vector_store %arg11[%swap3A_702], %while3A_352 {strides = array<i32>} : memref<32768xf32, #tpu.memory_space<vmem>>, vector<16xf32>,
          %add3A_704 = arith.constant 192 : i32
          %add3A_705 = arith.addi %mul3A_603, %add3A_704 : i32
          %swap3A_706 = arith.index_cast %add3A_705 : i32 to index
          %swap3A_707 = tpu.vector_load %arg12[%swap3A_706] {strides = array<i32>} : memref<32768xf32, #tpu.memory_space<vmem>>, vector<16xf32>,
          tpu.vector_store %arg12[%swap3A_706], %while3A_368 {strides = array<i32>} : memref<32768xf32, #tpu.memory_space<vmem>>, vector<16xf32>,
          %add3A_708 = arith.constant 208 : i32
          %add3A_709 = arith.addi %mul3A_603, %add3A_708 : i32
          %swap3A_710 = arith.index_cast %add3A_709 : i32 to index
          %swap3A_711 = tpu.vector_load %arg11[%swap3A_710] {strides = array<i32>} : memref<32768xf32, #tpu.memory_space<vmem>>, vector<16xf32>,
          tpu.vector_store %arg11[%swap3A_710], %while3A_353 {strides = array<i32>} : memref<32768xf32, #tpu.memory_space<vmem>>, vector<16xf32>,
          %add3A_712 = arith.constant 208 : i32
          %add3A_713 = arith.addi %mul3A_603, %add3A_712 : i32
          %swap3A_714 = arith.index_cast %add3A_713 : i32 to index
          %swap3A_715 = tpu.vector_load %arg12[%swap3A_714] {strides = array<i32>} : memref<32768xf32, #tpu.memory_space<vmem>>, vector<16xf32>,
          tpu.vector_store %arg12[%swap3A_714], %while3A_369 {strides = array<i32>} : memref<32768xf32, #tpu.memory_space<vmem>>, vector<16xf32>,
          %add3A_716 = arith.constant 224 : i32
          %add3A_717 = arith.addi %mul3A_603, %add3A_716 : i32
          %swap3A_718 = arith.index_cast %add3A_717 : i32 to index
          %swap3A_719 = tpu.vector_load %arg11[%swap3A_718] {strides = array<i32>} : memref<32768xf32, #tpu.memory_space<vmem>>, vector<16xf32>,
          tpu.vector_store %arg11[%swap3A_718], %while3A_354 {strides = array<i32>} : memref<32768xf32, #tpu.memory_space<vmem>>, vector<16xf32>,
          %add3A_720 = arith.constant 224 : i32
          %add3A_721 = arith.addi %mul3A_603, %add3A_720 : i32
          %swap3A_722 = arith.index_cast %add3A_721 : i32 to index
          %swap3A_723 = tpu.vector_load %arg12[%swap3A_722] {strides = array<i32>} : memref<32768xf32, #tpu.memory_space<vmem>>, vector<16xf32>,
          tpu.vector_store %arg12[%swap3A_722], %while3A_370 {strides = array<i32>} : memref<32768xf32, #tpu.memory_space<vmem>>, vector<16xf32>,
          %add3A_724 = arith.constant 240 : i32
          %add3A_725 = arith.addi %mul3A_603, %add3A_724 : i32
          %swap3A_726 = arith.index_cast %add3A_725 : i32 to index
          %swap3A_727 = tpu.vector_load %arg11[%swap3A_726] {strides = array<i32>} : memref<32768xf32, #tpu.memory_space<vmem>>, vector<16xf32>,
          tpu.vector_store %arg11[%swap3A_726], %while3A_355 {strides = array<i32>} : memref<32768xf32, #tpu.memory_space<vmem>>, vector<16xf32>,
          %add3A_728 = arith.constant 240 : i32
          %add3A_729 = arith.addi %mul3A_603, %add3A_728 : i32
          %swap3A_730 = arith.index_cast %add3A_729 : i32 to index
          %swap3A_731 = tpu.vector_load %arg12[%swap3A_730] {strides = array<i32>} : memref<32768xf32, #tpu.memory_space<vmem>>, vector<16xf32>,
          tpu.vector_store %arg12[%swap3A_730], %while3A_371 {strides = array<i32>} : memref<32768xf32, #tpu.memory_space<vmem>>, vector<16xf32>,
          scf.yield %broadcast_in_dim3A_33, %broadcast_in_dim3A_33, %broadcast_in_dim3A_33, %broadcast_in_dim3A_33, %broadcast_in_dim3A_33, %broadcast_in_dim3A_33, %broadcast_in_dim3A_33, %broadcast_in_dim3A_33, %broadcast_in_dim3A_33, %broadcast_in_dim3A_33, %broadcast_in_dim3A_33, %broadcast_in_dim3A_33, %broadcast_in_dim3A_33, %broadcast_in_dim3A_33, %broadcast_in_dim3A_33, %broadcast_in_dim3A_33, %broadcast_in_dim3A_35, %broadcast_in_dim3A_35, %broadcast_in_dim3A_35, %broadcast_in_dim3A_35, %broadcast_in_dim3A_35, %broadcast_in_dim3A_35, %broadcast_in_dim3A_35, %broadcast_in_dim3A_35, %broadcast_in_dim3A_35, %broadcast_in_dim3A_35, %broadcast_in_dim3A_35, %broadcast_in_dim3A_35, %broadcast_in_dim3A_35, %broadcast_in_dim3A_35, %broadcast_in_dim3A_35, %broadcast_in_dim3A_35 : vector<16xf32>, vector<16xf32>, vector<16xf32>, vector<16xf32>, vector<16xf32>, vector<16xf32>, vector<16xf32>, vector<16xf32>, vector<16xf32>, vector<16xf32>, vector<16xf32>, vector<16xf32>, vector<16xf32>, vector<16xf32>, vector<16xf32>, vector<16xf32>, vector<16xf32>, vector<16xf32>, vector<16xf32>, vector<16xf32>, vector<16xf32>, vector<16xf32>, vector<16xf32>, vector<16xf32>, vector<16xf32>, vector<16xf32>, vector<16xf32>, vector<16xf32>, vector<16xf32>, vector<16xf32>, vector<16xf32>, vector<16xf32>
        } else {
          scf.yield %while3A_340, %while3A_341, %while3A_342, %while3A_343, %while3A_344, %while3A_345, %while3A_346, %while3A_347, %while3A_348, %while3A_349, %while3A_350, %while3A_351, %while3A_352, %while3A_353, %while3A_354, %while3A_355, %while3A_356, %while3A_357, %while3A_358, %while3A_359, %while3A_360, %while3A_361, %while3A_362, %while3A_363, %while3A_364, %while3A_365, %while3A_366, %while3A_367, %while3A_368, %while3A_369, %while3A_370, %while3A_371 : vector<16xf32>, vector<16xf32>, vector<16xf32>, vector<16xf32>, vector<16xf32>, vector<16xf32>, vector<16xf32>, vector<16xf32>, vector<16xf32>, vector<16xf32>, vector<16xf32>, vector<16xf32>, vector<16xf32>, vector<16xf32>, vector<16xf32>, vector<16xf32>, vector<16xf32>, vector<16xf32>, vector<16xf32>, vector<16xf32>, vector<16xf32>, vector<16xf32>, vector<16xf32>, vector<16xf32>, vector<16xf32>, vector<16xf32>, vector<16xf32>, vector<16xf32>, vector<16xf32>, vector<16xf32>, vector<16xf32>, vector<16xf32>
        }
        %get3A_382 = arith.index_cast %while3A_338 : i32 to index
        %get3A_383 = arith.constant 0 : index
        %get3A_384 = tpu.vector_load %arg7[%get3A_382, %get3A_383] {strides = array<i32>} : memref<64x256xf32, #tpu.memory_space<vmem>>, vector<16xf32>,
        %get3A_385 = arith.constant 0 : index
        %get3A_386 = tpu.vector_load %arg10[%get3A_385] {strides = array<i32>} : memref<272xf32, #tpu.memory_space<vmem>>, vector<16xf32>,
        %mul3A_387 = arith.mulf %get3A_384, %get3A_386 : vector<16xf32>
        %add3A_388 = arith.addf %broadcast_in_dim3A_33, %mul3A_387 : vector<16xf32>
        %max3A = arith.maximumf %cond3A_381#16, %get3A_384 : vector<16xf32>
        %get3A_389 = arith.index_cast %while3A_338 : i32 to index
        %get3A_390 = arith.constant 16 : index
        %get3A_391 = tpu.vector_load %arg7[%get3A_389, %get3A_390] {strides = array<i32>} : memref<64x256xf32, #tpu.memory_space<vmem>>, vector<16xf32>,
        %get3A_392 = arith.constant 16 : index
        %get3A_393 = tpu.vector_load %arg10[%get3A_392] {strides = array<i32>} : memref<272xf32, #tpu.memory_space<vmem>>, vector<16xf32>,
        %mul3A_394 = arith.mulf %get3A_391, %get3A_393 : vector<16xf32>
        %add3A_395 = arith.addf %add3A_388, %mul3A_394 : vector<16xf32>
        %max3A_396 = arith.maximumf %cond3A_381#17, %get3A_391 : vector<16xf32>
        %get3A_397 = arith.index_cast %while3A_338 : i32 to index
        %get3A_398 = arith.constant 32 : index
        %get3A_399 = tpu.vector_load %arg7[%get3A_397, %get3A_398] {strides = array<i32>} : memref<64x256xf32, #tpu.memory_space<vmem>>, vector<16xf32>,
        %get3A_400 = arith.constant 32 : index
        %get3A_401 = tpu.vector_load %arg10[%get3A_400] {strides = array<i32>} : memref<272xf32, #tpu.memory_space<vmem>>, vector<16xf32>,
        %mul3A_402 = arith.mulf %get3A_399, %get3A_401 : vector<16xf32>
        %add3A_403 = arith.addf %add3A_395, %mul3A_402 : vector<16xf32>
        %max3A_404 = arith.maximumf %cond3A_381#18, %get3A_399 : vector<16xf32>
        %get3A_405 = arith.index_cast %while3A_338 : i32 to index
        %get3A_406 = arith.constant 48 : index
        %get3A_407 = tpu.vector_load %arg7[%get3A_405, %get3A_406] {strides = array<i32>} : memref<64x256xf32, #tpu.memory_space<vmem>>, vector<16xf32>,
        %get3A_408 = arith.constant 48 : index
        %get3A_409 = tpu.vector_load %arg10[%get3A_408] {strides = array<i32>} : memref<272xf32, #tpu.memory_space<vmem>>, vector<16xf32>,
        %mul3A_410 = arith.mulf %get3A_407, %get3A_409 : vector<16xf32>
        %add3A_411 = arith.addf %add3A_403, %mul3A_410 : vector<16xf32>
        %max3A_412 = arith.maximumf %cond3A_381#19, %get3A_407 : vector<16xf32>
        %get3A_413 = arith.index_cast %while3A_338 : i32 to index
        %get3A_414 = arith.constant 64 : index
        %get3A_415 = tpu.vector_load %arg7[%get3A_413, %get3A_414] {strides = array<i32>} : memref<64x256xf32, #tpu.memory_space<vmem>>, vector<16xf32>,
        %get3A_416 = arith.constant 64 : index
        %get3A_417 = tpu.vector_load %arg10[%get3A_416] {strides = array<i32>} : memref<272xf32, #tpu.memory_space<vmem>>, vector<16xf32>,
        %mul3A_418 = arith.mulf %get3A_415, %get3A_417 : vector<16xf32>
        %add3A_419 = arith.addf %add3A_411, %mul3A_418 : vector<16xf32>
        %max3A_420 = arith.maximumf %cond3A_381#20, %get3A_415 : vector<16xf32>
        %get3A_421 = arith.index_cast %while3A_338 : i32 to index
        %get3A_422 = arith.constant 80 : index
        %get3A_423 = tpu.vector_load %arg7[%get3A_421, %get3A_422] {strides = array<i32>} : memref<64x256xf32, #tpu.memory_space<vmem>>, vector<16xf32>,
        %get3A_424 = arith.constant 80 : index
        %get3A_425 = tpu.vector_load %arg10[%get3A_424] {strides = array<i32>} : memref<272xf32, #tpu.memory_space<vmem>>, vector<16xf32>,
        %mul3A_426 = arith.mulf %get3A_423, %get3A_425 : vector<16xf32>
        %add3A_427 = arith.addf %add3A_419, %mul3A_426 : vector<16xf32>
        %max3A_428 = arith.maximumf %cond3A_381#21, %get3A_423 : vector<16xf32>
        %get3A_429 = arith.index_cast %while3A_338 : i32 to index
        %get3A_430 = arith.constant 96 : index
        %get3A_431 = tpu.vector_load %arg7[%get3A_429, %get3A_430] {strides = array<i32>} : memref<64x256xf32, #tpu.memory_space<vmem>>, vector<16xf32>,
        %get3A_432 = arith.constant 96 : index
        %get3A_433 = tpu.vector_load %arg10[%get3A_432] {strides = array<i32>} : memref<272xf32, #tpu.memory_space<vmem>>, vector<16xf32>,
        %mul3A_434 = arith.mulf %get3A_431, %get3A_433 : vector<16xf32>
        %add3A_435 = arith.addf %add3A_427, %mul3A_434 : vector<16xf32>
        %max3A_436 = arith.maximumf %cond3A_381#22, %get3A_431 : vector<16xf32>
        %get3A_437 = arith.index_cast %while3A_338 : i32 to index
        %get3A_438 = arith.constant 112 : index
        %get3A_439 = tpu.vector_load %arg7[%get3A_437, %get3A_438] {strides = array<i32>} : memref<64x256xf32, #tpu.memory_space<vmem>>, vector<16xf32>,
        %get3A_440 = arith.constant 112 : index
        %get3A_441 = tpu.vector_load %arg10[%get3A_440] {strides = array<i32>} : memref<272xf32, #tpu.memory_space<vmem>>, vector<16xf32>,
        %mul3A_442 = arith.mulf %get3A_439, %get3A_441 : vector<16xf32>
        %add3A_443 = arith.addf %add3A_435, %mul3A_442 : vector<16xf32>
        %max3A_444 = arith.maximumf %cond3A_381#23, %get3A_439 : vector<16xf32>
        %get3A_445 = arith.index_cast %while3A_338 : i32 to index
        %get3A_446 = arith.constant 128 : index
        %get3A_447 = tpu.vector_load %arg7[%get3A_445, %get3A_446] {strides = array<i32>} : memref<64x256xf32, #tpu.memory_space<vmem>>, vector<16xf32>,
        %get3A_448 = arith.constant 128 : index
        %get3A_449 = tpu.vector_load %arg10[%get3A_448] {strides = array<i32>} : memref<272xf32, #tpu.memory_space<vmem>>, vector<16xf32>,
        %mul3A_450 = arith.mulf %get3A_447, %get3A_449 : vector<16xf32>
        %add3A_451 = arith.addf %add3A_443, %mul3A_450 : vector<16xf32>
        %max3A_452 = arith.maximumf %cond3A_381#24, %get3A_447 : vector<16xf32>
        %get3A_453 = arith.index_cast %while3A_338 : i32 to index
        %get3A_454 = arith.constant 144 : index
        %get3A_455 = tpu.vector_load %arg7[%get3A_453, %get3A_454] {strides = array<i32>} : memref<64x256xf32, #tpu.memory_space<vmem>>, vector<16xf32>,
        %get3A_456 = arith.constant 144 : index
        %get3A_457 = tpu.vector_load %arg10[%get3A_456] {strides = array<i32>} : memref<272xf32, #tpu.memory_space<vmem>>, vector<16xf32>,
        %mul3A_458 = arith.mulf %get3A_455, %get3A_457 : vector<16xf32>
        %add3A_459 = arith.addf %add3A_451, %mul3A_458 : vector<16xf32>
        %max3A_460 = arith.maximumf %cond3A_381#25, %get3A_455 : vector<16xf32>
        %get3A_461 = arith.index_cast %while3A_338 : i32 to index
        %get3A_462 = arith.constant 160 : index
        %get3A_463 = tpu.vector_load %arg7[%get3A_461, %get3A_462] {strides = array<i32>} : memref<64x256xf32, #tpu.memory_space<vmem>>, vector<16xf32>,
        %get3A_464 = arith.constant 160 : index
        %get3A_465 = tpu.vector_load %arg10[%get3A_464] {strides = array<i32>} : memref<272xf32, #tpu.memory_space<vmem>>, vector<16xf32>,
        %mul3A_466 = arith.mulf %get3A_463, %get3A_465 : vector<16xf32>
        %add3A_467 = arith.addf %add3A_459, %mul3A_466 : vector<16xf32>
        %max3A_468 = arith.maximumf %cond3A_381#26, %get3A_463 : vector<16xf32>
        %get3A_469 = arith.index_cast %while3A_338 : i32 to index
        %get3A_470 = arith.constant 176 : index
        %get3A_471 = tpu.vector_load %arg7[%get3A_469, %get3A_470] {strides = array<i32>} : memref<64x256xf32, #tpu.memory_space<vmem>>, vector<16xf32>,
        %get3A_472 = arith.constant 176 : index
        %get3A_473 = tpu.vector_load %arg10[%get3A_472] {strides = array<i32>} : memref<272xf32, #tpu.memory_space<vmem>>, vector<16xf32>,
        %mul3A_474 = arith.mulf %get3A_471, %get3A_473 : vector<16xf32>
        %add3A_475 = arith.addf %add3A_467, %mul3A_474 : vector<16xf32>
        %max3A_476 = arith.maximumf %cond3A_381#27, %get3A_471 : vector<16xf32>
        %get3A_477 = arith.index_cast %while3A_338 : i32 to index
        %get3A_478 = arith.constant 192 : index
        %get3A_479 = tpu.vector_load %arg7[%get3A_477, %get3A_478] {strides = array<i32>} : memref<64x256xf32, #tpu.memory_space<vmem>>, vector<16xf32>,
        %get3A_480 = arith.constant 192 : index
        %get3A_481 = tpu.vector_load %arg10[%get3A_480] {strides = array<i32>} : memref<272xf32, #tpu.memory_space<vmem>>, vector<16xf32>,
        %mul3A_482 = arith.mulf %get3A_479, %get3A_481 : vector<16xf32>
        %add3A_483 = arith.addf %add3A_475, %mul3A_482 : vector<16xf32>
        %max3A_484 = arith.maximumf %cond3A_381#28, %get3A_479 : vector<16xf32>
        %get3A_485 = arith.index_cast %while3A_338 : i32 to index
        %get3A_486 = arith.constant 208 : index
        %get3A_487 = tpu.vector_load %arg7[%get3A_485, %get3A_486] {strides = array<i32>} : memref<64x256xf32, #tpu.memory_space<vmem>>, vector<16xf32>,
        %get3A_488 = arith.constant 208 : index
        %get3A_489 = tpu.vector_load %arg10[%get3A_488] {strides = array<i32>} : memref<272xf32, #tpu.memory_space<vmem>>, vector<16xf32>,
        %mul3A_490 = arith.mulf %get3A_487, %get3A_489 : vector<16xf32>
        %add3A_491 = arith.addf %add3A_483, %mul3A_490 : vector<16xf32>
        %max3A_492 = arith.maximumf %cond3A_381#29, %get3A_487 : vector<16xf32>
        %get3A_493 = arith.index_cast %while3A_338 : i32 to index
        %get3A_494 = arith.constant 224 : index
        %get3A_495 = tpu.vector_load %arg7[%get3A_493, %get3A_494] {strides = array<i32>} : memref<64x256xf32, #tpu.memory_space<vmem>>, vector<16xf32>,
        %get3A_496 = arith.constant 224 : index
        %get3A_497 = tpu.vector_load %arg10[%get3A_496] {strides = array<i32>} : memref<272xf32, #tpu.memory_space<vmem>>, vector<16xf32>,
        %mul3A_498 = arith.mulf %get3A_495, %get3A_497 : vector<16xf32>
        %add3A_499 = arith.addf %add3A_491, %mul3A_498 : vector<16xf32>
        %max3A_500 = arith.maximumf %cond3A_381#30, %get3A_495 : vector<16xf32>
        %get3A_501 = arith.index_cast %while3A_338 : i32 to index
        %get3A_502 = arith.constant 240 : index
        %get3A_503 = tpu.vector_load %arg7[%get3A_501, %get3A_502] {strides = array<i32>} : memref<64x256xf32, #tpu.memory_space<vmem>>, vector<16xf32>,
        %get3A_504 = arith.constant 240 : index
        %get3A_505 = tpu.vector_load %arg10[%get3A_504] {strides = array<i32>} : memref<272xf32, #tpu.memory_space<vmem>>, vector<16xf32>,
        %mul3A_506 = arith.mulf %get3A_503, %get3A_505 : vector<16xf32>
        %add3A_507 = arith.addf %add3A_499, %mul3A_506 : vector<16xf32>
        %max3A_508 = arith.maximumf %cond3A_381#31, %get3A_503 : vector<16xf32>
        %reduce_sum3A = arith.constant true
        %reduce_sum3A_509 = vector.broadcast %reduce_sum3A : i1 to vector<16xi1>
        %reduce_sum3A_510 = tpu.scan <sum>, %add3A_507 masked %reduce_sum3A_509 : vector<16xf32>, vector<16xi1> -> vector<16xf32>
        %reduce_sum3A_511 = vector.extract %reduce_sum3A_510[15] : f32 from vector<16xf32>
        %broadcast_in_dim3A_512 = vector.broadcast %reduce_sum3A_511 : f32 to vector<16xf32>
        %add3A_513 = arith.addf %broadcast_in_dim3A_512, %get3A_36 : vector<16xf32>
        %neg3A = arith.constant 0.000000e+00 : f32
        %neg3A_514 = vector.broadcast %neg3A : f32 to vector<16xf32>
        %neg3A_515 = arith.subf %neg3A_514, %add3A_513 : vector<16xf32>
        %exp3A = math.exp %neg3A_515 : vector<16xf32>
        %add3A_516 = arith.constant 1.000000e+00 : f32
        %add3A_517 = vector.broadcast %add3A_516 : f32 to vector<16xf32>
        %add3A_518 = arith.addf %add3A_517, %exp3A : vector<16xf32>
        %div3A_519 = arith.constant 1.000000e+00 : f32
        %div3A_520 = vector.broadcast %div3A_519 : f32 to vector<16xf32>
        %div3A_521 = arith.divf %div3A_520, %add3A_518 : vector<16xf32>
        %get3A_522 = arith.index_cast %while3A_338 : i32 to index
        %get3A_523 = arith.constant 0 : index
        %get3A_524 = tpu.vector_load %arg7[%get3A_522, %get3A_523] {strides = array<i32>} : memref<64x256xf32, #tpu.memory_space<vmem>>, vector<16xf32>,
        %mul3A_525 = arith.mulf %get3A_524, %div3A_521 : vector<16xf32>
        %add3A_526 = arith.addf %cond3A_381#0, %mul3A_525 : vector<16xf32>
        %get3A_527 = arith.index_cast %while3A_338 : i32 to index
        %get3A_528 = arith.constant 16 : index
        %get3A_529 = tpu.vector_load %arg7[%get3A_527, %get3A_528] {strides = array<i32>} : memref<64x256xf32, #tpu.memory_space<vmem>>, vector<16xf32>,
        %mul3A_530 = arith.mulf %get3A_529, %div3A_521 : vector<16xf32>
        %add3A_531 = arith.addf %cond3A_381#1, %mul3A_530 : vector<16xf32>
        %get3A_532 = arith.index_cast %while3A_338 : i32 to index
        %get3A_533 = arith.constant 32 : index
        %get3A_534 = tpu.vector_load %arg7[%get3A_532, %get3A_533] {strides = array<i32>} : memref<64x256xf32, #tpu.memory_space<vmem>>, vector<16xf32>,
        %mul3A_535 = arith.mulf %get3A_534, %div3A_521 : vector<16xf32>
        %add3A_536 = arith.addf %cond3A_381#2, %mul3A_535 : vector<16xf32>
        %get3A_537 = arith.index_cast %while3A_338 : i32 to index
        %get3A_538 = arith.constant 48 : index
        %get3A_539 = tpu.vector_load %arg7[%get3A_537, %get3A_538] {strides = array<i32>} : memref<64x256xf32, #tpu.memory_space<vmem>>, vector<16xf32>,
        %mul3A_540 = arith.mulf %get3A_539, %div3A_521 : vector<16xf32>
        %add3A_541 = arith.addf %cond3A_381#3, %mul3A_540 : vector<16xf32>
        %get3A_542 = arith.index_cast %while3A_338 : i32 to index
        %get3A_543 = arith.constant 64 : index
        %get3A_544 = tpu.vector_load %arg7[%get3A_542, %get3A_543] {strides = array<i32>} : memref<64x256xf32, #tpu.memory_space<vmem>>, vector<16xf32>,
        %mul3A_545 = arith.mulf %get3A_544, %div3A_521 : vector<16xf32>
        %add3A_546 = arith.addf %cond3A_381#4, %mul3A_545 : vector<16xf32>
        %get3A_547 = arith.index_cast %while3A_338 : i32 to index
        %get3A_548 = arith.constant 80 : index
        %get3A_549 = tpu.vector_load %arg7[%get3A_547, %get3A_548] {strides = array<i32>} : memref<64x256xf32, #tpu.memory_space<vmem>>, vector<16xf32>,
        %mul3A_550 = arith.mulf %get3A_549, %div3A_521 : vector<16xf32>
        %add3A_551 = arith.addf %cond3A_381#5, %mul3A_550 : vector<16xf32>
        %get3A_552 = arith.index_cast %while3A_338 : i32 to index
        %get3A_553 = arith.constant 96 : index
        %get3A_554 = tpu.vector_load %arg7[%get3A_552, %get3A_553] {strides = array<i32>} : memref<64x256xf32, #tpu.memory_space<vmem>>, vector<16xf32>,
        %mul3A_555 = arith.mulf %get3A_554, %div3A_521 : vector<16xf32>
        %add3A_556 = arith.addf %cond3A_381#6, %mul3A_555 : vector<16xf32>
        %get3A_557 = arith.index_cast %while3A_338 : i32 to index
        %get3A_558 = arith.constant 112 : index
        %get3A_559 = tpu.vector_load %arg7[%get3A_557, %get3A_558] {strides = array<i32>} : memref<64x256xf32, #tpu.memory_space<vmem>>, vector<16xf32>,
        %mul3A_560 = arith.mulf %get3A_559, %div3A_521 : vector<16xf32>
        %add3A_561 = arith.addf %cond3A_381#7, %mul3A_560 : vector<16xf32>
        %get3A_562 = arith.index_cast %while3A_338 : i32 to index
        %get3A_563 = arith.constant 128 : index
        %get3A_564 = tpu.vector_load %arg7[%get3A_562, %get3A_563] {strides = array<i32>} : memref<64x256xf32, #tpu.memory_space<vmem>>, vector<16xf32>,
        %mul3A_565 = arith.mulf %get3A_564, %div3A_521 : vector<16xf32>
        %add3A_566 = arith.addf %cond3A_381#8, %mul3A_565 : vector<16xf32>
        %get3A_567 = arith.index_cast %while3A_338 : i32 to index
        %get3A_568 = arith.constant 144 : index
        %get3A_569 = tpu.vector_load %arg7[%get3A_567, %get3A_568] {strides = array<i32>} : memref<64x256xf32, #tpu.memory_space<vmem>>, vector<16xf32>,
        %mul3A_570 = arith.mulf %get3A_569, %div3A_521 : vector<16xf32>
        %add3A_571 = arith.addf %cond3A_381#9, %mul3A_570 : vector<16xf32>
        %get3A_572 = arith.index_cast %while3A_338 : i32 to index
        %get3A_573 = arith.constant 160 : index
        %get3A_574 = tpu.vector_load %arg7[%get3A_572, %get3A_573] {strides = array<i32>} : memref<64x256xf32, #tpu.memory_space<vmem>>, vector<16xf32>,
        %mul3A_575 = arith.mulf %get3A_574, %div3A_521 : vector<16xf32>
        %add3A_576 = arith.addf %cond3A_381#10, %mul3A_575 : vector<16xf32>
        %get3A_577 = arith.index_cast %while3A_338 : i32 to index
        %get3A_578 = arith.constant 176 : index
        %get3A_579 = tpu.vector_load %arg7[%get3A_577, %get3A_578] {strides = array<i32>} : memref<64x256xf32, #tpu.memory_space<vmem>>, vector<16xf32>,
        %mul3A_580 = arith.mulf %get3A_579, %div3A_521 : vector<16xf32>
        %add3A_581 = arith.addf %cond3A_381#11, %mul3A_580 : vector<16xf32>
        %get3A_582 = arith.index_cast %while3A_338 : i32 to index
        %get3A_583 = arith.constant 192 : index
        %get3A_584 = tpu.vector_load %arg7[%get3A_582, %get3A_583] {strides = array<i32>} : memref<64x256xf32, #tpu.memory_space<vmem>>, vector<16xf32>,
        %mul3A_585 = arith.mulf %get3A_584, %div3A_521 : vector<16xf32>
        %add3A_586 = arith.addf %cond3A_381#12, %mul3A_585 : vector<16xf32>
        %get3A_587 = arith.index_cast %while3A_338 : i32 to index
        %get3A_588 = arith.constant 208 : index
        %get3A_589 = tpu.vector_load %arg7[%get3A_587, %get3A_588] {strides = array<i32>} : memref<64x256xf32, #tpu.memory_space<vmem>>, vector<16xf32>,
        %mul3A_590 = arith.mulf %get3A_589, %div3A_521 : vector<16xf32>
        %add3A_591 = arith.addf %cond3A_381#13, %mul3A_590 : vector<16xf32>
        %get3A_592 = arith.index_cast %while3A_338 : i32 to index
        %get3A_593 = arith.constant 224 : index
        %get3A_594 = tpu.vector_load %arg7[%get3A_592, %get3A_593] {strides = array<i32>} : memref<64x256xf32, #tpu.memory_space<vmem>>, vector<16xf32>,
        %mul3A_595 = arith.mulf %get3A_594, %div3A_521 : vector<16xf32>
        %add3A_596 = arith.addf %cond3A_381#14, %mul3A_595 : vector<16xf32>
        %get3A_597 = arith.index_cast %while3A_338 : i32 to index
        %get3A_598 = arith.constant 240 : index
        %get3A_599 = tpu.vector_load %arg7[%get3A_597, %get3A_598] {strides = array<i32>} : memref<64x256xf32, #tpu.memory_space<vmem>>, vector<16xf32>,
        %mul3A_600 = arith.mulf %get3A_599, %div3A_521 : vector<16xf32>
        %add3A_601 = arith.addf %cond3A_381#15, %mul3A_600 : vector<16xf32>
        scf.yield %squeeze3A_377, %add3A_526, %add3A_531, %add3A_536, %add3A_541, %add3A_546, %add3A_551, %add3A_556, %add3A_561, %add3A_566, %add3A_571, %add3A_576, %add3A_581, %add3A_586, %add3A_591, %add3A_596, %add3A_601, %max3A, %max3A_396, %max3A_404, %max3A_412, %max3A_420, %max3A_428, %max3A_436, %max3A_444, %max3A_452, %max3A_460, %max3A_468, %max3A_476, %max3A_484, %max3A_492, %max3A_500, %max3A_508 : i32, vector<16xf32>, vector<16xf32>, vector<16xf32>, vector<16xf32>, vector<16xf32>, vector<16xf32>, vector<16xf32>, vector<16xf32>, vector<16xf32>, vector<16xf32>, vector<16xf32>, vector<16xf32>, vector<16xf32>, vector<16xf32>, vector<16xf32>, vector<16xf32>, vector<16xf32>, vector<16xf32>, vector<16xf32>, vector<16xf32>, vector<16xf32>, vector<16xf32>, vector<16xf32>, vector<16xf32>, vector<16xf32>, vector<16xf32>, vector<16xf32>, vector<16xf32>, vector<16xf32>, vector<16xf32>, vector<16xf32>, vector<16xf32>
      }
      %mul3A_293 = arith.constant 2 : i32
      %mul3A_294 = arith.muli %mul3A_293, %scan3A_216 : i32
      %add3A_295 = arith.constant 2 : i32
      %add3A_296 = arith.addi %mul3A_294, %add3A_295 : i32
      %mul3A_297 = arith.constant 64 : i32
      %mul3A_298 = arith.muli %add3A_296, %mul3A_297 : i32
      %add3A_299 = arith.addi %mul3A_6, %mul3A_298 : i32
      %sub3A_300 = arith.constant 64 : i32
      %sub3A_301 = arith.subi %add3A_12, %sub3A_300 : i32
      %min3A_302 = arith.minsi %add3A_299, %sub3A_301 : i32
      %dma_start3A_303 = arith.constant 0 : i32
      %dma_start3A_304 = tpu.memref_slice %arg2[%min3A_302, %dma_start3A_303] : memref<50000x256xf32, #tpu.memory_space<hbm>> -> memref<64x256xf32, #tpu.memory_space<hbm>>
      %dma_start3A_305 = arith.constant 0 : i32
      %dma_start3A_306 = tpu.memref_slice %arg2[%min3A_302, %dma_start3A_305] : memref<50000x256xf32, #tpu.memory_space<hbm>> -> memref<64x256xf32, #tpu.memory_space<hbm>>
      tpu.enqueue_dma source(%dma_start3A_306 : memref<64x256xf32, #tpu.memory_space<hbm>>) target(%arg7 : memref<64x256xf32, #tpu.memory_space<vmem>>) target_semaphore(%arg13 : memref<!tpu.dma_semaphore, #tpu.memory_space<semaphore_mem>>)
      %dma_wait3A_307 = arith.constant 0 : i32
      %dma_wait3A_308 = arith.constant 0 : i32
      %dma_wait3A_309 = tpu.memref_slice %arg2[%dma_wait3A_307, %dma_wait3A_308] : memref<50000x256xf32, #tpu.memory_space<hbm>> -> memref<64x256xf32, #tpu.memory_space<hbm>>
      %dma_wait3A_310 = arith.constant 0 : i32
      %dma_wait3A_311 = arith.constant 0 : i32
      %dma_wait3A_312 = tpu.memref_slice %arg2[%dma_wait3A_310, %dma_wait3A_311] : memref<50000x256xf32, #tpu.memory_space<hbm>> -> memref<64x256xf32, #tpu.memory_space<hbm>>
      tpu.wait_dma2 semaphore(%arg14 : memref<!tpu.dma_semaphore, #tpu.memory_space<semaphore_mem>>) src(%dma_wait3A_312 : memref<64x256xf32, #tpu.memory_space<hbm>>) dst(%arg8 : memref<64x256xf32, #tpu.memory_space<vmem>>)
      %mul3A_313 = arith.constant 2 : i32
      %mul3A_314 = arith.muli %mul3A_313, %scan3A_216 : i32
      %add3A_315 = arith.constant 1 : i32
      %add3A_316 = arith.addi %mul3A_314, %add3A_315 : i32
      %mul3A_317 = arith.constant 64 : i32
      %mul3A_318 = arith.muli %add3A_316, %mul3A_317 : i32
      %add3A_319 = arith.addi %mul3A_6, %mul3A_318 : i32
      %sub3A_320 = arith.constant 64 : i32
      %sub3A_321 = arith.subi %add3A_12, %sub3A_320 : i32
      %min3A_322 = arith.minsi %add3A_319, %sub3A_321 : i32
      %mul3A_323 = arith.constant 64 : i32
      %mul3A_324 = arith.muli %add3A_316, %mul3A_323 : i32
      %add3A_325 = arith.addi %mul3A_6, %mul3A_324 : i32
      %sub3A_326 = arith.subi %add3A_325, %min3A_322 : i32
      %while3A_327 = arith.constant 64 : i32
      %while3A_328 = arith.subi %while3A_327, %sub3A_326 : i32
      %while3A_329 = arith.addi %sub3A_326, %while3A_328 : i32
      %while3A_330 = arith.constant 1 : i32
      %while3A_331 = arith.divsi %while3A_328, %while3A_330 : i32
      %while3A_332 = arith.muli %while3A_331, %while3A_330 : i32
      %while3A_333 = arith.addi %sub3A_326, %while3A_332 : i32
      %while3A_334 = arith.constant 1 : i32
      %while3A_335:33 = scf.for %while3A_338 = %sub3A_326 to %while3A_333 step %while3A_334 iter_args(%while3A_339 = %while3A_292#0, %while3A_340 = %while3A_292#1, %while3A_341 = %while3A_292#2, %while3A_342 = %while3A_292#3, %while3A_343 = %while3A_292#4, %while3A_344 = %while3A_292#5, %while3A_345 = %while3A_292#6, %while3A_346 = %while3A_292#7, %while3A_347 = %while3A_292#8, %while3A_348 = %while3A_292#9, %while3A_349 = %while3A_292#10, %while3A_350 = %while3A_292#11, %while3A_351 = %while3A_292#12, %while3A_352 = %while3A_292#13, %while3A_353 = %while3A_292#14, %while3A_354 = %while3A_292#15, %while3A_355 = %while3A_292#16, %while3A_356 = %while3A_292#17, %while3A_357 = %while3A_292#18, %while3A_358 = %while3A_292#19, %while3A_359 = %while3A_292#20, %while3A_360 = %while3A_292#21, %while3A_361 = %while3A_292#22, %while3A_362 = %while3A_292#23, %while3A_363 = %while3A_292#24, %while3A_364 = %while3A_292#25, %while3A_365 = %while3A_292#26, %while3A_366 = %while3A_292#27, %while3A_367 = %while3A_292#28, %while3A_368 = %while3A_292#29, %while3A_369 = %while3A_292#30, %while3A_370 = %while3A_292#31, %while3A_371 = %while3A_292#32) -> (i32, vector<16xf32>, vector<16xf32>, vector<16xf32>, vector<16xf32>, vector<16xf32>, vector<16xf32>, vector<16xf32>, vector<16xf32>, vector<16xf32>, vector<16xf32>, vector<16xf32>, vector<16xf32>, vector<16xf32>, vector<16xf32>, vector<16xf32>, vector<16xf32>, vector<16xf32>, vector<16xf32>, vector<16xf32>, vector<16xf32>, vector<16xf32>, vector<16xf32>, vector<16xf32>, vector<16xf32>, vector<16xf32>, vector<16xf32>, vector<16xf32>, vector<16xf32>, vector<16xf32>, vector<16xf32>, vector<16xf32>, vector<16xf32>)  : i32 {
        %add3A_372 = arith.addi %min3A_322, %while3A_338 : i32
        %sub3A_373 = arith.subi %add3A_372, %min3A_32 : i32
        %get3A_374 = arith.index_cast %sub3A_373 : i32 to index
        %get3A_375 = tpu.vector_load %arg9[%get3A_374] {strides = array<i32>} : memref<1640xi32, #tpu.memory_space<vmem>>, vector<16xi32>,
        %slice3A_376 = vector.extract_strided_slice %get3A_375 {offsets = [0], sizes = [1], strides = [1]} : vector<16xi32> to vector<1xi32>
        %squeeze3A_377 = vector.extract %slice3A_376[0] : i32 from vector<1xi32>
        %ne3A_378 = arith.cmpi ne, %squeeze3A_377, %while3A_339 : i32
        %convert_element_type3A_379 = arith.extui %ne3A_378 : i1 to i32
        %cond3A = arith.constant 0 : i32
        %cond3A_380 = arith.cmpi ne, %convert_element_type3A_379, %cond3A : i32
        %cond3A_381:32 = scf.if %cond3A_380 -> (vector<16xf32>, vector<16xf32>, vector<16xf32>, vector<16xf32>, vector<16xf32>, vector<16xf32>, vector<16xf32>, vector<16xf32>, vector<16xf32>, vector<16xf32>, vector<16xf32>, vector<16xf32>, vector<16xf32>, vector<16xf32>, vector<16xf32>, vector<16xf32>, vector<16xf32>, vector<16xf32>, vector<16xf32>, vector<16xf32>, vector<16xf32>, vector<16xf32>, vector<16xf32>, vector<16xf32>, vector<16xf32>, vector<16xf32>, vector<16xf32>, vector<16xf32>, vector<16xf32>, vector<16xf32>, vector<16xf32>, vector<16xf32>) {
          %mul3A_602 = arith.constant 256 : i32
          %mul3A_603 = arith.muli %while3A_339, %mul3A_602 : i32
          %add3A_604 = arith.constant 0 : i32
          %add3A_605 = arith.addi %mul3A_603, %add3A_604 : i32
          %swap3A_606 = arith.index_cast %add3A_605 : i32 to index
          %swap3A_607 = tpu.vector_load %arg11[%swap3A_606] {strides = array<i32>} : memref<32768xf32, #tpu.memory_space<vmem>>, vector<16xf32>,
          tpu.vector_store %arg11[%swap3A_606], %while3A_340 {strides = array<i32>} : memref<32768xf32, #tpu.memory_space<vmem>>, vector<16xf32>,
          %add3A_608 = arith.constant 0 : i32
          %add3A_609 = arith.addi %mul3A_603, %add3A_608 : i32
          %swap3A_610 = arith.index_cast %add3A_609 : i32 to index
          %swap3A_611 = tpu.vector_load %arg12[%swap3A_610] {strides = array<i32>} : memref<32768xf32, #tpu.memory_space<vmem>>, vector<16xf32>,
          tpu.vector_store %arg12[%swap3A_610], %while3A_356 {strides = array<i32>} : memref<32768xf32, #tpu.memory_space<vmem>>, vector<16xf32>,
          %add3A_612 = arith.constant 16 : i32
          %add3A_613 = arith.addi %mul3A_603, %add3A_612 : i32
          %swap3A_614 = arith.index_cast %add3A_613 : i32 to index
          %swap3A_615 = tpu.vector_load %arg11[%swap3A_614] {strides = array<i32>} : memref<32768xf32, #tpu.memory_space<vmem>>, vector<16xf32>,
          tpu.vector_store %arg11[%swap3A_614], %while3A_341 {strides = array<i32>} : memref<32768xf32, #tpu.memory_space<vmem>>, vector<16xf32>,
          %add3A_616 = arith.constant 16 : i32
          %add3A_617 = arith.addi %mul3A_603, %add3A_616 : i32
          %swap3A_618 = arith.index_cast %add3A_617 : i32 to index
          %swap3A_619 = tpu.vector_load %arg12[%swap3A_618] {strides = array<i32>} : memref<32768xf32, #tpu.memory_space<vmem>>, vector<16xf32>,
          tpu.vector_store %arg12[%swap3A_618], %while3A_357 {strides = array<i32>} : memref<32768xf32, #tpu.memory_space<vmem>>, vector<16xf32>,
          %add3A_620 = arith.constant 32 : i32
          %add3A_621 = arith.addi %mul3A_603, %add3A_620 : i32
          %swap3A_622 = arith.index_cast %add3A_621 : i32 to index
          %swap3A_623 = tpu.vector_load %arg11[%swap3A_622] {strides = array<i32>} : memref<32768xf32, #tpu.memory_space<vmem>>, vector<16xf32>,
          tpu.vector_store %arg11[%swap3A_622], %while3A_342 {strides = array<i32>} : memref<32768xf32, #tpu.memory_space<vmem>>, vector<16xf32>,
          %add3A_624 = arith.constant 32 : i32
          %add3A_625 = arith.addi %mul3A_603, %add3A_624 : i32
          %swap3A_626 = arith.index_cast %add3A_625 : i32 to index
          %swap3A_627 = tpu.vector_load %arg12[%swap3A_626] {strides = array<i32>} : memref<32768xf32, #tpu.memory_space<vmem>>, vector<16xf32>,
          tpu.vector_store %arg12[%swap3A_626], %while3A_358 {strides = array<i32>} : memref<32768xf32, #tpu.memory_space<vmem>>, vector<16xf32>,
          %add3A_628 = arith.constant 48 : i32
          %add3A_629 = arith.addi %mul3A_603, %add3A_628 : i32
          %swap3A_630 = arith.index_cast %add3A_629 : i32 to index
          %swap3A_631 = tpu.vector_load %arg11[%swap3A_630] {strides = array<i32>} : memref<32768xf32, #tpu.memory_space<vmem>>, vector<16xf32>,
          tpu.vector_store %arg11[%swap3A_630], %while3A_343 {strides = array<i32>} : memref<32768xf32, #tpu.memory_space<vmem>>, vector<16xf32>,
          %add3A_632 = arith.constant 48 : i32
          %add3A_633 = arith.addi %mul3A_603, %add3A_632 : i32
          %swap3A_634 = arith.index_cast %add3A_633 : i32 to index
          %swap3A_635 = tpu.vector_load %arg12[%swap3A_634] {strides = array<i32>} : memref<32768xf32, #tpu.memory_space<vmem>>, vector<16xf32>,
          tpu.vector_store %arg12[%swap3A_634], %while3A_359 {strides = array<i32>} : memref<32768xf32, #tpu.memory_space<vmem>>, vector<16xf32>,
          %add3A_636 = arith.constant 64 : i32
          %add3A_637 = arith.addi %mul3A_603, %add3A_636 : i32
          %swap3A_638 = arith.index_cast %add3A_637 : i32 to index
          %swap3A_639 = tpu.vector_load %arg11[%swap3A_638] {strides = array<i32>} : memref<32768xf32, #tpu.memory_space<vmem>>, vector<16xf32>,
          tpu.vector_store %arg11[%swap3A_638], %while3A_344 {strides = array<i32>} : memref<32768xf32, #tpu.memory_space<vmem>>, vector<16xf32>,
          %add3A_640 = arith.constant 64 : i32
          %add3A_641 = arith.addi %mul3A_603, %add3A_640 : i32
          %swap3A_642 = arith.index_cast %add3A_641 : i32 to index
          %swap3A_643 = tpu.vector_load %arg12[%swap3A_642] {strides = array<i32>} : memref<32768xf32, #tpu.memory_space<vmem>>, vector<16xf32>,
          tpu.vector_store %arg12[%swap3A_642], %while3A_360 {strides = array<i32>} : memref<32768xf32, #tpu.memory_space<vmem>>, vector<16xf32>,
          %add3A_644 = arith.constant 80 : i32
          %add3A_645 = arith.addi %mul3A_603, %add3A_644 : i32
          %swap3A_646 = arith.index_cast %add3A_645 : i32 to index
          %swap3A_647 = tpu.vector_load %arg11[%swap3A_646] {strides = array<i32>} : memref<32768xf32, #tpu.memory_space<vmem>>, vector<16xf32>,
          tpu.vector_store %arg11[%swap3A_646], %while3A_345 {strides = array<i32>} : memref<32768xf32, #tpu.memory_space<vmem>>, vector<16xf32>,
          %add3A_648 = arith.constant 80 : i32
          %add3A_649 = arith.addi %mul3A_603, %add3A_648 : i32
          %swap3A_650 = arith.index_cast %add3A_649 : i32 to index
          %swap3A_651 = tpu.vector_load %arg12[%swap3A_650] {strides = array<i32>} : memref<32768xf32, #tpu.memory_space<vmem>>, vector<16xf32>,
          tpu.vector_store %arg12[%swap3A_650], %while3A_361 {strides = array<i32>} : memref<32768xf32, #tpu.memory_space<vmem>>, vector<16xf32>,
          %add3A_652 = arith.constant 96 : i32
          %add3A_653 = arith.addi %mul3A_603, %add3A_652 : i32
          %swap3A_654 = arith.index_cast %add3A_653 : i32 to index
          %swap3A_655 = tpu.vector_load %arg11[%swap3A_654] {strides = array<i32>} : memref<32768xf32, #tpu.memory_space<vmem>>, vector<16xf32>,
          tpu.vector_store %arg11[%swap3A_654], %while3A_346 {strides = array<i32>} : memref<32768xf32, #tpu.memory_space<vmem>>, vector<16xf32>,
          %add3A_656 = arith.constant 96 : i32
          %add3A_657 = arith.addi %mul3A_603, %add3A_656 : i32
          %swap3A_658 = arith.index_cast %add3A_657 : i32 to index
          %swap3A_659 = tpu.vector_load %arg12[%swap3A_658] {strides = array<i32>} : memref<32768xf32, #tpu.memory_space<vmem>>, vector<16xf32>,
          tpu.vector_store %arg12[%swap3A_658], %while3A_362 {strides = array<i32>} : memref<32768xf32, #tpu.memory_space<vmem>>, vector<16xf32>,
          %add3A_660 = arith.constant 112 : i32
          %add3A_661 = arith.addi %mul3A_603, %add3A_660 : i32
          %swap3A_662 = arith.index_cast %add3A_661 : i32 to index
          %swap3A_663 = tpu.vector_load %arg11[%swap3A_662] {strides = array<i32>} : memref<32768xf32, #tpu.memory_space<vmem>>, vector<16xf32>,
          tpu.vector_store %arg11[%swap3A_662], %while3A_347 {strides = array<i32>} : memref<32768xf32, #tpu.memory_space<vmem>>, vector<16xf32>,
          %add3A_664 = arith.constant 112 : i32
          %add3A_665 = arith.addi %mul3A_603, %add3A_664 : i32
          %swap3A_666 = arith.index_cast %add3A_665 : i32 to index
          %swap3A_667 = tpu.vector_load %arg12[%swap3A_666] {strides = array<i32>} : memref<32768xf32, #tpu.memory_space<vmem>>, vector<16xf32>,
          tpu.vector_store %arg12[%swap3A_666], %while3A_363 {strides = array<i32>} : memref<32768xf32, #tpu.memory_space<vmem>>, vector<16xf32>,
          %add3A_668 = arith.constant 128 : i32
          %add3A_669 = arith.addi %mul3A_603, %add3A_668 : i32
          %swap3A_670 = arith.index_cast %add3A_669 : i32 to index
          %swap3A_671 = tpu.vector_load %arg11[%swap3A_670] {strides = array<i32>} : memref<32768xf32, #tpu.memory_space<vmem>>, vector<16xf32>,
          tpu.vector_store %arg11[%swap3A_670], %while3A_348 {strides = array<i32>} : memref<32768xf32, #tpu.memory_space<vmem>>, vector<16xf32>,
          %add3A_672 = arith.constant 128 : i32
          %add3A_673 = arith.addi %mul3A_603, %add3A_672 : i32
          %swap3A_674 = arith.index_cast %add3A_673 : i32 to index
          %swap3A_675 = tpu.vector_load %arg12[%swap3A_674] {strides = array<i32>} : memref<32768xf32, #tpu.memory_space<vmem>>, vector<16xf32>,
          tpu.vector_store %arg12[%swap3A_674], %while3A_364 {strides = array<i32>} : memref<32768xf32, #tpu.memory_space<vmem>>, vector<16xf32>,
          %add3A_676 = arith.constant 144 : i32
          %add3A_677 = arith.addi %mul3A_603, %add3A_676 : i32
          %swap3A_678 = arith.index_cast %add3A_677 : i32 to index
          %swap3A_679 = tpu.vector_load %arg11[%swap3A_678] {strides = array<i32>} : memref<32768xf32, #tpu.memory_space<vmem>>, vector<16xf32>,
          tpu.vector_store %arg11[%swap3A_678], %while3A_349 {strides = array<i32>} : memref<32768xf32, #tpu.memory_space<vmem>>, vector<16xf32>,
          %add3A_680 = arith.constant 144 : i32
          %add3A_681 = arith.addi %mul3A_603, %add3A_680 : i32
          %swap3A_682 = arith.index_cast %add3A_681 : i32 to index
          %swap3A_683 = tpu.vector_load %arg12[%swap3A_682] {strides = array<i32>} : memref<32768xf32, #tpu.memory_space<vmem>>, vector<16xf32>,
          tpu.vector_store %arg12[%swap3A_682], %while3A_365 {strides = array<i32>} : memref<32768xf32, #tpu.memory_space<vmem>>, vector<16xf32>,
          %add3A_684 = arith.constant 160 : i32
          %add3A_685 = arith.addi %mul3A_603, %add3A_684 : i32
          %swap3A_686 = arith.index_cast %add3A_685 : i32 to index
          %swap3A_687 = tpu.vector_load %arg11[%swap3A_686] {strides = array<i32>} : memref<32768xf32, #tpu.memory_space<vmem>>, vector<16xf32>,
          tpu.vector_store %arg11[%swap3A_686], %while3A_350 {strides = array<i32>} : memref<32768xf32, #tpu.memory_space<vmem>>, vector<16xf32>,
          %add3A_688 = arith.constant 160 : i32
          %add3A_689 = arith.addi %mul3A_603, %add3A_688 : i32
          %swap3A_690 = arith.index_cast %add3A_689 : i32 to index
          %swap3A_691 = tpu.vector_load %arg12[%swap3A_690] {strides = array<i32>} : memref<32768xf32, #tpu.memory_space<vmem>>, vector<16xf32>,
          tpu.vector_store %arg12[%swap3A_690], %while3A_366 {strides = array<i32>} : memref<32768xf32, #tpu.memory_space<vmem>>, vector<16xf32>,
          %add3A_692 = arith.constant 176 : i32
          %add3A_693 = arith.addi %mul3A_603, %add3A_692 : i32
          %swap3A_694 = arith.index_cast %add3A_693 : i32 to index
          %swap3A_695 = tpu.vector_load %arg11[%swap3A_694] {strides = array<i32>} : memref<32768xf32, #tpu.memory_space<vmem>>, vector<16xf32>,
          tpu.vector_store %arg11[%swap3A_694], %while3A_351 {strides = array<i32>} : memref<32768xf32, #tpu.memory_space<vmem>>, vector<16xf32>,
          %add3A_696 = arith.constant 176 : i32
          %add3A_697 = arith.addi %mul3A_603, %add3A_696 : i32
          %swap3A_698 = arith.index_cast %add3A_697 : i32 to index
          %swap3A_699 = tpu.vector_load %arg12[%swap3A_698] {strides = array<i32>} : memref<32768xf32, #tpu.memory_space<vmem>>, vector<16xf32>,
          tpu.vector_store %arg12[%swap3A_698], %while3A_367 {strides = array<i32>} : memref<32768xf32, #tpu.memory_space<vmem>>, vector<16xf32>,
          %add3A_700 = arith.constant 192 : i32
          %add3A_701 = arith.addi %mul3A_603, %add3A_700 : i32
          %swap3A_702 = arith.index_cast %add3A_701 : i32 to index
          %swap3A_703 = tpu.vector_load %arg11[%swap3A_702] {strides = array<i32>} : memref<32768xf32, #tpu.memory_space<vmem>>, vector<16xf32>,
          tpu.vector_store %arg11[%swap3A_702], %while3A_352 {strides = array<i32>} : memref<32768xf32, #tpu.memory_space<vmem>>, vector<16xf32>,
          %add3A_704 = arith.constant 192 : i32
          %add3A_705 = arith.addi %mul3A_603, %add3A_704 : i32
          %swap3A_706 = arith.index_cast %add3A_705 : i32 to index
          %swap3A_707 = tpu.vector_load %arg12[%swap3A_706] {strides = array<i32>} : memref<32768xf32, #tpu.memory_space<vmem>>, vector<16xf32>,
          tpu.vector_store %arg12[%swap3A_706], %while3A_368 {strides = array<i32>} : memref<32768xf32, #tpu.memory_space<vmem>>, vector<16xf32>,
          %add3A_708 = arith.constant 208 : i32
          %add3A_709 = arith.addi %mul3A_603, %add3A_708 : i32
          %swap3A_710 = arith.index_cast %add3A_709 : i32 to index
          %swap3A_711 = tpu.vector_load %arg11[%swap3A_710] {strides = array<i32>} : memref<32768xf32, #tpu.memory_space<vmem>>, vector<16xf32>,
          tpu.vector_store %arg11[%swap3A_710], %while3A_353 {strides = array<i32>} : memref<32768xf32, #tpu.memory_space<vmem>>, vector<16xf32>,
          %add3A_712 = arith.constant 208 : i32
          %add3A_713 = arith.addi %mul3A_603, %add3A_712 : i32
          %swap3A_714 = arith.index_cast %add3A_713 : i32 to index
          %swap3A_715 = tpu.vector_load %arg12[%swap3A_714] {strides = array<i32>} : memref<32768xf32, #tpu.memory_space<vmem>>, vector<16xf32>,
          tpu.vector_store %arg12[%swap3A_714], %while3A_369 {strides = array<i32>} : memref<32768xf32, #tpu.memory_space<vmem>>, vector<16xf32>,
          %add3A_716 = arith.constant 224 : i32
          %add3A_717 = arith.addi %mul3A_603, %add3A_716 : i32
          %swap3A_718 = arith.index_cast %add3A_717 : i32 to index
          %swap3A_719 = tpu.vector_load %arg11[%swap3A_718] {strides = array<i32>} : memref<32768xf32, #tpu.memory_space<vmem>>, vector<16xf32>,
          tpu.vector_store %arg11[%swap3A_718], %while3A_354 {strides = array<i32>} : memref<32768xf32, #tpu.memory_space<vmem>>, vector<16xf32>,
          %add3A_720 = arith.constant 224 : i32
          %add3A_721 = arith.addi %mul3A_603, %add3A_720 : i32
          %swap3A_722 = arith.index_cast %add3A_721 : i32 to index
          %swap3A_723 = tpu.vector_load %arg12[%swap3A_722] {strides = array<i32>} : memref<32768xf32, #tpu.memory_space<vmem>>, vector<16xf32>,
          tpu.vector_store %arg12[%swap3A_722], %while3A_370 {strides = array<i32>} : memref<32768xf32, #tpu.memory_space<vmem>>, vector<16xf32>,
          %add3A_724 = arith.constant 240 : i32
          %add3A_725 = arith.addi %mul3A_603, %add3A_724 : i32
          %swap3A_726 = arith.index_cast %add3A_725 : i32 to index
          %swap3A_727 = tpu.vector_load %arg11[%swap3A_726] {strides = array<i32>} : memref<32768xf32, #tpu.memory_space<vmem>>, vector<16xf32>,
          tpu.vector_store %arg11[%swap3A_726], %while3A_355 {strides = array<i32>} : memref<32768xf32, #tpu.memory_space<vmem>>, vector<16xf32>,
          %add3A_728 = arith.constant 240 : i32
          %add3A_729 = arith.addi %mul3A_603, %add3A_728 : i32
          %swap3A_730 = arith.index_cast %add3A_729 : i32 to index
          %swap3A_731 = tpu.vector_load %arg12[%swap3A_730] {strides = array<i32>} : memref<32768xf32, #tpu.memory_space<vmem>>, vector<16xf32>,
          tpu.vector_store %arg12[%swap3A_730], %while3A_371 {strides = array<i32>} : memref<32768xf32, #tpu.memory_space<vmem>>, vector<16xf32>,
          scf.yield %broadcast_in_dim3A_33, %broadcast_in_dim3A_33, %broadcast_in_dim3A_33, %broadcast_in_dim3A_33, %broadcast_in_dim3A_33, %broadcast_in_dim3A_33, %broadcast_in_dim3A_33, %broadcast_in_dim3A_33, %broadcast_in_dim3A_33, %broadcast_in_dim3A_33, %broadcast_in_dim3A_33, %broadcast_in_dim3A_33, %broadcast_in_dim3A_33, %broadcast_in_dim3A_33, %broadcast_in_dim3A_33, %broadcast_in_dim3A_33, %broadcast_in_dim3A_35, %broadcast_in_dim3A_35, %broadcast_in_dim3A_35, %broadcast_in_dim3A_35, %broadcast_in_dim3A_35, %broadcast_in_dim3A_35, %broadcast_in_dim3A_35, %broadcast_in_dim3A_35, %broadcast_in_dim3A_35, %broadcast_in_dim3A_35, %broadcast_in_dim3A_35, %broadcast_in_dim3A_35, %broadcast_in_dim3A_35, %broadcast_in_dim3A_35, %broadcast_in_dim3A_35, %broadcast_in_dim3A_35 : vector<16xf32>, vector<16xf32>, vector<16xf32>, vector<16xf32>, vector<16xf32>, vector<16xf32>, vector<16xf32>, vector<16xf32>, vector<16xf32>, vector<16xf32>, vector<16xf32>, vector<16xf32>, vector<16xf32>, vector<16xf32>, vector<16xf32>, vector<16xf32>, vector<16xf32>, vector<16xf32>, vector<16xf32>, vector<16xf32>, vector<16xf32>, vector<16xf32>, vector<16xf32>, vector<16xf32>, vector<16xf32>, vector<16xf32>, vector<16xf32>, vector<16xf32>, vector<16xf32>, vector<16xf32>, vector<16xf32>, vector<16xf32>
        } else {
          scf.yield %while3A_340, %while3A_341, %while3A_342, %while3A_343, %while3A_344, %while3A_345, %while3A_346, %while3A_347, %while3A_348, %while3A_349, %while3A_350, %while3A_351, %while3A_352, %while3A_353, %while3A_354, %while3A_355, %while3A_356, %while3A_357, %while3A_358, %while3A_359, %while3A_360, %while3A_361, %while3A_362, %while3A_363, %while3A_364, %while3A_365, %while3A_366, %while3A_367, %while3A_368, %while3A_369, %while3A_370, %while3A_371 : vector<16xf32>, vector<16xf32>, vector<16xf32>, vector<16xf32>, vector<16xf32>, vector<16xf32>, vector<16xf32>, vector<16xf32>, vector<16xf32>, vector<16xf32>, vector<16xf32>, vector<16xf32>, vector<16xf32>, vector<16xf32>, vector<16xf32>, vector<16xf32>, vector<16xf32>, vector<16xf32>, vector<16xf32>, vector<16xf32>, vector<16xf32>, vector<16xf32>, vector<16xf32>, vector<16xf32>, vector<16xf32>, vector<16xf32>, vector<16xf32>, vector<16xf32>, vector<16xf32>, vector<16xf32>, vector<16xf32>, vector<16xf32>
        }
        %get3A_382 = arith.index_cast %while3A_338 : i32 to index
        %get3A_383 = arith.constant 0 : index
        %get3A_384 = tpu.vector_load %arg8[%get3A_382, %get3A_383] {strides = array<i32>} : memref<64x256xf32, #tpu.memory_space<vmem>>, vector<16xf32>,
        %get3A_385 = arith.constant 0 : index
        %get3A_386 = tpu.vector_load %arg10[%get3A_385] {strides = array<i32>} : memref<272xf32, #tpu.memory_space<vmem>>, vector<16xf32>,
        %mul3A_387 = arith.mulf %get3A_384, %get3A_386 : vector<16xf32>
        %add3A_388 = arith.addf %broadcast_in_dim3A_33, %mul3A_387 : vector<16xf32>
        %max3A = arith.maximumf %cond3A_381#16, %get3A_384 : vector<16xf32>
        %get3A_389 = arith.index_cast %while3A_338 : i32 to index
        %get3A_390 = arith.constant 16 : index
        %get3A_391 = tpu.vector_load %arg8[%get3A_389, %get3A_390] {strides = array<i32>} : memref<64x256xf32, #tpu.memory_space<vmem>>, vector<16xf32>,
        %get3A_392 = arith.constant 16 : index
        %get3A_393 = tpu.vector_load %arg10[%get3A_392] {strides = array<i32>} : memref<272xf32, #tpu.memory_space<vmem>>, vector<16xf32>,
        %mul3A_394 = arith.mulf %get3A_391, %get3A_393 : vector<16xf32>
        %add3A_395 = arith.addf %add3A_388, %mul3A_394 : vector<16xf32>
        %max3A_396 = arith.maximumf %cond3A_381#17, %get3A_391 : vector<16xf32>
        %get3A_397 = arith.index_cast %while3A_338 : i32 to index
        %get3A_398 = arith.constant 32 : index
        %get3A_399 = tpu.vector_load %arg8[%get3A_397, %get3A_398] {strides = array<i32>} : memref<64x256xf32, #tpu.memory_space<vmem>>, vector<16xf32>,
        %get3A_400 = arith.constant 32 : index
        %get3A_401 = tpu.vector_load %arg10[%get3A_400] {strides = array<i32>} : memref<272xf32, #tpu.memory_space<vmem>>, vector<16xf32>,
        %mul3A_402 = arith.mulf %get3A_399, %get3A_401 : vector<16xf32>
        %add3A_403 = arith.addf %add3A_395, %mul3A_402 : vector<16xf32>
        %max3A_404 = arith.maximumf %cond3A_381#18, %get3A_399 : vector<16xf32>
        %get3A_405 = arith.index_cast %while3A_338 : i32 to index
        %get3A_406 = arith.constant 48 : index
        %get3A_407 = tpu.vector_load %arg8[%get3A_405, %get3A_406] {strides = array<i32>} : memref<64x256xf32, #tpu.memory_space<vmem>>, vector<16xf32>,
        %get3A_408 = arith.constant 48 : index
        %get3A_409 = tpu.vector_load %arg10[%get3A_408] {strides = array<i32>} : memref<272xf32, #tpu.memory_space<vmem>>, vector<16xf32>,
        %mul3A_410 = arith.mulf %get3A_407, %get3A_409 : vector<16xf32>
        %add3A_411 = arith.addf %add3A_403, %mul3A_410 : vector<16xf32>
        %max3A_412 = arith.maximumf %cond3A_381#19, %get3A_407 : vector<16xf32>
        %get3A_413 = arith.index_cast %while3A_338 : i32 to index
        %get3A_414 = arith.constant 64 : index
        %get3A_415 = tpu.vector_load %arg8[%get3A_413, %get3A_414] {strides = array<i32>} : memref<64x256xf32, #tpu.memory_space<vmem>>, vector<16xf32>,
        %get3A_416 = arith.constant 64 : index
        %get3A_417 = tpu.vector_load %arg10[%get3A_416] {strides = array<i32>} : memref<272xf32, #tpu.memory_space<vmem>>, vector<16xf32>,
        %mul3A_418 = arith.mulf %get3A_415, %get3A_417 : vector<16xf32>
        %add3A_419 = arith.addf %add3A_411, %mul3A_418 : vector<16xf32>
        %max3A_420 = arith.maximumf %cond3A_381#20, %get3A_415 : vector<16xf32>
        %get3A_421 = arith.index_cast %while3A_338 : i32 to index
        %get3A_422 = arith.constant 80 : index
        %get3A_423 = tpu.vector_load %arg8[%get3A_421, %get3A_422] {strides = array<i32>} : memref<64x256xf32, #tpu.memory_space<vmem>>, vector<16xf32>,
        %get3A_424 = arith.constant 80 : index
        %get3A_425 = tpu.vector_load %arg10[%get3A_424] {strides = array<i32>} : memref<272xf32, #tpu.memory_space<vmem>>, vector<16xf32>,
        %mul3A_426 = arith.mulf %get3A_423, %get3A_425 : vector<16xf32>
        %add3A_427 = arith.addf %add3A_419, %mul3A_426 : vector<16xf32>
        %max3A_428 = arith.maximumf %cond3A_381#21, %get3A_423 : vector<16xf32>
        %get3A_429 = arith.index_cast %while3A_338 : i32 to index
        %get3A_430 = arith.constant 96 : index
        %get3A_431 = tpu.vector_load %arg8[%get3A_429, %get3A_430] {strides = array<i32>} : memref<64x256xf32, #tpu.memory_space<vmem>>, vector<16xf32>,
        %get3A_432 = arith.constant 96 : index
        %get3A_433 = tpu.vector_load %arg10[%get3A_432] {strides = array<i32>} : memref<272xf32, #tpu.memory_space<vmem>>, vector<16xf32>,
        %mul3A_434 = arith.mulf %get3A_431, %get3A_433 : vector<16xf32>
        %add3A_435 = arith.addf %add3A_427, %mul3A_434 : vector<16xf32>
        %max3A_436 = arith.maximumf %cond3A_381#22, %get3A_431 : vector<16xf32>
        %get3A_437 = arith.index_cast %while3A_338 : i32 to index
        %get3A_438 = arith.constant 112 : index
        %get3A_439 = tpu.vector_load %arg8[%get3A_437, %get3A_438] {strides = array<i32>} : memref<64x256xf32, #tpu.memory_space<vmem>>, vector<16xf32>,
        %get3A_440 = arith.constant 112 : index
        %get3A_441 = tpu.vector_load %arg10[%get3A_440] {strides = array<i32>} : memref<272xf32, #tpu.memory_space<vmem>>, vector<16xf32>,
        %mul3A_442 = arith.mulf %get3A_439, %get3A_441 : vector<16xf32>
        %add3A_443 = arith.addf %add3A_435, %mul3A_442 : vector<16xf32>
        %max3A_444 = arith.maximumf %cond3A_381#23, %get3A_439 : vector<16xf32>
        %get3A_445 = arith.index_cast %while3A_338 : i32 to index
        %get3A_446 = arith.constant 128 : index
        %get3A_447 = tpu.vector_load %arg8[%get3A_445, %get3A_446] {strides = array<i32>} : memref<64x256xf32, #tpu.memory_space<vmem>>, vector<16xf32>,
        %get3A_448 = arith.constant 128 : index
        %get3A_449 = tpu.vector_load %arg10[%get3A_448] {strides = array<i32>} : memref<272xf32, #tpu.memory_space<vmem>>, vector<16xf32>,
        %mul3A_450 = arith.mulf %get3A_447, %get3A_449 : vector<16xf32>
        %add3A_451 = arith.addf %add3A_443, %mul3A_450 : vector<16xf32>
        %max3A_452 = arith.maximumf %cond3A_381#24, %get3A_447 : vector<16xf32>
        %get3A_453 = arith.index_cast %while3A_338 : i32 to index
        %get3A_454 = arith.constant 144 : index
        %get3A_455 = tpu.vector_load %arg8[%get3A_453, %get3A_454] {strides = array<i32>} : memref<64x256xf32, #tpu.memory_space<vmem>>, vector<16xf32>,
        %get3A_456 = arith.constant 144 : index
        %get3A_457 = tpu.vector_load %arg10[%get3A_456] {strides = array<i32>} : memref<272xf32, #tpu.memory_space<vmem>>, vector<16xf32>,
        %mul3A_458 = arith.mulf %get3A_455, %get3A_457 : vector<16xf32>
        %add3A_459 = arith.addf %add3A_451, %mul3A_458 : vector<16xf32>
        %max3A_460 = arith.maximumf %cond3A_381#25, %get3A_455 : vector<16xf32>
        %get3A_461 = arith.index_cast %while3A_338 : i32 to index
        %get3A_462 = arith.constant 160 : index
        %get3A_463 = tpu.vector_load %arg8[%get3A_461, %get3A_462] {strides = array<i32>} : memref<64x256xf32, #tpu.memory_space<vmem>>, vector<16xf32>,
        %get3A_464 = arith.constant 160 : index
        %get3A_465 = tpu.vector_load %arg10[%get3A_464] {strides = array<i32>} : memref<272xf32, #tpu.memory_space<vmem>>, vector<16xf32>,
        %mul3A_466 = arith.mulf %get3A_463, %get3A_465 : vector<16xf32>
        %add3A_467 = arith.addf %add3A_459, %mul3A_466 : vector<16xf32>
        %max3A_468 = arith.maximumf %cond3A_381#26, %get3A_463 : vector<16xf32>
        %get3A_469 = arith.index_cast %while3A_338 : i32 to index
        %get3A_470 = arith.constant 176 : index
        %get3A_471 = tpu.vector_load %arg8[%get3A_469, %get3A_470] {strides = array<i32>} : memref<64x256xf32, #tpu.memory_space<vmem>>, vector<16xf32>,
        %get3A_472 = arith.constant 176 : index
        %get3A_473 = tpu.vector_load %arg10[%get3A_472] {strides = array<i32>} : memref<272xf32, #tpu.memory_space<vmem>>, vector<16xf32>,
        %mul3A_474 = arith.mulf %get3A_471, %get3A_473 : vector<16xf32>
        %add3A_475 = arith.addf %add3A_467, %mul3A_474 : vector<16xf32>
        %max3A_476 = arith.maximumf %cond3A_381#27, %get3A_471 : vector<16xf32>
        %get3A_477 = arith.index_cast %while3A_338 : i32 to index
        %get3A_478 = arith.constant 192 : index
        %get3A_479 = tpu.vector_load %arg8[%get3A_477, %get3A_478] {strides = array<i32>} : memref<64x256xf32, #tpu.memory_space<vmem>>, vector<16xf32>,
        %get3A_480 = arith.constant 192 : index
        %get3A_481 = tpu.vector_load %arg10[%get3A_480] {strides = array<i32>} : memref<272xf32, #tpu.memory_space<vmem>>, vector<16xf32>,
        %mul3A_482 = arith.mulf %get3A_479, %get3A_481 : vector<16xf32>
        %add3A_483 = arith.addf %add3A_475, %mul3A_482 : vector<16xf32>
        %max3A_484 = arith.maximumf %cond3A_381#28, %get3A_479 : vector<16xf32>
        %get3A_485 = arith.index_cast %while3A_338 : i32 to index
        %get3A_486 = arith.constant 208 : index
        %get3A_487 = tpu.vector_load %arg8[%get3A_485, %get3A_486] {strides = array<i32>} : memref<64x256xf32, #tpu.memory_space<vmem>>, vector<16xf32>,
        %get3A_488 = arith.constant 208 : index
        %get3A_489 = tpu.vector_load %arg10[%get3A_488] {strides = array<i32>} : memref<272xf32, #tpu.memory_space<vmem>>, vector<16xf32>,
        %mul3A_490 = arith.mulf %get3A_487, %get3A_489 : vector<16xf32>
        %add3A_491 = arith.addf %add3A_483, %mul3A_490 : vector<16xf32>
        %max3A_492 = arith.maximumf %cond3A_381#29, %get3A_487 : vector<16xf32>
        %get3A_493 = arith.index_cast %while3A_338 : i32 to index
        %get3A_494 = arith.constant 224 : index
        %get3A_495 = tpu.vector_load %arg8[%get3A_493, %get3A_494] {strides = array<i32>} : memref<64x256xf32, #tpu.memory_space<vmem>>, vector<16xf32>,
        %get3A_496 = arith.constant 224 : index
        %get3A_497 = tpu.vector_load %arg10[%get3A_496] {strides = array<i32>} : memref<272xf32, #tpu.memory_space<vmem>>, vector<16xf32>,
        %mul3A_498 = arith.mulf %get3A_495, %get3A_497 : vector<16xf32>
        %add3A_499 = arith.addf %add3A_491, %mul3A_498 : vector<16xf32>
        %max3A_500 = arith.maximumf %cond3A_381#30, %get3A_495 : vector<16xf32>
        %get3A_501 = arith.index_cast %while3A_338 : i32 to index
        %get3A_502 = arith.constant 240 : index
        %get3A_503 = tpu.vector_load %arg8[%get3A_501, %get3A_502] {strides = array<i32>} : memref<64x256xf32, #tpu.memory_space<vmem>>, vector<16xf32>,
        %get3A_504 = arith.constant 240 : index
        %get3A_505 = tpu.vector_load %arg10[%get3A_504] {strides = array<i32>} : memref<272xf32, #tpu.memory_space<vmem>>, vector<16xf32>,
        %mul3A_506 = arith.mulf %get3A_503, %get3A_505 : vector<16xf32>
        %add3A_507 = arith.addf %add3A_499, %mul3A_506 : vector<16xf32>
        %max3A_508 = arith.maximumf %cond3A_381#31, %get3A_503 : vector<16xf32>
        %reduce_sum3A = arith.constant true
        %reduce_sum3A_509 = vector.broadcast %reduce_sum3A : i1 to vector<16xi1>
        %reduce_sum3A_510 = tpu.scan <sum>, %add3A_507 masked %reduce_sum3A_509 : vector<16xf32>, vector<16xi1> -> vector<16xf32>
        %reduce_sum3A_511 = vector.extract %reduce_sum3A_510[15] : f32 from vector<16xf32>
        %broadcast_in_dim3A_512 = vector.broadcast %reduce_sum3A_511 : f32 to vector<16xf32>
        %add3A_513 = arith.addf %broadcast_in_dim3A_512, %get3A_36 : vector<16xf32>
        %neg3A = arith.constant 0.000000e+00 : f32
        %neg3A_514 = vector.broadcast %neg3A : f32 to vector<16xf32>
        %neg3A_515 = arith.subf %neg3A_514, %add3A_513 : vector<16xf32>
        %exp3A = math.exp %neg3A_515 : vector<16xf32>
        %add3A_516 = arith.constant 1.000000e+00 : f32
        %add3A_517 = vector.broadcast %add3A_516 : f32 to vector<16xf32>
        %add3A_518 = arith.addf %add3A_517, %exp3A : vector<16xf32>
        %div3A_519 = arith.constant 1.000000e+00 : f32
        %div3A_520 = vector.broadcast %div3A_519 : f32 to vector<16xf32>
        %div3A_521 = arith.divf %div3A_520, %add3A_518 : vector<16xf32>
        %get3A_522 = arith.index_cast %while3A_338 : i32 to index
        %get3A_523 = arith.constant 0 : index
        %get3A_524 = tpu.vector_load %arg8[%get3A_522, %get3A_523] {strides = array<i32>} : memref<64x256xf32, #tpu.memory_space<vmem>>, vector<16xf32>,
        %mul3A_525 = arith.mulf %get3A_524, %div3A_521 : vector<16xf32>
        %add3A_526 = arith.addf %cond3A_381#0, %mul3A_525 : vector<16xf32>
        %get3A_527 = arith.index_cast %while3A_338 : i32 to index
        %get3A_528 = arith.constant 16 : index
        %get3A_529 = tpu.vector_load %arg8[%get3A_527, %get3A_528] {strides = array<i32>} : memref<64x256xf32, #tpu.memory_space<vmem>>, vector<16xf32>,
        %mul3A_530 = arith.mulf %get3A_529, %div3A_521 : vector<16xf32>
        %add3A_531 = arith.addf %cond3A_381#1, %mul3A_530 : vector<16xf32>
        %get3A_532 = arith.index_cast %while3A_338 : i32 to index
        %get3A_533 = arith.constant 32 : index
        %get3A_534 = tpu.vector_load %arg8[%get3A_532, %get3A_533] {strides = array<i32>} : memref<64x256xf32, #tpu.memory_space<vmem>>, vector<16xf32>,
        %mul3A_535 = arith.mulf %get3A_534, %div3A_521 : vector<16xf32>
        %add3A_536 = arith.addf %cond3A_381#2, %mul3A_535 : vector<16xf32>
        %get3A_537 = arith.index_cast %while3A_338 : i32 to index
        %get3A_538 = arith.constant 48 : index
        %get3A_539 = tpu.vector_load %arg8[%get3A_537, %get3A_538] {strides = array<i32>} : memref<64x256xf32, #tpu.memory_space<vmem>>, vector<16xf32>,
        %mul3A_540 = arith.mulf %get3A_539, %div3A_521 : vector<16xf32>
        %add3A_541 = arith.addf %cond3A_381#3, %mul3A_540 : vector<16xf32>
        %get3A_542 = arith.index_cast %while3A_338 : i32 to index
        %get3A_543 = arith.constant 64 : index
        %get3A_544 = tpu.vector_load %arg8[%get3A_542, %get3A_543] {strides = array<i32>} : memref<64x256xf32, #tpu.memory_space<vmem>>, vector<16xf32>,
        %mul3A_545 = arith.mulf %get3A_544, %div3A_521 : vector<16xf32>
        %add3A_546 = arith.addf %cond3A_381#4, %mul3A_545 : vector<16xf32>
        %get3A_547 = arith.index_cast %while3A_338 : i32 to index
        %get3A_548 = arith.constant 80 : index
        %get3A_549 = tpu.vector_load %arg8[%get3A_547, %get3A_548] {strides = array<i32>} : memref<64x256xf32, #tpu.memory_space<vmem>>, vector<16xf32>,
        %mul3A_550 = arith.mulf %get3A_549, %div3A_521 : vector<16xf32>
        %add3A_551 = arith.addf %cond3A_381#5, %mul3A_550 : vector<16xf32>
        %get3A_552 = arith.index_cast %while3A_338 : i32 to index
        %get3A_553 = arith.constant 96 : index
        %get3A_554 = tpu.vector_load %arg8[%get3A_552, %get3A_553] {strides = array<i32>} : memref<64x256xf32, #tpu.memory_space<vmem>>, vector<16xf32>,
        %mul3A_555 = arith.mulf %get3A_554, %div3A_521 : vector<16xf32>
        %add3A_556 = arith.addf %cond3A_381#6, %mul3A_555 : vector<16xf32>
        %get3A_557 = arith.index_cast %while3A_338 : i32 to index
        %get3A_558 = arith.constant 112 : index
        %get3A_559 = tpu.vector_load %arg8[%get3A_557, %get3A_558] {strides = array<i32>} : memref<64x256xf32, #tpu.memory_space<vmem>>, vector<16xf32>,
        %mul3A_560 = arith.mulf %get3A_559, %div3A_521 : vector<16xf32>
        %add3A_561 = arith.addf %cond3A_381#7, %mul3A_560 : vector<16xf32>
        %get3A_562 = arith.index_cast %while3A_338 : i32 to index
        %get3A_563 = arith.constant 128 : index
        %get3A_564 = tpu.vector_load %arg8[%get3A_562, %get3A_563] {strides = array<i32>} : memref<64x256xf32, #tpu.memory_space<vmem>>, vector<16xf32>,
        %mul3A_565 = arith.mulf %get3A_564, %div3A_521 : vector<16xf32>
        %add3A_566 = arith.addf %cond3A_381#8, %mul3A_565 : vector<16xf32>
        %get3A_567 = arith.index_cast %while3A_338 : i32 to index
        %get3A_568 = arith.constant 144 : index
        %get3A_569 = tpu.vector_load %arg8[%get3A_567, %get3A_568] {strides = array<i32>} : memref<64x256xf32, #tpu.memory_space<vmem>>, vector<16xf32>,
        %mul3A_570 = arith.mulf %get3A_569, %div3A_521 : vector<16xf32>
        %add3A_571 = arith.addf %cond3A_381#9, %mul3A_570 : vector<16xf32>
        %get3A_572 = arith.index_cast %while3A_338 : i32 to index
        %get3A_573 = arith.constant 160 : index
        %get3A_574 = tpu.vector_load %arg8[%get3A_572, %get3A_573] {strides = array<i32>} : memref<64x256xf32, #tpu.memory_space<vmem>>, vector<16xf32>,
        %mul3A_575 = arith.mulf %get3A_574, %div3A_521 : vector<16xf32>
        %add3A_576 = arith.addf %cond3A_381#10, %mul3A_575 : vector<16xf32>
        %get3A_577 = arith.index_cast %while3A_338 : i32 to index
        %get3A_578 = arith.constant 176 : index
        %get3A_579 = tpu.vector_load %arg8[%get3A_577, %get3A_578] {strides = array<i32>} : memref<64x256xf32, #tpu.memory_space<vmem>>, vector<16xf32>,
        %mul3A_580 = arith.mulf %get3A_579, %div3A_521 : vector<16xf32>
        %add3A_581 = arith.addf %cond3A_381#11, %mul3A_580 : vector<16xf32>
        %get3A_582 = arith.index_cast %while3A_338 : i32 to index
        %get3A_583 = arith.constant 192 : index
        %get3A_584 = tpu.vector_load %arg8[%get3A_582, %get3A_583] {strides = array<i32>} : memref<64x256xf32, #tpu.memory_space<vmem>>, vector<16xf32>,
        %mul3A_585 = arith.mulf %get3A_584, %div3A_521 : vector<16xf32>
        %add3A_586 = arith.addf %cond3A_381#12, %mul3A_585 : vector<16xf32>
        %get3A_587 = arith.index_cast %while3A_338 : i32 to index
        %get3A_588 = arith.constant 208 : index
        %get3A_589 = tpu.vector_load %arg8[%get3A_587, %get3A_588] {strides = array<i32>} : memref<64x256xf32, #tpu.memory_space<vmem>>, vector<16xf32>,
        %mul3A_590 = arith.mulf %get3A_589, %div3A_521 : vector<16xf32>
        %add3A_591 = arith.addf %cond3A_381#13, %mul3A_590 : vector<16xf32>
        %get3A_592 = arith.index_cast %while3A_338 : i32 to index
        %get3A_593 = arith.constant 224 : index
        %get3A_594 = tpu.vector_load %arg8[%get3A_592, %get3A_593] {strides = array<i32>} : memref<64x256xf32, #tpu.memory_space<vmem>>, vector<16xf32>,
        %mul3A_595 = arith.mulf %get3A_594, %div3A_521 : vector<16xf32>
        %add3A_596 = arith.addf %cond3A_381#14, %mul3A_595 : vector<16xf32>
        %get3A_597 = arith.index_cast %while3A_338 : i32 to index
        %get3A_598 = arith.constant 240 : index
        %get3A_599 = tpu.vector_load %arg8[%get3A_597, %get3A_598] {strides = array<i32>} : memref<64x256xf32, #tpu.memory_space<vmem>>, vector<16xf32>,
        %mul3A_600 = arith.mulf %get3A_599, %div3A_521 : vector<16xf32>
        %add3A_601 = arith.addf %cond3A_381#15, %mul3A_600 : vector<16xf32>
        scf.yield %squeeze3A_377, %add3A_526, %add3A_531, %add3A_536, %add3A_541, %add3A_546, %add3A_551, %add3A_556, %add3A_561, %add3A_566, %add3A_571, %add3A_576, %add3A_581, %add3A_586, %add3A_591, %add3A_596, %add3A_601, %max3A, %max3A_396, %max3A_404, %max3A_412, %max3A_420, %max3A_428, %max3A_436, %max3A_444, %max3A_452, %max3A_460, %max3A_468, %max3A_476, %max3A_484, %max3A_492, %max3A_500, %max3A_508 : i32, vector<16xf32>, vector<16xf32>, vector<16xf32>, vector<16xf32>, vector<16xf32>, vector<16xf32>, vector<16xf32>, vector<16xf32>, vector<16xf32>, vector<16xf32>, vector<16xf32>, vector<16xf32>, vector<16xf32>, vector<16xf32>, vector<16xf32>, vector<16xf32>, vector<16xf32>, vector<16xf32>, vector<16xf32>, vector<16xf32>, vector<16xf32>, vector<16xf32>, vector<16xf32>, vector<16xf32>, vector<16xf32>, vector<16xf32>, vector<16xf32>, vector<16xf32>, vector<16xf32>, vector<16xf32>, vector<16xf32>, vector<16xf32>
      }
      %while3A_336 = arith.constant 1 : i32
      %while3A_337:33 = scf.for %while3A_338 = %while3A_333 to %while3A_329 step %while3A_336 iter_args(%while3A_339 = %while3A_335#0, %while3A_340 = %while3A_335#1, %while3A_341 = %while3A_335#2, %while3A_342 = %while3A_335#3, %while3A_343 = %while3A_335#4, %while3A_344 = %while3A_335#5, %while3A_345 = %while3A_335#6, %while3A_346 = %while3A_335#7, %while3A_347 = %while3A_335#8, %while3A_348 = %while3A_335#9, %while3A_349 = %while3A_335#10, %while3A_350 = %while3A_335#11, %while3A_351 = %while3A_335#12, %while3A_352 = %while3A_335#13, %while3A_353 = %while3A_335#14, %while3A_354 = %while3A_335#15, %while3A_355 = %while3A_335#16, %while3A_356 = %while3A_335#17, %while3A_357 = %while3A_335#18, %while3A_358 = %while3A_335#19, %while3A_359 = %while3A_335#20, %while3A_360 = %while3A_335#21, %while3A_361 = %while3A_335#22, %while3A_362 = %while3A_335#23, %while3A_363 = %while3A_335#24, %while3A_364 = %while3A_335#25, %while3A_365 = %while3A_335#26, %while3A_366 = %while3A_335#27, %while3A_367 = %while3A_335#28, %while3A_368 = %while3A_335#29, %while3A_369 = %while3A_335#30, %while3A_370 = %while3A_335#31, %while3A_371 = %while3A_335#32) -> (i32, vector<16xf32>, vector<16xf32>, vector<16xf32>, vector<16xf32>, vector<16xf32>, vector<16xf32>, vector<16xf32>, vector<16xf32>, vector<16xf32>, vector<16xf32>, vector<16xf32>, vector<16xf32>, vector<16xf32>, vector<16xf32>, vector<16xf32>, vector<16xf32>, vector<16xf32>, vector<16xf32>, vector<16xf32>, vector<16xf32>, vector<16xf32>, vector<16xf32>, vector<16xf32>, vector<16xf32>, vector<16xf32>, vector<16xf32>, vector<16xf32>, vector<16xf32>, vector<16xf32>, vector<16xf32>, vector<16xf32>, vector<16xf32>)  : i32 {
        %add3A_372 = arith.addi %min3A_322, %while3A_338 : i32
        %sub3A_373 = arith.subi %add3A_372, %min3A_32 : i32
        %get3A_374 = arith.index_cast %sub3A_373 : i32 to index
        %get3A_375 = tpu.vector_load %arg9[%get3A_374] {strides = array<i32>} : memref<1640xi32, #tpu.memory_space<vmem>>, vector<16xi32>,
        %slice3A_376 = vector.extract_strided_slice %get3A_375 {offsets = [0], sizes = [1], strides = [1]} : vector<16xi32> to vector<1xi32>
        %squeeze3A_377 = vector.extract %slice3A_376[0] : i32 from vector<1xi32>
        %ne3A_378 = arith.cmpi ne, %squeeze3A_377, %while3A_339 : i32
        %convert_element_type3A_379 = arith.extui %ne3A_378 : i1 to i32
        %cond3A = arith.constant 0 : i32
        %cond3A_380 = arith.cmpi ne, %convert_element_type3A_379, %cond3A : i32
        %cond3A_381:32 = scf.if %cond3A_380 -> (vector<16xf32>, vector<16xf32>, vector<16xf32>, vector<16xf32>, vector<16xf32>, vector<16xf32>, vector<16xf32>, vector<16xf32>, vector<16xf32>, vector<16xf32>, vector<16xf32>, vector<16xf32>, vector<16xf32>, vector<16xf32>, vector<16xf32>, vector<16xf32>, vector<16xf32>, vector<16xf32>, vector<16xf32>, vector<16xf32>, vector<16xf32>, vector<16xf32>, vector<16xf32>, vector<16xf32>, vector<16xf32>, vector<16xf32>, vector<16xf32>, vector<16xf32>, vector<16xf32>, vector<16xf32>, vector<16xf32>, vector<16xf32>) {
          %mul3A_602 = arith.constant 256 : i32
          %mul3A_603 = arith.muli %while3A_339, %mul3A_602 : i32
          %add3A_604 = arith.constant 0 : i32
          %add3A_605 = arith.addi %mul3A_603, %add3A_604 : i32
          %swap3A_606 = arith.index_cast %add3A_605 : i32 to index
          %swap3A_607 = tpu.vector_load %arg11[%swap3A_606] {strides = array<i32>} : memref<32768xf32, #tpu.memory_space<vmem>>, vector<16xf32>,
          tpu.vector_store %arg11[%swap3A_606], %while3A_340 {strides = array<i32>} : memref<32768xf32, #tpu.memory_space<vmem>>, vector<16xf32>,
          %add3A_608 = arith.constant 0 : i32
          %add3A_609 = arith.addi %mul3A_603, %add3A_608 : i32
          %swap3A_610 = arith.index_cast %add3A_609 : i32 to index
          %swap3A_611 = tpu.vector_load %arg12[%swap3A_610] {strides = array<i32>} : memref<32768xf32, #tpu.memory_space<vmem>>, vector<16xf32>,
          tpu.vector_store %arg12[%swap3A_610], %while3A_356 {strides = array<i32>} : memref<32768xf32, #tpu.memory_space<vmem>>, vector<16xf32>,
          %add3A_612 = arith.constant 16 : i32
          %add3A_613 = arith.addi %mul3A_603, %add3A_612 : i32
          %swap3A_614 = arith.index_cast %add3A_613 : i32 to index
          %swap3A_615 = tpu.vector_load %arg11[%swap3A_614] {strides = array<i32>} : memref<32768xf32, #tpu.memory_space<vmem>>, vector<16xf32>,
          tpu.vector_store %arg11[%swap3A_614], %while3A_341 {strides = array<i32>} : memref<32768xf32, #tpu.memory_space<vmem>>, vector<16xf32>,
          %add3A_616 = arith.constant 16 : i32
          %add3A_617 = arith.addi %mul3A_603, %add3A_616 : i32
          %swap3A_618 = arith.index_cast %add3A_617 : i32 to index
          %swap3A_619 = tpu.vector_load %arg12[%swap3A_618] {strides = array<i32>} : memref<32768xf32, #tpu.memory_space<vmem>>, vector<16xf32>,
          tpu.vector_store %arg12[%swap3A_618], %while3A_357 {strides = array<i32>} : memref<32768xf32, #tpu.memory_space<vmem>>, vector<16xf32>,
          %add3A_620 = arith.constant 32 : i32
          %add3A_621 = arith.addi %mul3A_603, %add3A_620 : i32
          %swap3A_622 = arith.index_cast %add3A_621 : i32 to index
          %swap3A_623 = tpu.vector_load %arg11[%swap3A_622] {strides = array<i32>} : memref<32768xf32, #tpu.memory_space<vmem>>, vector<16xf32>,
          tpu.vector_store %arg11[%swap3A_622], %while3A_342 {strides = array<i32>} : memref<32768xf32, #tpu.memory_space<vmem>>, vector<16xf32>,
          %add3A_624 = arith.constant 32 : i32
          %add3A_625 = arith.addi %mul3A_603, %add3A_624 : i32
          %swap3A_626 = arith.index_cast %add3A_625 : i32 to index
          %swap3A_627 = tpu.vector_load %arg12[%swap3A_626] {strides = array<i32>} : memref<32768xf32, #tpu.memory_space<vmem>>, vector<16xf32>,
          tpu.vector_store %arg12[%swap3A_626], %while3A_358 {strides = array<i32>} : memref<32768xf32, #tpu.memory_space<vmem>>, vector<16xf32>,
          %add3A_628 = arith.constant 48 : i32
          %add3A_629 = arith.addi %mul3A_603, %add3A_628 : i32
          %swap3A_630 = arith.index_cast %add3A_629 : i32 to index
          %swap3A_631 = tpu.vector_load %arg11[%swap3A_630] {strides = array<i32>} : memref<32768xf32, #tpu.memory_space<vmem>>, vector<16xf32>,
          tpu.vector_store %arg11[%swap3A_630], %while3A_343 {strides = array<i32>} : memref<32768xf32, #tpu.memory_space<vmem>>, vector<16xf32>,
          %add3A_632 = arith.constant 48 : i32
          %add3A_633 = arith.addi %mul3A_603, %add3A_632 : i32
          %swap3A_634 = arith.index_cast %add3A_633 : i32 to index
          %swap3A_635 = tpu.vector_load %arg12[%swap3A_634] {strides = array<i32>} : memref<32768xf32, #tpu.memory_space<vmem>>, vector<16xf32>,
          tpu.vector_store %arg12[%swap3A_634], %while3A_359 {strides = array<i32>} : memref<32768xf32, #tpu.memory_space<vmem>>, vector<16xf32>,
          %add3A_636 = arith.constant 64 : i32
          %add3A_637 = arith.addi %mul3A_603, %add3A_636 : i32
          %swap3A_638 = arith.index_cast %add3A_637 : i32 to index
          %swap3A_639 = tpu.vector_load %arg11[%swap3A_638] {strides = array<i32>} : memref<32768xf32, #tpu.memory_space<vmem>>, vector<16xf32>,
          tpu.vector_store %arg11[%swap3A_638], %while3A_344 {strides = array<i32>} : memref<32768xf32, #tpu.memory_space<vmem>>, vector<16xf32>,
          %add3A_640 = arith.constant 64 : i32
          %add3A_641 = arith.addi %mul3A_603, %add3A_640 : i32
          %swap3A_642 = arith.index_cast %add3A_641 : i32 to index
          %swap3A_643 = tpu.vector_load %arg12[%swap3A_642] {strides = array<i32>} : memref<32768xf32, #tpu.memory_space<vmem>>, vector<16xf32>,
          tpu.vector_store %arg12[%swap3A_642], %while3A_360 {strides = array<i32>} : memref<32768xf32, #tpu.memory_space<vmem>>, vector<16xf32>,
          %add3A_644 = arith.constant 80 : i32
          %add3A_645 = arith.addi %mul3A_603, %add3A_644 : i32
          %swap3A_646 = arith.index_cast %add3A_645 : i32 to index
          %swap3A_647 = tpu.vector_load %arg11[%swap3A_646] {strides = array<i32>} : memref<32768xf32, #tpu.memory_space<vmem>>, vector<16xf32>,
          tpu.vector_store %arg11[%swap3A_646], %while3A_345 {strides = array<i32>} : memref<32768xf32, #tpu.memory_space<vmem>>, vector<16xf32>,
          %add3A_648 = arith.constant 80 : i32
          %add3A_649 = arith.addi %mul3A_603, %add3A_648 : i32
          %swap3A_650 = arith.index_cast %add3A_649 : i32 to index
          %swap3A_651 = tpu.vector_load %arg12[%swap3A_650] {strides = array<i32>} : memref<32768xf32, #tpu.memory_space<vmem>>, vector<16xf32>,
          tpu.vector_store %arg12[%swap3A_650], %while3A_361 {strides = array<i32>} : memref<32768xf32, #tpu.memory_space<vmem>>, vector<16xf32>,
          %add3A_652 = arith.constant 96 : i32
          %add3A_653 = arith.addi %mul3A_603, %add3A_652 : i32
          %swap3A_654 = arith.index_cast %add3A_653 : i32 to index
          %swap3A_655 = tpu.vector_load %arg11[%swap3A_654] {strides = array<i32>} : memref<32768xf32, #tpu.memory_space<vmem>>, vector<16xf32>,
          tpu.vector_store %arg11[%swap3A_654], %while3A_346 {strides = array<i32>} : memref<32768xf32, #tpu.memory_space<vmem>>, vector<16xf32>,
          %add3A_656 = arith.constant 96 : i32
          %add3A_657 = arith.addi %mul3A_603, %add3A_656 : i32
          %swap3A_658 = arith.index_cast %add3A_657 : i32 to index
          %swap3A_659 = tpu.vector_load %arg12[%swap3A_658] {strides = array<i32>} : memref<32768xf32, #tpu.memory_space<vmem>>, vector<16xf32>,
          tpu.vector_store %arg12[%swap3A_658], %while3A_362 {strides = array<i32>} : memref<32768xf32, #tpu.memory_space<vmem>>, vector<16xf32>,
          %add3A_660 = arith.constant 112 : i32
          %add3A_661 = arith.addi %mul3A_603, %add3A_660 : i32
          %swap3A_662 = arith.index_cast %add3A_661 : i32 to index
          %swap3A_663 = tpu.vector_load %arg11[%swap3A_662] {strides = array<i32>} : memref<32768xf32, #tpu.memory_space<vmem>>, vector<16xf32>,
          tpu.vector_store %arg11[%swap3A_662], %while3A_347 {strides = array<i32>} : memref<32768xf32, #tpu.memory_space<vmem>>, vector<16xf32>,
          %add3A_664 = arith.constant 112 : i32
          %add3A_665 = arith.addi %mul3A_603, %add3A_664 : i32
          %swap3A_666 = arith.index_cast %add3A_665 : i32 to index
          %swap3A_667 = tpu.vector_load %arg12[%swap3A_666] {strides = array<i32>} : memref<32768xf32, #tpu.memory_space<vmem>>, vector<16xf32>,
          tpu.vector_store %arg12[%swap3A_666], %while3A_363 {strides = array<i32>} : memref<32768xf32, #tpu.memory_space<vmem>>, vector<16xf32>,
          %add3A_668 = arith.constant 128 : i32
          %add3A_669 = arith.addi %mul3A_603, %add3A_668 : i32
          %swap3A_670 = arith.index_cast %add3A_669 : i32 to index
          %swap3A_671 = tpu.vector_load %arg11[%swap3A_670] {strides = array<i32>} : memref<32768xf32, #tpu.memory_space<vmem>>, vector<16xf32>,
          tpu.vector_store %arg11[%swap3A_670], %while3A_348 {strides = array<i32>} : memref<32768xf32, #tpu.memory_space<vmem>>, vector<16xf32>,
          %add3A_672 = arith.constant 128 : i32
          %add3A_673 = arith.addi %mul3A_603, %add3A_672 : i32
          %swap3A_674 = arith.index_cast %add3A_673 : i32 to index
          %swap3A_675 = tpu.vector_load %arg12[%swap3A_674] {strides = array<i32>} : memref<32768xf32, #tpu.memory_space<vmem>>, vector<16xf32>,
          tpu.vector_store %arg12[%swap3A_674], %while3A_364 {strides = array<i32>} : memref<32768xf32, #tpu.memory_space<vmem>>, vector<16xf32>,
          %add3A_676 = arith.constant 144 : i32
          %add3A_677 = arith.addi %mul3A_603, %add3A_676 : i32
          %swap3A_678 = arith.index_cast %add3A_677 : i32 to index
          %swap3A_679 = tpu.vector_load %arg11[%swap3A_678] {strides = array<i32>} : memref<32768xf32, #tpu.memory_space<vmem>>, vector<16xf32>,
          tpu.vector_store %arg11[%swap3A_678], %while3A_349 {strides = array<i32>} : memref<32768xf32, #tpu.memory_space<vmem>>, vector<16xf32>,
          %add3A_680 = arith.constant 144 : i32
          %add3A_681 = arith.addi %mul3A_603, %add3A_680 : i32
          %swap3A_682 = arith.index_cast %add3A_681 : i32 to index
          %swap3A_683 = tpu.vector_load %arg12[%swap3A_682] {strides = array<i32>} : memref<32768xf32, #tpu.memory_space<vmem>>, vector<16xf32>,
          tpu.vector_store %arg12[%swap3A_682], %while3A_365 {strides = array<i32>} : memref<32768xf32, #tpu.memory_space<vmem>>, vector<16xf32>,
          %add3A_684 = arith.constant 160 : i32
          %add3A_685 = arith.addi %mul3A_603, %add3A_684 : i32
          %swap3A_686 = arith.index_cast %add3A_685 : i32 to index
          %swap3A_687 = tpu.vector_load %arg11[%swap3A_686] {strides = array<i32>} : memref<32768xf32, #tpu.memory_space<vmem>>, vector<16xf32>,
          tpu.vector_store %arg11[%swap3A_686], %while3A_350 {strides = array<i32>} : memref<32768xf32, #tpu.memory_space<vmem>>, vector<16xf32>,
          %add3A_688 = arith.constant 160 : i32
          %add3A_689 = arith.addi %mul3A_603, %add3A_688 : i32
          %swap3A_690 = arith.index_cast %add3A_689 : i32 to index
          %swap3A_691 = tpu.vector_load %arg12[%swap3A_690] {strides = array<i32>} : memref<32768xf32, #tpu.memory_space<vmem>>, vector<16xf32>,
          tpu.vector_store %arg12[%swap3A_690], %while3A_366 {strides = array<i32>} : memref<32768xf32, #tpu.memory_space<vmem>>, vector<16xf32>,
          %add3A_692 = arith.constant 176 : i32
          %add3A_693 = arith.addi %mul3A_603, %add3A_692 : i32
          %swap3A_694 = arith.index_cast %add3A_693 : i32 to index
          %swap3A_695 = tpu.vector_load %arg11[%swap3A_694] {strides = array<i32>} : memref<32768xf32, #tpu.memory_space<vmem>>, vector<16xf32>,
          tpu.vector_store %arg11[%swap3A_694], %while3A_351 {strides = array<i32>} : memref<32768xf32, #tpu.memory_space<vmem>>, vector<16xf32>,
          %add3A_696 = arith.constant 176 : i32
          %add3A_697 = arith.addi %mul3A_603, %add3A_696 : i32
          %swap3A_698 = arith.index_cast %add3A_697 : i32 to index
          %swap3A_699 = tpu.vector_load %arg12[%swap3A_698] {strides = array<i32>} : memref<32768xf32, #tpu.memory_space<vmem>>, vector<16xf32>,
          tpu.vector_store %arg12[%swap3A_698], %while3A_367 {strides = array<i32>} : memref<32768xf32, #tpu.memory_space<vmem>>, vector<16xf32>,
          %add3A_700 = arith.constant 192 : i32
          %add3A_701 = arith.addi %mul3A_603, %add3A_700 : i32
          %swap3A_702 = arith.index_cast %add3A_701 : i32 to index
          %swap3A_703 = tpu.vector_load %arg11[%swap3A_702] {strides = array<i32>} : memref<32768xf32, #tpu.memory_space<vmem>>, vector<16xf32>,
          tpu.vector_store %arg11[%swap3A_702], %while3A_352 {strides = array<i32>} : memref<32768xf32, #tpu.memory_space<vmem>>, vector<16xf32>,
          %add3A_704 = arith.constant 192 : i32
          %add3A_705 = arith.addi %mul3A_603, %add3A_704 : i32
          %swap3A_706 = arith.index_cast %add3A_705 : i32 to index
          %swap3A_707 = tpu.vector_load %arg12[%swap3A_706] {strides = array<i32>} : memref<32768xf32, #tpu.memory_space<vmem>>, vector<16xf32>,
          tpu.vector_store %arg12[%swap3A_706], %while3A_368 {strides = array<i32>} : memref<32768xf32, #tpu.memory_space<vmem>>, vector<16xf32>,
          %add3A_708 = arith.constant 208 : i32
          %add3A_709 = arith.addi %mul3A_603, %add3A_708 : i32
          %swap3A_710 = arith.index_cast %add3A_709 : i32 to index
          %swap3A_711 = tpu.vector_load %arg11[%swap3A_710] {strides = array<i32>} : memref<32768xf32, #tpu.memory_space<vmem>>, vector<16xf32>,
          tpu.vector_store %arg11[%swap3A_710], %while3A_353 {strides = array<i32>} : memref<32768xf32, #tpu.memory_space<vmem>>, vector<16xf32>,
          %add3A_712 = arith.constant 208 : i32
          %add3A_713 = arith.addi %mul3A_603, %add3A_712 : i32
          %swap3A_714 = arith.index_cast %add3A_713 : i32 to index
          %swap3A_715 = tpu.vector_load %arg12[%swap3A_714] {strides = array<i32>} : memref<32768xf32, #tpu.memory_space<vmem>>, vector<16xf32>,
          tpu.vector_store %arg12[%swap3A_714], %while3A_369 {strides = array<i32>} : memref<32768xf32, #tpu.memory_space<vmem>>, vector<16xf32>,
          %add3A_716 = arith.constant 224 : i32
          %add3A_717 = arith.addi %mul3A_603, %add3A_716 : i32
          %swap3A_718 = arith.index_cast %add3A_717 : i32 to index
          %swap3A_719 = tpu.vector_load %arg11[%swap3A_718] {strides = array<i32>} : memref<32768xf32, #tpu.memory_space<vmem>>, vector<16xf32>,
          tpu.vector_store %arg11[%swap3A_718], %while3A_354 {strides = array<i32>} : memref<32768xf32, #tpu.memory_space<vmem>>, vector<16xf32>,
          %add3A_720 = arith.constant 224 : i32
          %add3A_721 = arith.addi %mul3A_603, %add3A_720 : i32
          %swap3A_722 = arith.index_cast %add3A_721 : i32 to index
          %swap3A_723 = tpu.vector_load %arg12[%swap3A_722] {strides = array<i32>} : memref<32768xf32, #tpu.memory_space<vmem>>, vector<16xf32>,
          tpu.vector_store %arg12[%swap3A_722], %while3A_370 {strides = array<i32>} : memref<32768xf32, #tpu.memory_space<vmem>>, vector<16xf32>,
          %add3A_724 = arith.constant 240 : i32
          %add3A_725 = arith.addi %mul3A_603, %add3A_724 : i32
          %swap3A_726 = arith.index_cast %add3A_725 : i32 to index
          %swap3A_727 = tpu.vector_load %arg11[%swap3A_726] {strides = array<i32>} : memref<32768xf32, #tpu.memory_space<vmem>>, vector<16xf32>,
          tpu.vector_store %arg11[%swap3A_726], %while3A_355 {strides = array<i32>} : memref<32768xf32, #tpu.memory_space<vmem>>, vector<16xf32>,
          %add3A_728 = arith.constant 240 : i32
          %add3A_729 = arith.addi %mul3A_603, %add3A_728 : i32
          %swap3A_730 = arith.index_cast %add3A_729 : i32 to index
          %swap3A_731 = tpu.vector_load %arg12[%swap3A_730] {strides = array<i32>} : memref<32768xf32, #tpu.memory_space<vmem>>, vector<16xf32>,
          tpu.vector_store %arg12[%swap3A_730], %while3A_371 {strides = array<i32>} : memref<32768xf32, #tpu.memory_space<vmem>>, vector<16xf32>,
          scf.yield %broadcast_in_dim3A_33, %broadcast_in_dim3A_33, %broadcast_in_dim3A_33, %broadcast_in_dim3A_33, %broadcast_in_dim3A_33, %broadcast_in_dim3A_33, %broadcast_in_dim3A_33, %broadcast_in_dim3A_33, %broadcast_in_dim3A_33, %broadcast_in_dim3A_33, %broadcast_in_dim3A_33, %broadcast_in_dim3A_33, %broadcast_in_dim3A_33, %broadcast_in_dim3A_33, %broadcast_in_dim3A_33, %broadcast_in_dim3A_33, %broadcast_in_dim3A_35, %broadcast_in_dim3A_35, %broadcast_in_dim3A_35, %broadcast_in_dim3A_35, %broadcast_in_dim3A_35, %broadcast_in_dim3A_35, %broadcast_in_dim3A_35, %broadcast_in_dim3A_35, %broadcast_in_dim3A_35, %broadcast_in_dim3A_35, %broadcast_in_dim3A_35, %broadcast_in_dim3A_35, %broadcast_in_dim3A_35, %broadcast_in_dim3A_35, %broadcast_in_dim3A_35, %broadcast_in_dim3A_35 : vector<16xf32>, vector<16xf32>, vector<16xf32>, vector<16xf32>, vector<16xf32>, vector<16xf32>, vector<16xf32>, vector<16xf32>, vector<16xf32>, vector<16xf32>, vector<16xf32>, vector<16xf32>, vector<16xf32>, vector<16xf32>, vector<16xf32>, vector<16xf32>, vector<16xf32>, vector<16xf32>, vector<16xf32>, vector<16xf32>, vector<16xf32>, vector<16xf32>, vector<16xf32>, vector<16xf32>, vector<16xf32>, vector<16xf32>, vector<16xf32>, vector<16xf32>, vector<16xf32>, vector<16xf32>, vector<16xf32>, vector<16xf32>
        } else {
          scf.yield %while3A_340, %while3A_341, %while3A_342, %while3A_343, %while3A_344, %while3A_345, %while3A_346, %while3A_347, %while3A_348, %while3A_349, %while3A_350, %while3A_351, %while3A_352, %while3A_353, %while3A_354, %while3A_355, %while3A_356, %while3A_357, %while3A_358, %while3A_359, %while3A_360, %while3A_361, %while3A_362, %while3A_363, %while3A_364, %while3A_365, %while3A_366, %while3A_367, %while3A_368, %while3A_369, %while3A_370, %while3A_371 : vector<16xf32>, vector<16xf32>, vector<16xf32>, vector<16xf32>, vector<16xf32>, vector<16xf32>, vector<16xf32>, vector<16xf32>, vector<16xf32>, vector<16xf32>, vector<16xf32>, vector<16xf32>, vector<16xf32>, vector<16xf32>, vector<16xf32>, vector<16xf32>, vector<16xf32>, vector<16xf32>, vector<16xf32>, vector<16xf32>, vector<16xf32>, vector<16xf32>, vector<16xf32>, vector<16xf32>, vector<16xf32>, vector<16xf32>, vector<16xf32>, vector<16xf32>, vector<16xf32>, vector<16xf32>, vector<16xf32>, vector<16xf32>
        }
        %get3A_382 = arith.index_cast %while3A_338 : i32 to index
        %get3A_383 = arith.constant 0 : index
        %get3A_384 = tpu.vector_load %arg8[%get3A_382, %get3A_383] {strides = array<i32>} : memref<64x256xf32, #tpu.memory_space<vmem>>, vector<16xf32>,
        %get3A_385 = arith.constant 0 : index
        %get3A_386 = tpu.vector_load %arg10[%get3A_385] {strides = array<i32>} : memref<272xf32, #tpu.memory_space<vmem>>, vector<16xf32>,
        %mul3A_387 = arith.mulf %get3A_384, %get3A_386 : vector<16xf32>
        %add3A_388 = arith.addf %broadcast_in_dim3A_33, %mul3A_387 : vector<16xf32>
        %max3A = arith.maximumf %cond3A_381#16, %get3A_384 : vector<16xf32>
        %get3A_389 = arith.index_cast %while3A_338 : i32 to index
        %get3A_390 = arith.constant 16 : index
        %get3A_391 = tpu.vector_load %arg8[%get3A_389, %get3A_390] {strides = array<i32>} : memref<64x256xf32, #tpu.memory_space<vmem>>, vector<16xf32>,
        %get3A_392 = arith.constant 16 : index
        %get3A_393 = tpu.vector_load %arg10[%get3A_392] {strides = array<i32>} : memref<272xf32, #tpu.memory_space<vmem>>, vector<16xf32>,
        %mul3A_394 = arith.mulf %get3A_391, %get3A_393 : vector<16xf32>
        %add3A_395 = arith.addf %add3A_388, %mul3A_394 : vector<16xf32>
        %max3A_396 = arith.maximumf %cond3A_381#17, %get3A_391 : vector<16xf32>
        %get3A_397 = arith.index_cast %while3A_338 : i32 to index
        %get3A_398 = arith.constant 32 : index
        %get3A_399 = tpu.vector_load %arg8[%get3A_397, %get3A_398] {strides = array<i32>} : memref<64x256xf32, #tpu.memory_space<vmem>>, vector<16xf32>,
        %get3A_400 = arith.constant 32 : index
        %get3A_401 = tpu.vector_load %arg10[%get3A_400] {strides = array<i32>} : memref<272xf32, #tpu.memory_space<vmem>>, vector<16xf32>,
        %mul3A_402 = arith.mulf %get3A_399, %get3A_401 : vector<16xf32>
        %add3A_403 = arith.addf %add3A_395, %mul3A_402 : vector<16xf32>
        %max3A_404 = arith.maximumf %cond3A_381#18, %get3A_399 : vector<16xf32>
        %get3A_405 = arith.index_cast %while3A_338 : i32 to index
        %get3A_406 = arith.constant 48 : index
        %get3A_407 = tpu.vector_load %arg8[%get3A_405, %get3A_406] {strides = array<i32>} : memref<64x256xf32, #tpu.memory_space<vmem>>, vector<16xf32>,
        %get3A_408 = arith.constant 48 : index
        %get3A_409 = tpu.vector_load %arg10[%get3A_408] {strides = array<i32>} : memref<272xf32, #tpu.memory_space<vmem>>, vector<16xf32>,
        %mul3A_410 = arith.mulf %get3A_407, %get3A_409 : vector<16xf32>
        %add3A_411 = arith.addf %add3A_403, %mul3A_410 : vector<16xf32>
        %max3A_412 = arith.maximumf %cond3A_381#19, %get3A_407 : vector<16xf32>
        %get3A_413 = arith.index_cast %while3A_338 : i32 to index
        %get3A_414 = arith.constant 64 : index
        %get3A_415 = tpu.vector_load %arg8[%get3A_413, %get3A_414] {strides = array<i32>} : memref<64x256xf32, #tpu.memory_space<vmem>>, vector<16xf32>,
        %get3A_416 = arith.constant 64 : index
        %get3A_417 = tpu.vector_load %arg10[%get3A_416] {strides = array<i32>} : memref<272xf32, #tpu.memory_space<vmem>>, vector<16xf32>,
        %mul3A_418 = arith.mulf %get3A_415, %get3A_417 : vector<16xf32>
        %add3A_419 = arith.addf %add3A_411, %mul3A_418 : vector<16xf32>
        %max3A_420 = arith.maximumf %cond3A_381#20, %get3A_415 : vector<16xf32>
        %get3A_421 = arith.index_cast %while3A_338 : i32 to index
        %get3A_422 = arith.constant 80 : index
        %get3A_423 = tpu.vector_load %arg8[%get3A_421, %get3A_422] {strides = array<i32>} : memref<64x256xf32, #tpu.memory_space<vmem>>, vector<16xf32>,
        %get3A_424 = arith.constant 80 : index
        %get3A_425 = tpu.vector_load %arg10[%get3A_424] {strides = array<i32>} : memref<272xf32, #tpu.memory_space<vmem>>, vector<16xf32>,
        %mul3A_426 = arith.mulf %get3A_423, %get3A_425 : vector<16xf32>
        %add3A_427 = arith.addf %add3A_419, %mul3A_426 : vector<16xf32>
        %max3A_428 = arith.maximumf %cond3A_381#21, %get3A_423 : vector<16xf32>
        %get3A_429 = arith.index_cast %while3A_338 : i32 to index
        %get3A_430 = arith.constant 96 : index
        %get3A_431 = tpu.vector_load %arg8[%get3A_429, %get3A_430] {strides = array<i32>} : memref<64x256xf32, #tpu.memory_space<vmem>>, vector<16xf32>,
        %get3A_432 = arith.constant 96 : index
        %get3A_433 = tpu.vector_load %arg10[%get3A_432] {strides = array<i32>} : memref<272xf32, #tpu.memory_space<vmem>>, vector<16xf32>,
        %mul3A_434 = arith.mulf %get3A_431, %get3A_433 : vector<16xf32>
        %add3A_435 = arith.addf %add3A_427, %mul3A_434 : vector<16xf32>
        %max3A_436 = arith.maximumf %cond3A_381#22, %get3A_431 : vector<16xf32>
        %get3A_437 = arith.index_cast %while3A_338 : i32 to index
        %get3A_438 = arith.constant 112 : index
        %get3A_439 = tpu.vector_load %arg8[%get3A_437, %get3A_438] {strides = array<i32>} : memref<64x256xf32, #tpu.memory_space<vmem>>, vector<16xf32>,
        %get3A_440 = arith.constant 112 : index
        %get3A_441 = tpu.vector_load %arg10[%get3A_440] {strides = array<i32>} : memref<272xf32, #tpu.memory_space<vmem>>, vector<16xf32>,
        %mul3A_442 = arith.mulf %get3A_439, %get3A_441 : vector<16xf32>
        %add3A_443 = arith.addf %add3A_435, %mul3A_442 : vector<16xf32>
        %max3A_444 = arith.maximumf %cond3A_381#23, %get3A_439 : vector<16xf32>
        %get3A_445 = arith.index_cast %while3A_338 : i32 to index
        %get3A_446 = arith.constant 128 : index
        %get3A_447 = tpu.vector_load %arg8[%get3A_445, %get3A_446] {strides = array<i32>} : memref<64x256xf32, #tpu.memory_space<vmem>>, vector<16xf32>,
        %get3A_448 = arith.constant 128 : index
        %get3A_449 = tpu.vector_load %arg10[%get3A_448] {strides = array<i32>} : memref<272xf32, #tpu.memory_space<vmem>>, vector<16xf32>,
        %mul3A_450 = arith.mulf %get3A_447, %get3A_449 : vector<16xf32>
        %add3A_451 = arith.addf %add3A_443, %mul3A_450 : vector<16xf32>
        %max3A_452 = arith.maximumf %cond3A_381#24, %get3A_447 : vector<16xf32>
        %get3A_453 = arith.index_cast %while3A_338 : i32 to index
        %get3A_454 = arith.constant 144 : index
        %get3A_455 = tpu.vector_load %arg8[%get3A_453, %get3A_454] {strides = array<i32>} : memref<64x256xf32, #tpu.memory_space<vmem>>, vector<16xf32>,
        %get3A_456 = arith.constant 144 : index
        %get3A_457 = tpu.vector_load %arg10[%get3A_456] {strides = array<i32>} : memref<272xf32, #tpu.memory_space<vmem>>, vector<16xf32>,
        %mul3A_458 = arith.mulf %get3A_455, %get3A_457 : vector<16xf32>
        %add3A_459 = arith.addf %add3A_451, %mul3A_458 : vector<16xf32>
        %max3A_460 = arith.maximumf %cond3A_381#25, %get3A_455 : vector<16xf32>
        %get3A_461 = arith.index_cast %while3A_338 : i32 to index
        %get3A_462 = arith.constant 160 : index
        %get3A_463 = tpu.vector_load %arg8[%get3A_461, %get3A_462] {strides = array<i32>} : memref<64x256xf32, #tpu.memory_space<vmem>>, vector<16xf32>,
        %get3A_464 = arith.constant 160 : index
        %get3A_465 = tpu.vector_load %arg10[%get3A_464] {strides = array<i32>} : memref<272xf32, #tpu.memory_space<vmem>>, vector<16xf32>,
        %mul3A_466 = arith.mulf %get3A_463, %get3A_465 : vector<16xf32>
        %add3A_467 = arith.addf %add3A_459, %mul3A_466 : vector<16xf32>
        %max3A_468 = arith.maximumf %cond3A_381#26, %get3A_463 : vector<16xf32>
        %get3A_469 = arith.index_cast %while3A_338 : i32 to index
        %get3A_470 = arith.constant 176 : index
        %get3A_471 = tpu.vector_load %arg8[%get3A_469, %get3A_470] {strides = array<i32>} : memref<64x256xf32, #tpu.memory_space<vmem>>, vector<16xf32>,
        %get3A_472 = arith.constant 176 : index
        %get3A_473 = tpu.vector_load %arg10[%get3A_472] {strides = array<i32>} : memref<272xf32, #tpu.memory_space<vmem>>, vector<16xf32>,
        %mul3A_474 = arith.mulf %get3A_471, %get3A_473 : vector<16xf32>
        %add3A_475 = arith.addf %add3A_467, %mul3A_474 : vector<16xf32>
        %max3A_476 = arith.maximumf %cond3A_381#27, %get3A_471 : vector<16xf32>
        %get3A_477 = arith.index_cast %while3A_338 : i32 to index
        %get3A_478 = arith.constant 192 : index
        %get3A_479 = tpu.vector_load %arg8[%get3A_477, %get3A_478] {strides = array<i32>} : memref<64x256xf32, #tpu.memory_space<vmem>>, vector<16xf32>,
        %get3A_480 = arith.constant 192 : index
        %get3A_481 = tpu.vector_load %arg10[%get3A_480] {strides = array<i32>} : memref<272xf32, #tpu.memory_space<vmem>>, vector<16xf32>,
        %mul3A_482 = arith.mulf %get3A_479, %get3A_481 : vector<16xf32>
        %add3A_483 = arith.addf %add3A_475, %mul3A_482 : vector<16xf32>
        %max3A_484 = arith.maximumf %cond3A_381#28, %get3A_479 : vector<16xf32>
        %get3A_485 = arith.index_cast %while3A_338 : i32 to index
        %get3A_486 = arith.constant 208 : index
        %get3A_487 = tpu.vector_load %arg8[%get3A_485, %get3A_486] {strides = array<i32>} : memref<64x256xf32, #tpu.memory_space<vmem>>, vector<16xf32>,
        %get3A_488 = arith.constant 208 : index
        %get3A_489 = tpu.vector_load %arg10[%get3A_488] {strides = array<i32>} : memref<272xf32, #tpu.memory_space<vmem>>, vector<16xf32>,
        %mul3A_490 = arith.mulf %get3A_487, %get3A_489 : vector<16xf32>
        %add3A_491 = arith.addf %add3A_483, %mul3A_490 : vector<16xf32>
        %max3A_492 = arith.maximumf %cond3A_381#29, %get3A_487 : vector<16xf32>
        %get3A_493 = arith.index_cast %while3A_338 : i32 to index
        %get3A_494 = arith.constant 224 : index
        %get3A_495 = tpu.vector_load %arg8[%get3A_493, %get3A_494] {strides = array<i32>} : memref<64x256xf32, #tpu.memory_space<vmem>>, vector<16xf32>,
        %get3A_496 = arith.constant 224 : index
        %get3A_497 = tpu.vector_load %arg10[%get3A_496] {strides = array<i32>} : memref<272xf32, #tpu.memory_space<vmem>>, vector<16xf32>,
        %mul3A_498 = arith.mulf %get3A_495, %get3A_497 : vector<16xf32>
        %add3A_499 = arith.addf %add3A_491, %mul3A_498 : vector<16xf32>
        %max3A_500 = arith.maximumf %cond3A_381#30, %get3A_495 : vector<16xf32>
        %get3A_501 = arith.index_cast %while3A_338 : i32 to index
        %get3A_502 = arith.constant 240 : index
        %get3A_503 = tpu.vector_load %arg8[%get3A_501, %get3A_502] {strides = array<i32>} : memref<64x256xf32, #tpu.memory_space<vmem>>, vector<16xf32>,
        %get3A_504 = arith.constant 240 : index
        %get3A_505 = tpu.vector_load %arg10[%get3A_504] {strides = array<i32>} : memref<272xf32, #tpu.memory_space<vmem>>, vector<16xf32>,
        %mul3A_506 = arith.mulf %get3A_503, %get3A_505 : vector<16xf32>
        %add3A_507 = arith.addf %add3A_499, %mul3A_506 : vector<16xf32>
        %max3A_508 = arith.maximumf %cond3A_381#31, %get3A_503 : vector<16xf32>
        %reduce_sum3A = arith.constant true
        %reduce_sum3A_509 = vector.broadcast %reduce_sum3A : i1 to vector<16xi1>
        %reduce_sum3A_510 = tpu.scan <sum>, %add3A_507 masked %reduce_sum3A_509 : vector<16xf32>, vector<16xi1> -> vector<16xf32>
        %reduce_sum3A_511 = vector.extract %reduce_sum3A_510[15] : f32 from vector<16xf32>
        %broadcast_in_dim3A_512 = vector.broadcast %reduce_sum3A_511 : f32 to vector<16xf32>
        %add3A_513 = arith.addf %broadcast_in_dim3A_512, %get3A_36 : vector<16xf32>
        %neg3A = arith.constant 0.000000e+00 : f32
        %neg3A_514 = vector.broadcast %neg3A : f32 to vector<16xf32>
        %neg3A_515 = arith.subf %neg3A_514, %add3A_513 : vector<16xf32>
        %exp3A = math.exp %neg3A_515 : vector<16xf32>
        %add3A_516 = arith.constant 1.000000e+00 : f32
        %add3A_517 = vector.broadcast %add3A_516 : f32 to vector<16xf32>
        %add3A_518 = arith.addf %add3A_517, %exp3A : vector<16xf32>
        %div3A_519 = arith.constant 1.000000e+00 : f32
        %div3A_520 = vector.broadcast %div3A_519 : f32 to vector<16xf32>
        %div3A_521 = arith.divf %div3A_520, %add3A_518 : vector<16xf32>
        %get3A_522 = arith.index_cast %while3A_338 : i32 to index
        %get3A_523 = arith.constant 0 : index
        %get3A_524 = tpu.vector_load %arg8[%get3A_522, %get3A_523] {strides = array<i32>} : memref<64x256xf32, #tpu.memory_space<vmem>>, vector<16xf32>,
        %mul3A_525 = arith.mulf %get3A_524, %div3A_521 : vector<16xf32>
        %add3A_526 = arith.addf %cond3A_381#0, %mul3A_525 : vector<16xf32>
        %get3A_527 = arith.index_cast %while3A_338 : i32 to index
        %get3A_528 = arith.constant 16 : index
        %get3A_529 = tpu.vector_load %arg8[%get3A_527, %get3A_528] {strides = array<i32>} : memref<64x256xf32, #tpu.memory_space<vmem>>, vector<16xf32>,
        %mul3A_530 = arith.mulf %get3A_529, %div3A_521 : vector<16xf32>
        %add3A_531 = arith.addf %cond3A_381#1, %mul3A_530 : vector<16xf32>
        %get3A_532 = arith.index_cast %while3A_338 : i32 to index
        %get3A_533 = arith.constant 32 : index
        %get3A_534 = tpu.vector_load %arg8[%get3A_532, %get3A_533] {strides = array<i32>} : memref<64x256xf32, #tpu.memory_space<vmem>>, vector<16xf32>,
        %mul3A_535 = arith.mulf %get3A_534, %div3A_521 : vector<16xf32>
        %add3A_536 = arith.addf %cond3A_381#2, %mul3A_535 : vector<16xf32>
        %get3A_537 = arith.index_cast %while3A_338 : i32 to index
        %get3A_538 = arith.constant 48 : index
        %get3A_539 = tpu.vector_load %arg8[%get3A_537, %get3A_538] {strides = array<i32>} : memref<64x256xf32, #tpu.memory_space<vmem>>, vector<16xf32>,
        %mul3A_540 = arith.mulf %get3A_539, %div3A_521 : vector<16xf32>
        %add3A_541 = arith.addf %cond3A_381#3, %mul3A_540 : vector<16xf32>
        %get3A_542 = arith.index_cast %while3A_338 : i32 to index
        %get3A_543 = arith.constant 64 : index
        %get3A_544 = tpu.vector_load %arg8[%get3A_542, %get3A_543] {strides = array<i32>} : memref<64x256xf32, #tpu.memory_space<vmem>>, vector<16xf32>,
        %mul3A_545 = arith.mulf %get3A_544, %div3A_521 : vector<16xf32>
        %add3A_546 = arith.addf %cond3A_381#4, %mul3A_545 : vector<16xf32>
        %get3A_547 = arith.index_cast %while3A_338 : i32 to index
        %get3A_548 = arith.constant 80 : index
        %get3A_549 = tpu.vector_load %arg8[%get3A_547, %get3A_548] {strides = array<i32>} : memref<64x256xf32, #tpu.memory_space<vmem>>, vector<16xf32>,
        %mul3A_550 = arith.mulf %get3A_549, %div3A_521 : vector<16xf32>
        %add3A_551 = arith.addf %cond3A_381#5, %mul3A_550 : vector<16xf32>
        %get3A_552 = arith.index_cast %while3A_338 : i32 to index
        %get3A_553 = arith.constant 96 : index
        %get3A_554 = tpu.vector_load %arg8[%get3A_552, %get3A_553] {strides = array<i32>} : memref<64x256xf32, #tpu.memory_space<vmem>>, vector<16xf32>,
        %mul3A_555 = arith.mulf %get3A_554, %div3A_521 : vector<16xf32>
        %add3A_556 = arith.addf %cond3A_381#6, %mul3A_555 : vector<16xf32>
        %get3A_557 = arith.index_cast %while3A_338 : i32 to index
        %get3A_558 = arith.constant 112 : index
        %get3A_559 = tpu.vector_load %arg8[%get3A_557, %get3A_558] {strides = array<i32>} : memref<64x256xf32, #tpu.memory_space<vmem>>, vector<16xf32>,
        %mul3A_560 = arith.mulf %get3A_559, %div3A_521 : vector<16xf32>
        %add3A_561 = arith.addf %cond3A_381#7, %mul3A_560 : vector<16xf32>
        %get3A_562 = arith.index_cast %while3A_338 : i32 to index
        %get3A_563 = arith.constant 128 : index
        %get3A_564 = tpu.vector_load %arg8[%get3A_562, %get3A_563] {strides = array<i32>} : memref<64x256xf32, #tpu.memory_space<vmem>>, vector<16xf32>,
        %mul3A_565 = arith.mulf %get3A_564, %div3A_521 : vector<16xf32>
        %add3A_566 = arith.addf %cond3A_381#8, %mul3A_565 : vector<16xf32>
        %get3A_567 = arith.index_cast %while3A_338 : i32 to index
        %get3A_568 = arith.constant 144 : index
        %get3A_569 = tpu.vector_load %arg8[%get3A_567, %get3A_568] {strides = array<i32>} : memref<64x256xf32, #tpu.memory_space<vmem>>, vector<16xf32>,
        %mul3A_570 = arith.mulf %get3A_569, %div3A_521 : vector<16xf32>
        %add3A_571 = arith.addf %cond3A_381#9, %mul3A_570 : vector<16xf32>
        %get3A_572 = arith.index_cast %while3A_338 : i32 to index
        %get3A_573 = arith.constant 160 : index
        %get3A_574 = tpu.vector_load %arg8[%get3A_572, %get3A_573] {strides = array<i32>} : memref<64x256xf32, #tpu.memory_space<vmem>>, vector<16xf32>,
        %mul3A_575 = arith.mulf %get3A_574, %div3A_521 : vector<16xf32>
        %add3A_576 = arith.addf %cond3A_381#10, %mul3A_575 : vector<16xf32>
        %get3A_577 = arith.index_cast %while3A_338 : i32 to index
        %get3A_578 = arith.constant 176 : index
        %get3A_579 = tpu.vector_load %arg8[%get3A_577, %get3A_578] {strides = array<i32>} : memref<64x256xf32, #tpu.memory_space<vmem>>, vector<16xf32>,
        %mul3A_580 = arith.mulf %get3A_579, %div3A_521 : vector<16xf32>
        %add3A_581 = arith.addf %cond3A_381#11, %mul3A_580 : vector<16xf32>
        %get3A_582 = arith.index_cast %while3A_338 : i32 to index
        %get3A_583 = arith.constant 192 : index
        %get3A_584 = tpu.vector_load %arg8[%get3A_582, %get3A_583] {strides = array<i32>} : memref<64x256xf32, #tpu.memory_space<vmem>>, vector<16xf32>,
        %mul3A_585 = arith.mulf %get3A_584, %div3A_521 : vector<16xf32>
        %add3A_586 = arith.addf %cond3A_381#12, %mul3A_585 : vector<16xf32>
        %get3A_587 = arith.index_cast %while3A_338 : i32 to index
        %get3A_588 = arith.constant 208 : index
        %get3A_589 = tpu.vector_load %arg8[%get3A_587, %get3A_588] {strides = array<i32>} : memref<64x256xf32, #tpu.memory_space<vmem>>, vector<16xf32>,
        %mul3A_590 = arith.mulf %get3A_589, %div3A_521 : vector<16xf32>
        %add3A_591 = arith.addf %cond3A_381#13, %mul3A_590 : vector<16xf32>
        %get3A_592 = arith.index_cast %while3A_338 : i32 to index
        %get3A_593 = arith.constant 224 : index
        %get3A_594 = tpu.vector_load %arg8[%get3A_592, %get3A_593] {strides = array<i32>} : memref<64x256xf32, #tpu.memory_space<vmem>>, vector<16xf32>,
        %mul3A_595 = arith.mulf %get3A_594, %div3A_521 : vector<16xf32>
        %add3A_596 = arith.addf %cond3A_381#14, %mul3A_595 : vector<16xf32>
        %get3A_597 = arith.index_cast %while3A_338 : i32 to index
        %get3A_598 = arith.constant 240 : index
        %get3A_599 = tpu.vector_load %arg8[%get3A_597, %get3A_598] {strides = array<i32>} : memref<64x256xf32, #tpu.memory_space<vmem>>, vector<16xf32>,
        %mul3A_600 = arith.mulf %get3A_599, %div3A_521 : vector<16xf32>
        %add3A_601 = arith.addf %cond3A_381#15, %mul3A_600 : vector<16xf32>
        scf.yield %squeeze3A_377, %add3A_526, %add3A_531, %add3A_536, %add3A_541, %add3A_546, %add3A_551, %add3A_556, %add3A_561, %add3A_566, %add3A_571, %add3A_576, %add3A_581, %add3A_586, %add3A_591, %add3A_596, %add3A_601, %max3A, %max3A_396, %max3A_404, %max3A_412, %max3A_420, %max3A_428, %max3A_436, %max3A_444, %max3A_452, %max3A_460, %max3A_468, %max3A_476, %max3A_484, %max3A_492, %max3A_500, %max3A_508 : i32, vector<16xf32>, vector<16xf32>, vector<16xf32>, vector<16xf32>, vector<16xf32>, vector<16xf32>, vector<16xf32>, vector<16xf32>, vector<16xf32>, vector<16xf32>, vector<16xf32>, vector<16xf32>, vector<16xf32>, vector<16xf32>, vector<16xf32>, vector<16xf32>, vector<16xf32>, vector<16xf32>, vector<16xf32>, vector<16xf32>, vector<16xf32>, vector<16xf32>, vector<16xf32>, vector<16xf32>, vector<16xf32>, vector<16xf32>, vector<16xf32>, vector<16xf32>, vector<16xf32>, vector<16xf32>, vector<16xf32>, vector<16xf32>
      }
      scf.yield %while3A_337#0, %while3A_337#1, %while3A_337#2, %while3A_337#3, %while3A_337#4, %while3A_337#5, %while3A_337#6, %while3A_337#7, %while3A_337#8, %while3A_337#9, %while3A_337#10, %while3A_337#11, %while3A_337#12, %while3A_337#13, %while3A_337#14, %while3A_337#15, %while3A_337#16, %while3A_337#17, %while3A_337#18, %while3A_337#19, %while3A_337#20, %while3A_337#21, %while3A_337#22, %while3A_337#23, %while3A_337#24, %while3A_337#25, %while3A_337#26, %while3A_337#27, %while3A_337#28, %while3A_337#29, %while3A_337#30, %while3A_337#31, %while3A_337#32 : i32, vector<16xf32>, vector<16xf32>, vector<16xf32>, vector<16xf32>, vector<16xf32>, vector<16xf32>, vector<16xf32>, vector<16xf32>, vector<16xf32>, vector<16xf32>, vector<16xf32>, vector<16xf32>, vector<16xf32>, vector<16xf32>, vector<16xf32>, vector<16xf32>, vector<16xf32>, vector<16xf32>, vector<16xf32>, vector<16xf32>, vector<16xf32>, vector<16xf32>, vector<16xf32>, vector<16xf32>, vector<16xf32>, vector<16xf32>, vector<16xf32>, vector<16xf32>, vector<16xf32>, vector<16xf32>, vector<16xf32>, vector<16xf32>
    }
    %scan3A_59 = arith.constant 12 : i32
    %dma_wait3A = arith.constant 0 : i32
    %dma_wait3A_60 = arith.constant 0 : i32
    %dma_wait3A_61 = tpu.memref_slice %arg2[%dma_wait3A, %dma_wait3A_60] : memref<50000x256xf32, #tpu.memory_space<hbm>> -> memref<64x256xf32, #tpu.memory_space<hbm>>
    %dma_wait3A_62 = arith.constant 0 : i32
    %dma_wait3A_63 = arith.constant 0 : i32
    %dma_wait3A_64 = tpu.memref_slice %arg2[%dma_wait3A_62, %dma_wait3A_63] : memref<50000x256xf32, #tpu.memory_space<hbm>> -> memref<64x256xf32, #tpu.memory_space<hbm>>
    tpu.wait_dma2 semaphore(%arg13 : memref<!tpu.dma_semaphore, #tpu.memory_space<semaphore_mem>>) src(%dma_wait3A_64 : memref<64x256xf32, #tpu.memory_space<hbm>>) dst(%arg7 : memref<64x256xf32, #tpu.memory_space<vmem>>)
    %add3A_65 = arith.constant 1536 : i32
    %add3A_66 = arith.addi %mul3A_6, %add3A_65 : i32
    %sub3A_67 = arith.constant 64 : i32
    %sub3A_68 = arith.subi %add3A_12, %sub3A_67 : i32
    %min3A_69 = arith.minsi %add3A_66, %sub3A_68 : i32
    %add3A_70 = arith.constant 1536 : i32
    %add3A_71 = arith.addi %mul3A_6, %add3A_70 : i32
    %sub3A_72 = arith.subi %add3A_71, %min3A_69 : i32
    %while3A = arith.constant 64 : i32
    %while3A_73 = arith.subi %while3A, %sub3A_72 : i32
    %while3A_74 = arith.addi %sub3A_72, %while3A_73 : i32
    %while3A_75 = arith.constant 1 : i32
    %while3A_76 = arith.divsi %while3A_73, %while3A_75 : i32
    %while3A_77 = arith.muli %while3A_76, %while3A_75 : i32
    %while3A_78 = arith.addi %sub3A_72, %while3A_77 : i32
    %while3A_79 = arith.constant 1 : i32
    %while3A_80:33 = scf.for %while3A_216 = %sub3A_72 to %while3A_78 step %while3A_79 iter_args(%while3A_217 = %scan3A_58#0, %while3A_218 = %scan3A_58#1, %while3A_219 = %scan3A_58#2, %while3A_220 = %scan3A_58#3, %while3A_221 = %scan3A_58#4, %while3A_222 = %scan3A_58#5, %while3A_223 = %scan3A_58#6, %while3A_224 = %scan3A_58#7, %while3A_225 = %scan3A_58#8, %while3A_226 = %scan3A_58#9, %while3A_227 = %scan3A_58#10, %while3A_228 = %scan3A_58#11, %while3A_229 = %scan3A_58#12, %while3A_230 = %scan3A_58#13, %while3A_231 = %scan3A_58#14, %while3A_232 = %scan3A_58#15, %while3A_233 = %scan3A_58#16, %while3A_234 = %scan3A_58#17, %while3A_235 = %scan3A_58#18, %while3A_236 = %scan3A_58#19, %while3A_237 = %scan3A_58#20, %while3A_238 = %scan3A_58#21, %while3A_239 = %scan3A_58#22, %while3A_240 = %scan3A_58#23, %while3A_241 = %scan3A_58#24, %while3A_242 = %scan3A_58#25, %while3A_243 = %scan3A_58#26, %while3A_244 = %scan3A_58#27, %while3A_245 = %scan3A_58#28, %while3A_246 = %scan3A_58#29, %while3A_247 = %scan3A_58#30, %while3A_248 = %scan3A_58#31, %while3A_249 = %scan3A_58#32) -> (i32, vector<16xf32>, vector<16xf32>, vector<16xf32>, vector<16xf32>, vector<16xf32>, vector<16xf32>, vector<16xf32>, vector<16xf32>, vector<16xf32>, vector<16xf32>, vector<16xf32>, vector<16xf32>, vector<16xf32>, vector<16xf32>, vector<16xf32>, vector<16xf32>, vector<16xf32>, vector<16xf32>, vector<16xf32>, vector<16xf32>, vector<16xf32>, vector<16xf32>, vector<16xf32>, vector<16xf32>, vector<16xf32>, vector<16xf32>, vector<16xf32>, vector<16xf32>, vector<16xf32>, vector<16xf32>, vector<16xf32>, vector<16xf32>)  : i32 {
      %add3A_250 = arith.addi %min3A_69, %while3A_216 : i32
      %sub3A_251 = arith.subi %add3A_250, %min3A_32 : i32
      %get3A_252 = arith.index_cast %sub3A_251 : i32 to index
      %get3A_253 = tpu.vector_load %arg9[%get3A_252] {strides = array<i32>} : memref<1640xi32, #tpu.memory_space<vmem>>, vector<16xi32>,
      %slice3A_254 = vector.extract_strided_slice %get3A_253 {offsets = [0], sizes = [1], strides = [1]} : vector<16xi32> to vector<1xi32>
      %squeeze3A_255 = vector.extract %slice3A_254[0] : i32 from vector<1xi32>
      %ne3A_256 = arith.cmpi ne, %squeeze3A_255, %while3A_217 : i32
      %convert_element_type3A_257 = arith.extui %ne3A_256 : i1 to i32
      %cond3A = arith.constant 0 : i32
      %cond3A_258 = arith.cmpi ne, %convert_element_type3A_257, %cond3A : i32
      %cond3A_259:32 = scf.if %cond3A_258 -> (vector<16xf32>, vector<16xf32>, vector<16xf32>, vector<16xf32>, vector<16xf32>, vector<16xf32>, vector<16xf32>, vector<16xf32>, vector<16xf32>, vector<16xf32>, vector<16xf32>, vector<16xf32>, vector<16xf32>, vector<16xf32>, vector<16xf32>, vector<16xf32>, vector<16xf32>, vector<16xf32>, vector<16xf32>, vector<16xf32>, vector<16xf32>, vector<16xf32>, vector<16xf32>, vector<16xf32>, vector<16xf32>, vector<16xf32>, vector<16xf32>, vector<16xf32>, vector<16xf32>, vector<16xf32>, vector<16xf32>, vector<16xf32>) {
        %mul3A_480 = arith.constant 256 : i32
        %mul3A_481 = arith.muli %while3A_217, %mul3A_480 : i32
        %add3A_482 = arith.constant 0 : i32
        %add3A_483 = arith.addi %mul3A_481, %add3A_482 : i32
        %swap3A_484 = arith.index_cast %add3A_483 : i32 to index
        %swap3A_485 = tpu.vector_load %arg11[%swap3A_484] {strides = array<i32>} : memref<32768xf32, #tpu.memory_space<vmem>>, vector<16xf32>,
        tpu.vector_store %arg11[%swap3A_484], %while3A_218 {strides = array<i32>} : memref<32768xf32, #tpu.memory_space<vmem>>, vector<16xf32>,
        %add3A_486 = arith.constant 0 : i32
        %add3A_487 = arith.addi %mul3A_481, %add3A_486 : i32
        %swap3A_488 = arith.index_cast %add3A_487 : i32 to index
        %swap3A_489 = tpu.vector_load %arg12[%swap3A_488] {strides = array<i32>} : memref<32768xf32, #tpu.memory_space<vmem>>, vector<16xf32>,
        tpu.vector_store %arg12[%swap3A_488], %while3A_234 {strides = array<i32>} : memref<32768xf32, #tpu.memory_space<vmem>>, vector<16xf32>,
        %add3A_490 = arith.constant 16 : i32
        %add3A_491 = arith.addi %mul3A_481, %add3A_490 : i32
        %swap3A_492 = arith.index_cast %add3A_491 : i32 to index
        %swap3A_493 = tpu.vector_load %arg11[%swap3A_492] {strides = array<i32>} : memref<32768xf32, #tpu.memory_space<vmem>>, vector<16xf32>,
        tpu.vector_store %arg11[%swap3A_492], %while3A_219 {strides = array<i32>} : memref<32768xf32, #tpu.memory_space<vmem>>, vector<16xf32>,
        %add3A_494 = arith.constant 16 : i32
        %add3A_495 = arith.addi %mul3A_481, %add3A_494 : i32
        %swap3A_496 = arith.index_cast %add3A_495 : i32 to index
        %swap3A_497 = tpu.vector_load %arg12[%swap3A_496] {strides = array<i32>} : memref<32768xf32, #tpu.memory_space<vmem>>, vector<16xf32>,
        tpu.vector_store %arg12[%swap3A_496], %while3A_235 {strides = array<i32>} : memref<32768xf32, #tpu.memory_space<vmem>>, vector<16xf32>,
        %add3A_498 = arith.constant 32 : i32
        %add3A_499 = arith.addi %mul3A_481, %add3A_498 : i32
        %swap3A_500 = arith.index_cast %add3A_499 : i32 to index
        %swap3A_501 = tpu.vector_load %arg11[%swap3A_500] {strides = array<i32>} : memref<32768xf32, #tpu.memory_space<vmem>>, vector<16xf32>,
        tpu.vector_store %arg11[%swap3A_500], %while3A_220 {strides = array<i32>} : memref<32768xf32, #tpu.memory_space<vmem>>, vector<16xf32>,
        %add3A_502 = arith.constant 32 : i32
        %add3A_503 = arith.addi %mul3A_481, %add3A_502 : i32
        %swap3A_504 = arith.index_cast %add3A_503 : i32 to index
        %swap3A_505 = tpu.vector_load %arg12[%swap3A_504] {strides = array<i32>} : memref<32768xf32, #tpu.memory_space<vmem>>, vector<16xf32>,
        tpu.vector_store %arg12[%swap3A_504], %while3A_236 {strides = array<i32>} : memref<32768xf32, #tpu.memory_space<vmem>>, vector<16xf32>,
        %add3A_506 = arith.constant 48 : i32
        %add3A_507 = arith.addi %mul3A_481, %add3A_506 : i32
        %swap3A_508 = arith.index_cast %add3A_507 : i32 to index
        %swap3A_509 = tpu.vector_load %arg11[%swap3A_508] {strides = array<i32>} : memref<32768xf32, #tpu.memory_space<vmem>>, vector<16xf32>,
        tpu.vector_store %arg11[%swap3A_508], %while3A_221 {strides = array<i32>} : memref<32768xf32, #tpu.memory_space<vmem>>, vector<16xf32>,
        %add3A_510 = arith.constant 48 : i32
        %add3A_511 = arith.addi %mul3A_481, %add3A_510 : i32
        %swap3A_512 = arith.index_cast %add3A_511 : i32 to index
        %swap3A_513 = tpu.vector_load %arg12[%swap3A_512] {strides = array<i32>} : memref<32768xf32, #tpu.memory_space<vmem>>, vector<16xf32>,
        tpu.vector_store %arg12[%swap3A_512], %while3A_237 {strides = array<i32>} : memref<32768xf32, #tpu.memory_space<vmem>>, vector<16xf32>,
        %add3A_514 = arith.constant 64 : i32
        %add3A_515 = arith.addi %mul3A_481, %add3A_514 : i32
        %swap3A_516 = arith.index_cast %add3A_515 : i32 to index
        %swap3A_517 = tpu.vector_load %arg11[%swap3A_516] {strides = array<i32>} : memref<32768xf32, #tpu.memory_space<vmem>>, vector<16xf32>,
        tpu.vector_store %arg11[%swap3A_516], %while3A_222 {strides = array<i32>} : memref<32768xf32, #tpu.memory_space<vmem>>, vector<16xf32>,
        %add3A_518 = arith.constant 64 : i32
        %add3A_519 = arith.addi %mul3A_481, %add3A_518 : i32
        %swap3A_520 = arith.index_cast %add3A_519 : i32 to index
        %swap3A_521 = tpu.vector_load %arg12[%swap3A_520] {strides = array<i32>} : memref<32768xf32, #tpu.memory_space<vmem>>, vector<16xf32>,
        tpu.vector_store %arg12[%swap3A_520], %while3A_238 {strides = array<i32>} : memref<32768xf32, #tpu.memory_space<vmem>>, vector<16xf32>,
        %add3A_522 = arith.constant 80 : i32
        %add3A_523 = arith.addi %mul3A_481, %add3A_522 : i32
        %swap3A_524 = arith.index_cast %add3A_523 : i32 to index
        %swap3A_525 = tpu.vector_load %arg11[%swap3A_524] {strides = array<i32>} : memref<32768xf32, #tpu.memory_space<vmem>>, vector<16xf32>,
        tpu.vector_store %arg11[%swap3A_524], %while3A_223 {strides = array<i32>} : memref<32768xf32, #tpu.memory_space<vmem>>, vector<16xf32>,
        %add3A_526 = arith.constant 80 : i32
        %add3A_527 = arith.addi %mul3A_481, %add3A_526 : i32
        %swap3A_528 = arith.index_cast %add3A_527 : i32 to index
        %swap3A_529 = tpu.vector_load %arg12[%swap3A_528] {strides = array<i32>} : memref<32768xf32, #tpu.memory_space<vmem>>, vector<16xf32>,
        tpu.vector_store %arg12[%swap3A_528], %while3A_239 {strides = array<i32>} : memref<32768xf32, #tpu.memory_space<vmem>>, vector<16xf32>,
        %add3A_530 = arith.constant 96 : i32
        %add3A_531 = arith.addi %mul3A_481, %add3A_530 : i32
        %swap3A_532 = arith.index_cast %add3A_531 : i32 to index
        %swap3A_533 = tpu.vector_load %arg11[%swap3A_532] {strides = array<i32>} : memref<32768xf32, #tpu.memory_space<vmem>>, vector<16xf32>,
        tpu.vector_store %arg11[%swap3A_532], %while3A_224 {strides = array<i32>} : memref<32768xf32, #tpu.memory_space<vmem>>, vector<16xf32>,
        %add3A_534 = arith.constant 96 : i32
        %add3A_535 = arith.addi %mul3A_481, %add3A_534 : i32
        %swap3A_536 = arith.index_cast %add3A_535 : i32 to index
        %swap3A_537 = tpu.vector_load %arg12[%swap3A_536] {strides = array<i32>} : memref<32768xf32, #tpu.memory_space<vmem>>, vector<16xf32>,
        tpu.vector_store %arg12[%swap3A_536], %while3A_240 {strides = array<i32>} : memref<32768xf32, #tpu.memory_space<vmem>>, vector<16xf32>,
        %add3A_538 = arith.constant 112 : i32
        %add3A_539 = arith.addi %mul3A_481, %add3A_538 : i32
        %swap3A_540 = arith.index_cast %add3A_539 : i32 to index
        %swap3A_541 = tpu.vector_load %arg11[%swap3A_540] {strides = array<i32>} : memref<32768xf32, #tpu.memory_space<vmem>>, vector<16xf32>,
        tpu.vector_store %arg11[%swap3A_540], %while3A_225 {strides = array<i32>} : memref<32768xf32, #tpu.memory_space<vmem>>, vector<16xf32>,
        %add3A_542 = arith.constant 112 : i32
        %add3A_543 = arith.addi %mul3A_481, %add3A_542 : i32
        %swap3A_544 = arith.index_cast %add3A_543 : i32 to index
        %swap3A_545 = tpu.vector_load %arg12[%swap3A_544] {strides = array<i32>} : memref<32768xf32, #tpu.memory_space<vmem>>, vector<16xf32>,
        tpu.vector_store %arg12[%swap3A_544], %while3A_241 {strides = array<i32>} : memref<32768xf32, #tpu.memory_space<vmem>>, vector<16xf32>,
        %add3A_546 = arith.constant 128 : i32
        %add3A_547 = arith.addi %mul3A_481, %add3A_546 : i32
        %swap3A_548 = arith.index_cast %add3A_547 : i32 to index
        %swap3A_549 = tpu.vector_load %arg11[%swap3A_548] {strides = array<i32>} : memref<32768xf32, #tpu.memory_space<vmem>>, vector<16xf32>,
        tpu.vector_store %arg11[%swap3A_548], %while3A_226 {strides = array<i32>} : memref<32768xf32, #tpu.memory_space<vmem>>, vector<16xf32>,
        %add3A_550 = arith.constant 128 : i32
        %add3A_551 = arith.addi %mul3A_481, %add3A_550 : i32
        %swap3A_552 = arith.index_cast %add3A_551 : i32 to index
        %swap3A_553 = tpu.vector_load %arg12[%swap3A_552] {strides = array<i32>} : memref<32768xf32, #tpu.memory_space<vmem>>, vector<16xf32>,
        tpu.vector_store %arg12[%swap3A_552], %while3A_242 {strides = array<i32>} : memref<32768xf32, #tpu.memory_space<vmem>>, vector<16xf32>,
        %add3A_554 = arith.constant 144 : i32
        %add3A_555 = arith.addi %mul3A_481, %add3A_554 : i32
        %swap3A_556 = arith.index_cast %add3A_555 : i32 to index
        %swap3A_557 = tpu.vector_load %arg11[%swap3A_556] {strides = array<i32>} : memref<32768xf32, #tpu.memory_space<vmem>>, vector<16xf32>,
        tpu.vector_store %arg11[%swap3A_556], %while3A_227 {strides = array<i32>} : memref<32768xf32, #tpu.memory_space<vmem>>, vector<16xf32>,
        %add3A_558 = arith.constant 144 : i32
        %add3A_559 = arith.addi %mul3A_481, %add3A_558 : i32
        %swap3A_560 = arith.index_cast %add3A_559 : i32 to index
        %swap3A_561 = tpu.vector_load %arg12[%swap3A_560] {strides = array<i32>} : memref<32768xf32, #tpu.memory_space<vmem>>, vector<16xf32>,
        tpu.vector_store %arg12[%swap3A_560], %while3A_243 {strides = array<i32>} : memref<32768xf32, #tpu.memory_space<vmem>>, vector<16xf32>,
        %add3A_562 = arith.constant 160 : i32
        %add3A_563 = arith.addi %mul3A_481, %add3A_562 : i32
        %swap3A_564 = arith.index_cast %add3A_563 : i32 to index
        %swap3A_565 = tpu.vector_load %arg11[%swap3A_564] {strides = array<i32>} : memref<32768xf32, #tpu.memory_space<vmem>>, vector<16xf32>,
        tpu.vector_store %arg11[%swap3A_564], %while3A_228 {strides = array<i32>} : memref<32768xf32, #tpu.memory_space<vmem>>, vector<16xf32>,
        %add3A_566 = arith.constant 160 : i32
        %add3A_567 = arith.addi %mul3A_481, %add3A_566 : i32
        %swap3A_568 = arith.index_cast %add3A_567 : i32 to index
        %swap3A_569 = tpu.vector_load %arg12[%swap3A_568] {strides = array<i32>} : memref<32768xf32, #tpu.memory_space<vmem>>, vector<16xf32>,
        tpu.vector_store %arg12[%swap3A_568], %while3A_244 {strides = array<i32>} : memref<32768xf32, #tpu.memory_space<vmem>>, vector<16xf32>,
        %add3A_570 = arith.constant 176 : i32
        %add3A_571 = arith.addi %mul3A_481, %add3A_570 : i32
        %swap3A_572 = arith.index_cast %add3A_571 : i32 to index
        %swap3A_573 = tpu.vector_load %arg11[%swap3A_572] {strides = array<i32>} : memref<32768xf32, #tpu.memory_space<vmem>>, vector<16xf32>,
        tpu.vector_store %arg11[%swap3A_572], %while3A_229 {strides = array<i32>} : memref<32768xf32, #tpu.memory_space<vmem>>, vector<16xf32>,
        %add3A_574 = arith.constant 176 : i32
        %add3A_575 = arith.addi %mul3A_481, %add3A_574 : i32
        %swap3A_576 = arith.index_cast %add3A_575 : i32 to index
        %swap3A_577 = tpu.vector_load %arg12[%swap3A_576] {strides = array<i32>} : memref<32768xf32, #tpu.memory_space<vmem>>, vector<16xf32>,
        tpu.vector_store %arg12[%swap3A_576], %while3A_245 {strides = array<i32>} : memref<32768xf32, #tpu.memory_space<vmem>>, vector<16xf32>,
        %add3A_578 = arith.constant 192 : i32
        %add3A_579 = arith.addi %mul3A_481, %add3A_578 : i32
        %swap3A_580 = arith.index_cast %add3A_579 : i32 to index
        %swap3A_581 = tpu.vector_load %arg11[%swap3A_580] {strides = array<i32>} : memref<32768xf32, #tpu.memory_space<vmem>>, vector<16xf32>,
        tpu.vector_store %arg11[%swap3A_580], %while3A_230 {strides = array<i32>} : memref<32768xf32, #tpu.memory_space<vmem>>, vector<16xf32>,
        %add3A_582 = arith.constant 192 : i32
        %add3A_583 = arith.addi %mul3A_481, %add3A_582 : i32
        %swap3A_584 = arith.index_cast %add3A_583 : i32 to index
        %swap3A_585 = tpu.vector_load %arg12[%swap3A_584] {strides = array<i32>} : memref<32768xf32, #tpu.memory_space<vmem>>, vector<16xf32>,
        tpu.vector_store %arg12[%swap3A_584], %while3A_246 {strides = array<i32>} : memref<32768xf32, #tpu.memory_space<vmem>>, vector<16xf32>,
        %add3A_586 = arith.constant 208 : i32
        %add3A_587 = arith.addi %mul3A_481, %add3A_586 : i32
        %swap3A_588 = arith.index_cast %add3A_587 : i32 to index
        %swap3A_589 = tpu.vector_load %arg11[%swap3A_588] {strides = array<i32>} : memref<32768xf32, #tpu.memory_space<vmem>>, vector<16xf32>,
        tpu.vector_store %arg11[%swap3A_588], %while3A_231 {strides = array<i32>} : memref<32768xf32, #tpu.memory_space<vmem>>, vector<16xf32>,
        %add3A_590 = arith.constant 208 : i32
        %add3A_591 = arith.addi %mul3A_481, %add3A_590 : i32
        %swap3A_592 = arith.index_cast %add3A_591 : i32 to index
        %swap3A_593 = tpu.vector_load %arg12[%swap3A_592] {strides = array<i32>} : memref<32768xf32, #tpu.memory_space<vmem>>, vector<16xf32>,
        tpu.vector_store %arg12[%swap3A_592], %while3A_247 {strides = array<i32>} : memref<32768xf32, #tpu.memory_space<vmem>>, vector<16xf32>,
        %add3A_594 = arith.constant 224 : i32
        %add3A_595 = arith.addi %mul3A_481, %add3A_594 : i32
        %swap3A_596 = arith.index_cast %add3A_595 : i32 to index
        %swap3A_597 = tpu.vector_load %arg11[%swap3A_596] {strides = array<i32>} : memref<32768xf32, #tpu.memory_space<vmem>>, vector<16xf32>,
        tpu.vector_store %arg11[%swap3A_596], %while3A_232 {strides = array<i32>} : memref<32768xf32, #tpu.memory_space<vmem>>, vector<16xf32>,
        %add3A_598 = arith.constant 224 : i32
        %add3A_599 = arith.addi %mul3A_481, %add3A_598 : i32
        %swap3A_600 = arith.index_cast %add3A_599 : i32 to index
        %swap3A_601 = tpu.vector_load %arg12[%swap3A_600] {strides = array<i32>} : memref<32768xf32, #tpu.memory_space<vmem>>, vector<16xf32>,
        tpu.vector_store %arg12[%swap3A_600], %while3A_248 {strides = array<i32>} : memref<32768xf32, #tpu.memory_space<vmem>>, vector<16xf32>,
        %add3A_602 = arith.constant 240 : i32
        %add3A_603 = arith.addi %mul3A_481, %add3A_602 : i32
        %swap3A_604 = arith.index_cast %add3A_603 : i32 to index
        %swap3A_605 = tpu.vector_load %arg11[%swap3A_604] {strides = array<i32>} : memref<32768xf32, #tpu.memory_space<vmem>>, vector<16xf32>,
        tpu.vector_store %arg11[%swap3A_604], %while3A_233 {strides = array<i32>} : memref<32768xf32, #tpu.memory_space<vmem>>, vector<16xf32>,
        %add3A_606 = arith.constant 240 : i32
        %add3A_607 = arith.addi %mul3A_481, %add3A_606 : i32
        %swap3A_608 = arith.index_cast %add3A_607 : i32 to index
        %swap3A_609 = tpu.vector_load %arg12[%swap3A_608] {strides = array<i32>} : memref<32768xf32, #tpu.memory_space<vmem>>, vector<16xf32>,
        tpu.vector_store %arg12[%swap3A_608], %while3A_249 {strides = array<i32>} : memref<32768xf32, #tpu.memory_space<vmem>>, vector<16xf32>,
        scf.yield %broadcast_in_dim3A_33, %broadcast_in_dim3A_33, %broadcast_in_dim3A_33, %broadcast_in_dim3A_33, %broadcast_in_dim3A_33, %broadcast_in_dim3A_33, %broadcast_in_dim3A_33, %broadcast_in_dim3A_33, %broadcast_in_dim3A_33, %broadcast_in_dim3A_33, %broadcast_in_dim3A_33, %broadcast_in_dim3A_33, %broadcast_in_dim3A_33, %broadcast_in_dim3A_33, %broadcast_in_dim3A_33, %broadcast_in_dim3A_33, %broadcast_in_dim3A_35, %broadcast_in_dim3A_35, %broadcast_in_dim3A_35, %broadcast_in_dim3A_35, %broadcast_in_dim3A_35, %broadcast_in_dim3A_35, %broadcast_in_dim3A_35, %broadcast_in_dim3A_35, %broadcast_in_dim3A_35, %broadcast_in_dim3A_35, %broadcast_in_dim3A_35, %broadcast_in_dim3A_35, %broadcast_in_dim3A_35, %broadcast_in_dim3A_35, %broadcast_in_dim3A_35, %broadcast_in_dim3A_35 : vector<16xf32>, vector<16xf32>, vector<16xf32>, vector<16xf32>, vector<16xf32>, vector<16xf32>, vector<16xf32>, vector<16xf32>, vector<16xf32>, vector<16xf32>, vector<16xf32>, vector<16xf32>, vector<16xf32>, vector<16xf32>, vector<16xf32>, vector<16xf32>, vector<16xf32>, vector<16xf32>, vector<16xf32>, vector<16xf32>, vector<16xf32>, vector<16xf32>, vector<16xf32>, vector<16xf32>, vector<16xf32>, vector<16xf32>, vector<16xf32>, vector<16xf32>, vector<16xf32>, vector<16xf32>, vector<16xf32>, vector<16xf32>
      } else {
        scf.yield %while3A_218, %while3A_219, %while3A_220, %while3A_221, %while3A_222, %while3A_223, %while3A_224, %while3A_225, %while3A_226, %while3A_227, %while3A_228, %while3A_229, %while3A_230, %while3A_231, %while3A_232, %while3A_233, %while3A_234, %while3A_235, %while3A_236, %while3A_237, %while3A_238, %while3A_239, %while3A_240, %while3A_241, %while3A_242, %while3A_243, %while3A_244, %while3A_245, %while3A_246, %while3A_247, %while3A_248, %while3A_249 : vector<16xf32>, vector<16xf32>, vector<16xf32>, vector<16xf32>, vector<16xf32>, vector<16xf32>, vector<16xf32>, vector<16xf32>, vector<16xf32>, vector<16xf32>, vector<16xf32>, vector<16xf32>, vector<16xf32>, vector<16xf32>, vector<16xf32>, vector<16xf32>, vector<16xf32>, vector<16xf32>, vector<16xf32>, vector<16xf32>, vector<16xf32>, vector<16xf32>, vector<16xf32>, vector<16xf32>, vector<16xf32>, vector<16xf32>, vector<16xf32>, vector<16xf32>, vector<16xf32>, vector<16xf32>, vector<16xf32>, vector<16xf32>
      }
      %get3A_260 = arith.index_cast %while3A_216 : i32 to index
      %get3A_261 = arith.constant 0 : index
      %get3A_262 = tpu.vector_load %arg7[%get3A_260, %get3A_261] {strides = array<i32>} : memref<64x256xf32, #tpu.memory_space<vmem>>, vector<16xf32>,
      %get3A_263 = arith.constant 0 : index
      %get3A_264 = tpu.vector_load %arg10[%get3A_263] {strides = array<i32>} : memref<272xf32, #tpu.memory_space<vmem>>, vector<16xf32>,
      %mul3A_265 = arith.mulf %get3A_262, %get3A_264 : vector<16xf32>
      %add3A_266 = arith.addf %broadcast_in_dim3A_33, %mul3A_265 : vector<16xf32>
      %max3A = arith.maximumf %cond3A_259#16, %get3A_262 : vector<16xf32>
      %get3A_267 = arith.index_cast %while3A_216 : i32 to index
      %get3A_268 = arith.constant 16 : index
      %get3A_269 = tpu.vector_load %arg7[%get3A_267, %get3A_268] {strides = array<i32>} : memref<64x256xf32, #tpu.memory_space<vmem>>, vector<16xf32>,
      %get3A_270 = arith.constant 16 : index
      %get3A_271 = tpu.vector_load %arg10[%get3A_270] {strides = array<i32>} : memref<272xf32, #tpu.memory_space<vmem>>, vector<16xf32>,
      %mul3A_272 = arith.mulf %get3A_269, %get3A_271 : vector<16xf32>
      %add3A_273 = arith.addf %add3A_266, %mul3A_272 : vector<16xf32>
      %max3A_274 = arith.maximumf %cond3A_259#17, %get3A_269 : vector<16xf32>
      %get3A_275 = arith.index_cast %while3A_216 : i32 to index
      %get3A_276 = arith.constant 32 : index
      %get3A_277 = tpu.vector_load %arg7[%get3A_275, %get3A_276] {strides = array<i32>} : memref<64x256xf32, #tpu.memory_space<vmem>>, vector<16xf32>,
      %get3A_278 = arith.constant 32 : index
      %get3A_279 = tpu.vector_load %arg10[%get3A_278] {strides = array<i32>} : memref<272xf32, #tpu.memory_space<vmem>>, vector<16xf32>,
      %mul3A_280 = arith.mulf %get3A_277, %get3A_279 : vector<16xf32>
      %add3A_281 = arith.addf %add3A_273, %mul3A_280 : vector<16xf32>
      %max3A_282 = arith.maximumf %cond3A_259#18, %get3A_277 : vector<16xf32>
      %get3A_283 = arith.index_cast %while3A_216 : i32 to index
      %get3A_284 = arith.constant 48 : index
      %get3A_285 = tpu.vector_load %arg7[%get3A_283, %get3A_284] {strides = array<i32>} : memref<64x256xf32, #tpu.memory_space<vmem>>, vector<16xf32>,
      %get3A_286 = arith.constant 48 : index
      %get3A_287 = tpu.vector_load %arg10[%get3A_286] {strides = array<i32>} : memref<272xf32, #tpu.memory_space<vmem>>, vector<16xf32>,
      %mul3A_288 = arith.mulf %get3A_285, %get3A_287 : vector<16xf32>
      %add3A_289 = arith.addf %add3A_281, %mul3A_288 : vector<16xf32>
      %max3A_290 = arith.maximumf %cond3A_259#19, %get3A_285 : vector<16xf32>
      %get3A_291 = arith.index_cast %while3A_216 : i32 to index
      %get3A_292 = arith.constant 64 : index
      %get3A_293 = tpu.vector_load %arg7[%get3A_291, %get3A_292] {strides = array<i32>} : memref<64x256xf32, #tpu.memory_space<vmem>>, vector<16xf32>,
      %get3A_294 = arith.constant 64 : index
      %get3A_295 = tpu.vector_load %arg10[%get3A_294] {strides = array<i32>} : memref<272xf32, #tpu.memory_space<vmem>>, vector<16xf32>,
      %mul3A_296 = arith.mulf %get3A_293, %get3A_295 : vector<16xf32>
      %add3A_297 = arith.addf %add3A_289, %mul3A_296 : vector<16xf32>
      %max3A_298 = arith.maximumf %cond3A_259#20, %get3A_293 : vector<16xf32>
      %get3A_299 = arith.index_cast %while3A_216 : i32 to index
      %get3A_300 = arith.constant 80 : index
      %get3A_301 = tpu.vector_load %arg7[%get3A_299, %get3A_300] {strides = array<i32>} : memref<64x256xf32, #tpu.memory_space<vmem>>, vector<16xf32>,
      %get3A_302 = arith.constant 80 : index
      %get3A_303 = tpu.vector_load %arg10[%get3A_302] {strides = array<i32>} : memref<272xf32, #tpu.memory_space<vmem>>, vector<16xf32>,
      %mul3A_304 = arith.mulf %get3A_301, %get3A_303 : vector<16xf32>
      %add3A_305 = arith.addf %add3A_297, %mul3A_304 : vector<16xf32>
      %max3A_306 = arith.maximumf %cond3A_259#21, %get3A_301 : vector<16xf32>
      %get3A_307 = arith.index_cast %while3A_216 : i32 to index
      %get3A_308 = arith.constant 96 : index
      %get3A_309 = tpu.vector_load %arg7[%get3A_307, %get3A_308] {strides = array<i32>} : memref<64x256xf32, #tpu.memory_space<vmem>>, vector<16xf32>,
      %get3A_310 = arith.constant 96 : index
      %get3A_311 = tpu.vector_load %arg10[%get3A_310] {strides = array<i32>} : memref<272xf32, #tpu.memory_space<vmem>>, vector<16xf32>,
      %mul3A_312 = arith.mulf %get3A_309, %get3A_311 : vector<16xf32>
      %add3A_313 = arith.addf %add3A_305, %mul3A_312 : vector<16xf32>
      %max3A_314 = arith.maximumf %cond3A_259#22, %get3A_309 : vector<16xf32>
      %get3A_315 = arith.index_cast %while3A_216 : i32 to index
      %get3A_316 = arith.constant 112 : index
      %get3A_317 = tpu.vector_load %arg7[%get3A_315, %get3A_316] {strides = array<i32>} : memref<64x256xf32, #tpu.memory_space<vmem>>, vector<16xf32>,
      %get3A_318 = arith.constant 112 : index
      %get3A_319 = tpu.vector_load %arg10[%get3A_318] {strides = array<i32>} : memref<272xf32, #tpu.memory_space<vmem>>, vector<16xf32>,
      %mul3A_320 = arith.mulf %get3A_317, %get3A_319 : vector<16xf32>
      %add3A_321 = arith.addf %add3A_313, %mul3A_320 : vector<16xf32>
      %max3A_322 = arith.maximumf %cond3A_259#23, %get3A_317 : vector<16xf32>
      %get3A_323 = arith.index_cast %while3A_216 : i32 to index
      %get3A_324 = arith.constant 128 : index
      %get3A_325 = tpu.vector_load %arg7[%get3A_323, %get3A_324] {strides = array<i32>} : memref<64x256xf32, #tpu.memory_space<vmem>>, vector<16xf32>,
      %get3A_326 = arith.constant 128 : index
      %get3A_327 = tpu.vector_load %arg10[%get3A_326] {strides = array<i32>} : memref<272xf32, #tpu.memory_space<vmem>>, vector<16xf32>,
      %mul3A_328 = arith.mulf %get3A_325, %get3A_327 : vector<16xf32>
      %add3A_329 = arith.addf %add3A_321, %mul3A_328 : vector<16xf32>
      %max3A_330 = arith.maximumf %cond3A_259#24, %get3A_325 : vector<16xf32>
      %get3A_331 = arith.index_cast %while3A_216 : i32 to index
      %get3A_332 = arith.constant 144 : index
      %get3A_333 = tpu.vector_load %arg7[%get3A_331, %get3A_332] {strides = array<i32>} : memref<64x256xf32, #tpu.memory_space<vmem>>, vector<16xf32>,
      %get3A_334 = arith.constant 144 : index
      %get3A_335 = tpu.vector_load %arg10[%get3A_334] {strides = array<i32>} : memref<272xf32, #tpu.memory_space<vmem>>, vector<16xf32>,
      %mul3A_336 = arith.mulf %get3A_333, %get3A_335 : vector<16xf32>
      %add3A_337 = arith.addf %add3A_329, %mul3A_336 : vector<16xf32>
      %max3A_338 = arith.maximumf %cond3A_259#25, %get3A_333 : vector<16xf32>
      %get3A_339 = arith.index_cast %while3A_216 : i32 to index
      %get3A_340 = arith.constant 160 : index
      %get3A_341 = tpu.vector_load %arg7[%get3A_339, %get3A_340] {strides = array<i32>} : memref<64x256xf32, #tpu.memory_space<vmem>>, vector<16xf32>,
      %get3A_342 = arith.constant 160 : index
      %get3A_343 = tpu.vector_load %arg10[%get3A_342] {strides = array<i32>} : memref<272xf32, #tpu.memory_space<vmem>>, vector<16xf32>,
      %mul3A_344 = arith.mulf %get3A_341, %get3A_343 : vector<16xf32>
      %add3A_345 = arith.addf %add3A_337, %mul3A_344 : vector<16xf32>
      %max3A_346 = arith.maximumf %cond3A_259#26, %get3A_341 : vector<16xf32>
      %get3A_347 = arith.index_cast %while3A_216 : i32 to index
      %get3A_348 = arith.constant 176 : index
      %get3A_349 = tpu.vector_load %arg7[%get3A_347, %get3A_348] {strides = array<i32>} : memref<64x256xf32, #tpu.memory_space<vmem>>, vector<16xf32>,
      %get3A_350 = arith.constant 176 : index
      %get3A_351 = tpu.vector_load %arg10[%get3A_350] {strides = array<i32>} : memref<272xf32, #tpu.memory_space<vmem>>, vector<16xf32>,
      %mul3A_352 = arith.mulf %get3A_349, %get3A_351 : vector<16xf32>
      %add3A_353 = arith.addf %add3A_345, %mul3A_352 : vector<16xf32>
      %max3A_354 = arith.maximumf %cond3A_259#27, %get3A_349 : vector<16xf32>
      %get3A_355 = arith.index_cast %while3A_216 : i32 to index
      %get3A_356 = arith.constant 192 : index
      %get3A_357 = tpu.vector_load %arg7[%get3A_355, %get3A_356] {strides = array<i32>} : memref<64x256xf32, #tpu.memory_space<vmem>>, vector<16xf32>,
      %get3A_358 = arith.constant 192 : index
      %get3A_359 = tpu.vector_load %arg10[%get3A_358] {strides = array<i32>} : memref<272xf32, #tpu.memory_space<vmem>>, vector<16xf32>,
      %mul3A_360 = arith.mulf %get3A_357, %get3A_359 : vector<16xf32>
      %add3A_361 = arith.addf %add3A_353, %mul3A_360 : vector<16xf32>
      %max3A_362 = arith.maximumf %cond3A_259#28, %get3A_357 : vector<16xf32>
      %get3A_363 = arith.index_cast %while3A_216 : i32 to index
      %get3A_364 = arith.constant 208 : index
      %get3A_365 = tpu.vector_load %arg7[%get3A_363, %get3A_364] {strides = array<i32>} : memref<64x256xf32, #tpu.memory_space<vmem>>, vector<16xf32>,
      %get3A_366 = arith.constant 208 : index
      %get3A_367 = tpu.vector_load %arg10[%get3A_366] {strides = array<i32>} : memref<272xf32, #tpu.memory_space<vmem>>, vector<16xf32>,
      %mul3A_368 = arith.mulf %get3A_365, %get3A_367 : vector<16xf32>
      %add3A_369 = arith.addf %add3A_361, %mul3A_368 : vector<16xf32>
      %max3A_370 = arith.maximumf %cond3A_259#29, %get3A_365 : vector<16xf32>
      %get3A_371 = arith.index_cast %while3A_216 : i32 to index
      %get3A_372 = arith.constant 224 : index
      %get3A_373 = tpu.vector_load %arg7[%get3A_371, %get3A_372] {strides = array<i32>} : memref<64x256xf32, #tpu.memory_space<vmem>>, vector<16xf32>,
      %get3A_374 = arith.constant 224 : index
      %get3A_375 = tpu.vector_load %arg10[%get3A_374] {strides = array<i32>} : memref<272xf32, #tpu.memory_space<vmem>>, vector<16xf32>,
      %mul3A_376 = arith.mulf %get3A_373, %get3A_375 : vector<16xf32>
      %add3A_377 = arith.addf %add3A_369, %mul3A_376 : vector<16xf32>
      %max3A_378 = arith.maximumf %cond3A_259#30, %get3A_373 : vector<16xf32>
      %get3A_379 = arith.index_cast %while3A_216 : i32 to index
      %get3A_380 = arith.constant 240 : index
      %get3A_381 = tpu.vector_load %arg7[%get3A_379, %get3A_380] {strides = array<i32>} : memref<64x256xf32, #tpu.memory_space<vmem>>, vector<16xf32>,
      %get3A_382 = arith.constant 240 : index
      %get3A_383 = tpu.vector_load %arg10[%get3A_382] {strides = array<i32>} : memref<272xf32, #tpu.memory_space<vmem>>, vector<16xf32>,
      %mul3A_384 = arith.mulf %get3A_381, %get3A_383 : vector<16xf32>
      %add3A_385 = arith.addf %add3A_377, %mul3A_384 : vector<16xf32>
      %max3A_386 = arith.maximumf %cond3A_259#31, %get3A_381 : vector<16xf32>
      %reduce_sum3A = arith.constant true
      %reduce_sum3A_387 = vector.broadcast %reduce_sum3A : i1 to vector<16xi1>
      %reduce_sum3A_388 = tpu.scan <sum>, %add3A_385 masked %reduce_sum3A_387 : vector<16xf32>, vector<16xi1> -> vector<16xf32>
      %reduce_sum3A_389 = vector.extract %reduce_sum3A_388[15] : f32 from vector<16xf32>
      %broadcast_in_dim3A_390 = vector.broadcast %reduce_sum3A_389 : f32 to vector<16xf32>
      %add3A_391 = arith.addf %broadcast_in_dim3A_390, %get3A_36 : vector<16xf32>
      %neg3A = arith.constant 0.000000e+00 : f32
      %neg3A_392 = vector.broadcast %neg3A : f32 to vector<16xf32>
      %neg3A_393 = arith.subf %neg3A_392, %add3A_391 : vector<16xf32>
      %exp3A = math.exp %neg3A_393 : vector<16xf32>
      %add3A_394 = arith.constant 1.000000e+00 : f32
      %add3A_395 = vector.broadcast %add3A_394 : f32 to vector<16xf32>
      %add3A_396 = arith.addf %add3A_395, %exp3A : vector<16xf32>
      %div3A_397 = arith.constant 1.000000e+00 : f32
      %div3A_398 = vector.broadcast %div3A_397 : f32 to vector<16xf32>
      %div3A_399 = arith.divf %div3A_398, %add3A_396 : vector<16xf32>
      %get3A_400 = arith.index_cast %while3A_216 : i32 to index
      %get3A_401 = arith.constant 0 : index
      %get3A_402 = tpu.vector_load %arg7[%get3A_400, %get3A_401] {strides = array<i32>} : memref<64x256xf32, #tpu.memory_space<vmem>>, vector<16xf32>,
      %mul3A_403 = arith.mulf %get3A_402, %div3A_399 : vector<16xf32>
      %add3A_404 = arith.addf %cond3A_259#0, %mul3A_403 : vector<16xf32>
      %get3A_405 = arith.index_cast %while3A_216 : i32 to index
      %get3A_406 = arith.constant 16 : index
      %get3A_407 = tpu.vector_load %arg7[%get3A_405, %get3A_406] {strides = array<i32>} : memref<64x256xf32, #tpu.memory_space<vmem>>, vector<16xf32>,
      %mul3A_408 = arith.mulf %get3A_407, %div3A_399 : vector<16xf32>
      %add3A_409 = arith.addf %cond3A_259#1, %mul3A_408 : vector<16xf32>
      %get3A_410 = arith.index_cast %while3A_216 : i32 to index
      %get3A_411 = arith.constant 32 : index
      %get3A_412 = tpu.vector_load %arg7[%get3A_410, %get3A_411] {strides = array<i32>} : memref<64x256xf32, #tpu.memory_space<vmem>>, vector<16xf32>,
      %mul3A_413 = arith.mulf %get3A_412, %div3A_399 : vector<16xf32>
      %add3A_414 = arith.addf %cond3A_259#2, %mul3A_413 : vector<16xf32>
      %get3A_415 = arith.index_cast %while3A_216 : i32 to index
      %get3A_416 = arith.constant 48 : index
      %get3A_417 = tpu.vector_load %arg7[%get3A_415, %get3A_416] {strides = array<i32>} : memref<64x256xf32, #tpu.memory_space<vmem>>, vector<16xf32>,
      %mul3A_418 = arith.mulf %get3A_417, %div3A_399 : vector<16xf32>
      %add3A_419 = arith.addf %cond3A_259#3, %mul3A_418 : vector<16xf32>
      %get3A_420 = arith.index_cast %while3A_216 : i32 to index
      %get3A_421 = arith.constant 64 : index
      %get3A_422 = tpu.vector_load %arg7[%get3A_420, %get3A_421] {strides = array<i32>} : memref<64x256xf32, #tpu.memory_space<vmem>>, vector<16xf32>,
      %mul3A_423 = arith.mulf %get3A_422, %div3A_399 : vector<16xf32>
      %add3A_424 = arith.addf %cond3A_259#4, %mul3A_423 : vector<16xf32>
      %get3A_425 = arith.index_cast %while3A_216 : i32 to index
      %get3A_426 = arith.constant 80 : index
      %get3A_427 = tpu.vector_load %arg7[%get3A_425, %get3A_426] {strides = array<i32>} : memref<64x256xf32, #tpu.memory_space<vmem>>, vector<16xf32>,
      %mul3A_428 = arith.mulf %get3A_427, %div3A_399 : vector<16xf32>
      %add3A_429 = arith.addf %cond3A_259#5, %mul3A_428 : vector<16xf32>
      %get3A_430 = arith.index_cast %while3A_216 : i32 to index
      %get3A_431 = arith.constant 96 : index
      %get3A_432 = tpu.vector_load %arg7[%get3A_430, %get3A_431] {strides = array<i32>} : memref<64x256xf32, #tpu.memory_space<vmem>>, vector<16xf32>,
      %mul3A_433 = arith.mulf %get3A_432, %div3A_399 : vector<16xf32>
      %add3A_434 = arith.addf %cond3A_259#6, %mul3A_433 : vector<16xf32>
      %get3A_435 = arith.index_cast %while3A_216 : i32 to index
      %get3A_436 = arith.constant 112 : index
      %get3A_437 = tpu.vector_load %arg7[%get3A_435, %get3A_436] {strides = array<i32>} : memref<64x256xf32, #tpu.memory_space<vmem>>, vector<16xf32>,
      %mul3A_438 = arith.mulf %get3A_437, %div3A_399 : vector<16xf32>
      %add3A_439 = arith.addf %cond3A_259#7, %mul3A_438 : vector<16xf32>
      %get3A_440 = arith.index_cast %while3A_216 : i32 to index
      %get3A_441 = arith.constant 128 : index
      %get3A_442 = tpu.vector_load %arg7[%get3A_440, %get3A_441] {strides = array<i32>} : memref<64x256xf32, #tpu.memory_space<vmem>>, vector<16xf32>,
      %mul3A_443 = arith.mulf %get3A_442, %div3A_399 : vector<16xf32>
      %add3A_444 = arith.addf %cond3A_259#8, %mul3A_443 : vector<16xf32>
      %get3A_445 = arith.index_cast %while3A_216 : i32 to index
      %get3A_446 = arith.constant 144 : index
      %get3A_447 = tpu.vector_load %arg7[%get3A_445, %get3A_446] {strides = array<i32>} : memref<64x256xf32, #tpu.memory_space<vmem>>, vector<16xf32>,
      %mul3A_448 = arith.mulf %get3A_447, %div3A_399 : vector<16xf32>
      %add3A_449 = arith.addf %cond3A_259#9, %mul3A_448 : vector<16xf32>
      %get3A_450 = arith.index_cast %while3A_216 : i32 to index
      %get3A_451 = arith.constant 160 : index
      %get3A_452 = tpu.vector_load %arg7[%get3A_450, %get3A_451] {strides = array<i32>} : memref<64x256xf32, #tpu.memory_space<vmem>>, vector<16xf32>,
      %mul3A_453 = arith.mulf %get3A_452, %div3A_399 : vector<16xf32>
      %add3A_454 = arith.addf %cond3A_259#10, %mul3A_453 : vector<16xf32>
      %get3A_455 = arith.index_cast %while3A_216 : i32 to index
      %get3A_456 = arith.constant 176 : index
      %get3A_457 = tpu.vector_load %arg7[%get3A_455, %get3A_456] {strides = array<i32>} : memref<64x256xf32, #tpu.memory_space<vmem>>, vector<16xf32>,
      %mul3A_458 = arith.mulf %get3A_457, %div3A_399 : vector<16xf32>
      %add3A_459 = arith.addf %cond3A_259#11, %mul3A_458 : vector<16xf32>
      %get3A_460 = arith.index_cast %while3A_216 : i32 to index
      %get3A_461 = arith.constant 192 : index
      %get3A_462 = tpu.vector_load %arg7[%get3A_460, %get3A_461] {strides = array<i32>} : memref<64x256xf32, #tpu.memory_space<vmem>>, vector<16xf32>,
      %mul3A_463 = arith.mulf %get3A_462, %div3A_399 : vector<16xf32>
      %add3A_464 = arith.addf %cond3A_259#12, %mul3A_463 : vector<16xf32>
      %get3A_465 = arith.index_cast %while3A_216 : i32 to index
      %get3A_466 = arith.constant 208 : index
      %get3A_467 = tpu.vector_load %arg7[%get3A_465, %get3A_466] {strides = array<i32>} : memref<64x256xf32, #tpu.memory_space<vmem>>, vector<16xf32>,
      %mul3A_468 = arith.mulf %get3A_467, %div3A_399 : vector<16xf32>
      %add3A_469 = arith.addf %cond3A_259#13, %mul3A_468 : vector<16xf32>
      %get3A_470 = arith.index_cast %while3A_216 : i32 to index
      %get3A_471 = arith.constant 224 : index
      %get3A_472 = tpu.vector_load %arg7[%get3A_470, %get3A_471] {strides = array<i32>} : memref<64x256xf32, #tpu.memory_space<vmem>>, vector<16xf32>,
      %mul3A_473 = arith.mulf %get3A_472, %div3A_399 : vector<16xf32>
      %add3A_474 = arith.addf %cond3A_259#14, %mul3A_473 : vector<16xf32>
      %get3A_475 = arith.index_cast %while3A_216 : i32 to index
      %get3A_476 = arith.constant 240 : index
      %get3A_477 = tpu.vector_load %arg7[%get3A_475, %get3A_476] {strides = array<i32>} : memref<64x256xf32, #tpu.memory_space<vmem>>, vector<16xf32>,
      %mul3A_478 = arith.mulf %get3A_477, %div3A_399 : vector<16xf32>
      %add3A_479 = arith.addf %cond3A_259#15, %mul3A_478 : vector<16xf32>
      scf.yield %squeeze3A_255, %add3A_404, %add3A_409, %add3A_414, %add3A_419, %add3A_424, %add3A_429, %add3A_434, %add3A_439, %add3A_444, %add3A_449, %add3A_454, %add3A_459, %add3A_464, %add3A_469, %add3A_474, %add3A_479, %max3A, %max3A_274, %max3A_282, %max3A_290, %max3A_298, %max3A_306, %max3A_314, %max3A_322, %max3A_330, %max3A_338, %max3A_346, %max3A_354, %max3A_362, %max3A_370, %max3A_378, %max3A_386 : i32, vector<16xf32>, vector<16xf32>, vector<16xf32>, vector<16xf32>, vector<16xf32>, vector<16xf32>, vector<16xf32>, vector<16xf32>, vector<16xf32>, vector<16xf32>, vector<16xf32>, vector<16xf32>, vector<16xf32>, vector<16xf32>, vector<16xf32>, vector<16xf32>, vector<16xf32>, vector<16xf32>, vector<16xf32>, vector<16xf32>, vector<16xf32>, vector<16xf32>, vector<16xf32>, vector<16xf32>, vector<16xf32>, vector<16xf32>, vector<16xf32>, vector<16xf32>, vector<16xf32>, vector<16xf32>, vector<16xf32>, vector<16xf32>
    }
    %while3A_81 = arith.constant 1 : i32
    %while3A_82:33 = scf.for %while3A_216 = %while3A_78 to %while3A_74 step %while3A_81 iter_args(%while3A_217 = %while3A_80#0, %while3A_218 = %while3A_80#1, %while3A_219 = %while3A_80#2, %while3A_220 = %while3A_80#3, %while3A_221 = %while3A_80#4, %while3A_222 = %while3A_80#5, %while3A_223 = %while3A_80#6, %while3A_224 = %while3A_80#7, %while3A_225 = %while3A_80#8, %while3A_226 = %while3A_80#9, %while3A_227 = %while3A_80#10, %while3A_228 = %while3A_80#11, %while3A_229 = %while3A_80#12, %while3A_230 = %while3A_80#13, %while3A_231 = %while3A_80#14, %while3A_232 = %while3A_80#15, %while3A_233 = %while3A_80#16, %while3A_234 = %while3A_80#17, %while3A_235 = %while3A_80#18, %while3A_236 = %while3A_80#19, %while3A_237 = %while3A_80#20, %while3A_238 = %while3A_80#21, %while3A_239 = %while3A_80#22, %while3A_240 = %while3A_80#23, %while3A_241 = %while3A_80#24, %while3A_242 = %while3A_80#25, %while3A_243 = %while3A_80#26, %while3A_244 = %while3A_80#27, %while3A_245 = %while3A_80#28, %while3A_246 = %while3A_80#29, %while3A_247 = %while3A_80#30, %while3A_248 = %while3A_80#31, %while3A_249 = %while3A_80#32) -> (i32, vector<16xf32>, vector<16xf32>, vector<16xf32>, vector<16xf32>, vector<16xf32>, vector<16xf32>, vector<16xf32>, vector<16xf32>, vector<16xf32>, vector<16xf32>, vector<16xf32>, vector<16xf32>, vector<16xf32>, vector<16xf32>, vector<16xf32>, vector<16xf32>, vector<16xf32>, vector<16xf32>, vector<16xf32>, vector<16xf32>, vector<16xf32>, vector<16xf32>, vector<16xf32>, vector<16xf32>, vector<16xf32>, vector<16xf32>, vector<16xf32>, vector<16xf32>, vector<16xf32>, vector<16xf32>, vector<16xf32>, vector<16xf32>)  : i32 {
      %add3A_250 = arith.addi %min3A_69, %while3A_216 : i32
      %sub3A_251 = arith.subi %add3A_250, %min3A_32 : i32
      %get3A_252 = arith.index_cast %sub3A_251 : i32 to index
      %get3A_253 = tpu.vector_load %arg9[%get3A_252] {strides = array<i32>} : memref<1640xi32, #tpu.memory_space<vmem>>, vector<16xi32>,
      %slice3A_254 = vector.extract_strided_slice %get3A_253 {offsets = [0], sizes = [1], strides = [1]} : vector<16xi32> to vector<1xi32>
      %squeeze3A_255 = vector.extract %slice3A_254[0] : i32 from vector<1xi32>
      %ne3A_256 = arith.cmpi ne, %squeeze3A_255, %while3A_217 : i32
      %convert_element_type3A_257 = arith.extui %ne3A_256 : i1 to i32
      %cond3A = arith.constant 0 : i32
      %cond3A_258 = arith.cmpi ne, %convert_element_type3A_257, %cond3A : i32
      %cond3A_259:32 = scf.if %cond3A_258 -> (vector<16xf32>, vector<16xf32>, vector<16xf32>, vector<16xf32>, vector<16xf32>, vector<16xf32>, vector<16xf32>, vector<16xf32>, vector<16xf32>, vector<16xf32>, vector<16xf32>, vector<16xf32>, vector<16xf32>, vector<16xf32>, vector<16xf32>, vector<16xf32>, vector<16xf32>, vector<16xf32>, vector<16xf32>, vector<16xf32>, vector<16xf32>, vector<16xf32>, vector<16xf32>, vector<16xf32>, vector<16xf32>, vector<16xf32>, vector<16xf32>, vector<16xf32>, vector<16xf32>, vector<16xf32>, vector<16xf32>, vector<16xf32>) {
        %mul3A_480 = arith.constant 256 : i32
        %mul3A_481 = arith.muli %while3A_217, %mul3A_480 : i32
        %add3A_482 = arith.constant 0 : i32
        %add3A_483 = arith.addi %mul3A_481, %add3A_482 : i32
        %swap3A_484 = arith.index_cast %add3A_483 : i32 to index
        %swap3A_485 = tpu.vector_load %arg11[%swap3A_484] {strides = array<i32>} : memref<32768xf32, #tpu.memory_space<vmem>>, vector<16xf32>,
        tpu.vector_store %arg11[%swap3A_484], %while3A_218 {strides = array<i32>} : memref<32768xf32, #tpu.memory_space<vmem>>, vector<16xf32>,
        %add3A_486 = arith.constant 0 : i32
        %add3A_487 = arith.addi %mul3A_481, %add3A_486 : i32
        %swap3A_488 = arith.index_cast %add3A_487 : i32 to index
        %swap3A_489 = tpu.vector_load %arg12[%swap3A_488] {strides = array<i32>} : memref<32768xf32, #tpu.memory_space<vmem>>, vector<16xf32>,
        tpu.vector_store %arg12[%swap3A_488], %while3A_234 {strides = array<i32>} : memref<32768xf32, #tpu.memory_space<vmem>>, vector<16xf32>,
        %add3A_490 = arith.constant 16 : i32
        %add3A_491 = arith.addi %mul3A_481, %add3A_490 : i32
        %swap3A_492 = arith.index_cast %add3A_491 : i32 to index
        %swap3A_493 = tpu.vector_load %arg11[%swap3A_492] {strides = array<i32>} : memref<32768xf32, #tpu.memory_space<vmem>>, vector<16xf32>,
        tpu.vector_store %arg11[%swap3A_492], %while3A_219 {strides = array<i32>} : memref<32768xf32, #tpu.memory_space<vmem>>, vector<16xf32>,
        %add3A_494 = arith.constant 16 : i32
        %add3A_495 = arith.addi %mul3A_481, %add3A_494 : i32
        %swap3A_496 = arith.index_cast %add3A_495 : i32 to index
        %swap3A_497 = tpu.vector_load %arg12[%swap3A_496] {strides = array<i32>} : memref<32768xf32, #tpu.memory_space<vmem>>, vector<16xf32>,
        tpu.vector_store %arg12[%swap3A_496], %while3A_235 {strides = array<i32>} : memref<32768xf32, #tpu.memory_space<vmem>>, vector<16xf32>,
        %add3A_498 = arith.constant 32 : i32
        %add3A_499 = arith.addi %mul3A_481, %add3A_498 : i32
        %swap3A_500 = arith.index_cast %add3A_499 : i32 to index
        %swap3A_501 = tpu.vector_load %arg11[%swap3A_500] {strides = array<i32>} : memref<32768xf32, #tpu.memory_space<vmem>>, vector<16xf32>,
        tpu.vector_store %arg11[%swap3A_500], %while3A_220 {strides = array<i32>} : memref<32768xf32, #tpu.memory_space<vmem>>, vector<16xf32>,
        %add3A_502 = arith.constant 32 : i32
        %add3A_503 = arith.addi %mul3A_481, %add3A_502 : i32
        %swap3A_504 = arith.index_cast %add3A_503 : i32 to index
        %swap3A_505 = tpu.vector_load %arg12[%swap3A_504] {strides = array<i32>} : memref<32768xf32, #tpu.memory_space<vmem>>, vector<16xf32>,
        tpu.vector_store %arg12[%swap3A_504], %while3A_236 {strides = array<i32>} : memref<32768xf32, #tpu.memory_space<vmem>>, vector<16xf32>,
        %add3A_506 = arith.constant 48 : i32
        %add3A_507 = arith.addi %mul3A_481, %add3A_506 : i32
        %swap3A_508 = arith.index_cast %add3A_507 : i32 to index
        %swap3A_509 = tpu.vector_load %arg11[%swap3A_508] {strides = array<i32>} : memref<32768xf32, #tpu.memory_space<vmem>>, vector<16xf32>,
        tpu.vector_store %arg11[%swap3A_508], %while3A_221 {strides = array<i32>} : memref<32768xf32, #tpu.memory_space<vmem>>, vector<16xf32>,
        %add3A_510 = arith.constant 48 : i32
        %add3A_511 = arith.addi %mul3A_481, %add3A_510 : i32
        %swap3A_512 = arith.index_cast %add3A_511 : i32 to index
        %swap3A_513 = tpu.vector_load %arg12[%swap3A_512] {strides = array<i32>} : memref<32768xf32, #tpu.memory_space<vmem>>, vector<16xf32>,
        tpu.vector_store %arg12[%swap3A_512], %while3A_237 {strides = array<i32>} : memref<32768xf32, #tpu.memory_space<vmem>>, vector<16xf32>,
        %add3A_514 = arith.constant 64 : i32
        %add3A_515 = arith.addi %mul3A_481, %add3A_514 : i32
        %swap3A_516 = arith.index_cast %add3A_515 : i32 to index
        %swap3A_517 = tpu.vector_load %arg11[%swap3A_516] {strides = array<i32>} : memref<32768xf32, #tpu.memory_space<vmem>>, vector<16xf32>,
        tpu.vector_store %arg11[%swap3A_516], %while3A_222 {strides = array<i32>} : memref<32768xf32, #tpu.memory_space<vmem>>, vector<16xf32>,
        %add3A_518 = arith.constant 64 : i32
        %add3A_519 = arith.addi %mul3A_481, %add3A_518 : i32
        %swap3A_520 = arith.index_cast %add3A_519 : i32 to index
        %swap3A_521 = tpu.vector_load %arg12[%swap3A_520] {strides = array<i32>} : memref<32768xf32, #tpu.memory_space<vmem>>, vector<16xf32>,
        tpu.vector_store %arg12[%swap3A_520], %while3A_238 {strides = array<i32>} : memref<32768xf32, #tpu.memory_space<vmem>>, vector<16xf32>,
        %add3A_522 = arith.constant 80 : i32
        %add3A_523 = arith.addi %mul3A_481, %add3A_522 : i32
        %swap3A_524 = arith.index_cast %add3A_523 : i32 to index
        %swap3A_525 = tpu.vector_load %arg11[%swap3A_524] {strides = array<i32>} : memref<32768xf32, #tpu.memory_space<vmem>>, vector<16xf32>,
        tpu.vector_store %arg11[%swap3A_524], %while3A_223 {strides = array<i32>} : memref<32768xf32, #tpu.memory_space<vmem>>, vector<16xf32>,
        %add3A_526 = arith.constant 80 : i32
        %add3A_527 = arith.addi %mul3A_481, %add3A_526 : i32
        %swap3A_528 = arith.index_cast %add3A_527 : i32 to index
        %swap3A_529 = tpu.vector_load %arg12[%swap3A_528] {strides = array<i32>} : memref<32768xf32, #tpu.memory_space<vmem>>, vector<16xf32>,
        tpu.vector_store %arg12[%swap3A_528], %while3A_239 {strides = array<i32>} : memref<32768xf32, #tpu.memory_space<vmem>>, vector<16xf32>,
        %add3A_530 = arith.constant 96 : i32
        %add3A_531 = arith.addi %mul3A_481, %add3A_530 : i32
        %swap3A_532 = arith.index_cast %add3A_531 : i32 to index
        %swap3A_533 = tpu.vector_load %arg11[%swap3A_532] {strides = array<i32>} : memref<32768xf32, #tpu.memory_space<vmem>>, vector<16xf32>,
        tpu.vector_store %arg11[%swap3A_532], %while3A_224 {strides = array<i32>} : memref<32768xf32, #tpu.memory_space<vmem>>, vector<16xf32>,
        %add3A_534 = arith.constant 96 : i32
        %add3A_535 = arith.addi %mul3A_481, %add3A_534 : i32
        %swap3A_536 = arith.index_cast %add3A_535 : i32 to index
        %swap3A_537 = tpu.vector_load %arg12[%swap3A_536] {strides = array<i32>} : memref<32768xf32, #tpu.memory_space<vmem>>, vector<16xf32>,
        tpu.vector_store %arg12[%swap3A_536], %while3A_240 {strides = array<i32>} : memref<32768xf32, #tpu.memory_space<vmem>>, vector<16xf32>,
        %add3A_538 = arith.constant 112 : i32
        %add3A_539 = arith.addi %mul3A_481, %add3A_538 : i32
        %swap3A_540 = arith.index_cast %add3A_539 : i32 to index
        %swap3A_541 = tpu.vector_load %arg11[%swap3A_540] {strides = array<i32>} : memref<32768xf32, #tpu.memory_space<vmem>>, vector<16xf32>,
        tpu.vector_store %arg11[%swap3A_540], %while3A_225 {strides = array<i32>} : memref<32768xf32, #tpu.memory_space<vmem>>, vector<16xf32>,
        %add3A_542 = arith.constant 112 : i32
        %add3A_543 = arith.addi %mul3A_481, %add3A_542 : i32
        %swap3A_544 = arith.index_cast %add3A_543 : i32 to index
        %swap3A_545 = tpu.vector_load %arg12[%swap3A_544] {strides = array<i32>} : memref<32768xf32, #tpu.memory_space<vmem>>, vector<16xf32>,
        tpu.vector_store %arg12[%swap3A_544], %while3A_241 {strides = array<i32>} : memref<32768xf32, #tpu.memory_space<vmem>>, vector<16xf32>,
        %add3A_546 = arith.constant 128 : i32
        %add3A_547 = arith.addi %mul3A_481, %add3A_546 : i32
        %swap3A_548 = arith.index_cast %add3A_547 : i32 to index
        %swap3A_549 = tpu.vector_load %arg11[%swap3A_548] {strides = array<i32>} : memref<32768xf32, #tpu.memory_space<vmem>>, vector<16xf32>,
        tpu.vector_store %arg11[%swap3A_548], %while3A_226 {strides = array<i32>} : memref<32768xf32, #tpu.memory_space<vmem>>, vector<16xf32>,
        %add3A_550 = arith.constant 128 : i32
        %add3A_551 = arith.addi %mul3A_481, %add3A_550 : i32
        %swap3A_552 = arith.index_cast %add3A_551 : i32 to index
        %swap3A_553 = tpu.vector_load %arg12[%swap3A_552] {strides = array<i32>} : memref<32768xf32, #tpu.memory_space<vmem>>, vector<16xf32>,
        tpu.vector_store %arg12[%swap3A_552], %while3A_242 {strides = array<i32>} : memref<32768xf32, #tpu.memory_space<vmem>>, vector<16xf32>,
        %add3A_554 = arith.constant 144 : i32
        %add3A_555 = arith.addi %mul3A_481, %add3A_554 : i32
        %swap3A_556 = arith.index_cast %add3A_555 : i32 to index
        %swap3A_557 = tpu.vector_load %arg11[%swap3A_556] {strides = array<i32>} : memref<32768xf32, #tpu.memory_space<vmem>>, vector<16xf32>,
        tpu.vector_store %arg11[%swap3A_556], %while3A_227 {strides = array<i32>} : memref<32768xf32, #tpu.memory_space<vmem>>, vector<16xf32>,
        %add3A_558 = arith.constant 144 : i32
        %add3A_559 = arith.addi %mul3A_481, %add3A_558 : i32
        %swap3A_560 = arith.index_cast %add3A_559 : i32 to index
        %swap3A_561 = tpu.vector_load %arg12[%swap3A_560] {strides = array<i32>} : memref<32768xf32, #tpu.memory_space<vmem>>, vector<16xf32>,
        tpu.vector_store %arg12[%swap3A_560], %while3A_243 {strides = array<i32>} : memref<32768xf32, #tpu.memory_space<vmem>>, vector<16xf32>,
        %add3A_562 = arith.constant 160 : i32
        %add3A_563 = arith.addi %mul3A_481, %add3A_562 : i32
        %swap3A_564 = arith.index_cast %add3A_563 : i32 to index
        %swap3A_565 = tpu.vector_load %arg11[%swap3A_564] {strides = array<i32>} : memref<32768xf32, #tpu.memory_space<vmem>>, vector<16xf32>,
        tpu.vector_store %arg11[%swap3A_564], %while3A_228 {strides = array<i32>} : memref<32768xf32, #tpu.memory_space<vmem>>, vector<16xf32>,
        %add3A_566 = arith.constant 160 : i32
        %add3A_567 = arith.addi %mul3A_481, %add3A_566 : i32
        %swap3A_568 = arith.index_cast %add3A_567 : i32 to index
        %swap3A_569 = tpu.vector_load %arg12[%swap3A_568] {strides = array<i32>} : memref<32768xf32, #tpu.memory_space<vmem>>, vector<16xf32>,
        tpu.vector_store %arg12[%swap3A_568], %while3A_244 {strides = array<i32>} : memref<32768xf32, #tpu.memory_space<vmem>>, vector<16xf32>,
        %add3A_570 = arith.constant 176 : i32
        %add3A_571 = arith.addi %mul3A_481, %add3A_570 : i32
        %swap3A_572 = arith.index_cast %add3A_571 : i32 to index
        %swap3A_573 = tpu.vector_load %arg11[%swap3A_572] {strides = array<i32>} : memref<32768xf32, #tpu.memory_space<vmem>>, vector<16xf32>,
        tpu.vector_store %arg11[%swap3A_572], %while3A_229 {strides = array<i32>} : memref<32768xf32, #tpu.memory_space<vmem>>, vector<16xf32>,
        %add3A_574 = arith.constant 176 : i32
        %add3A_575 = arith.addi %mul3A_481, %add3A_574 : i32
        %swap3A_576 = arith.index_cast %add3A_575 : i32 to index
        %swap3A_577 = tpu.vector_load %arg12[%swap3A_576] {strides = array<i32>} : memref<32768xf32, #tpu.memory_space<vmem>>, vector<16xf32>,
        tpu.vector_store %arg12[%swap3A_576], %while3A_245 {strides = array<i32>} : memref<32768xf32, #tpu.memory_space<vmem>>, vector<16xf32>,
        %add3A_578 = arith.constant 192 : i32
        %add3A_579 = arith.addi %mul3A_481, %add3A_578 : i32
        %swap3A_580 = arith.index_cast %add3A_579 : i32 to index
        %swap3A_581 = tpu.vector_load %arg11[%swap3A_580] {strides = array<i32>} : memref<32768xf32, #tpu.memory_space<vmem>>, vector<16xf32>,
        tpu.vector_store %arg11[%swap3A_580], %while3A_230 {strides = array<i32>} : memref<32768xf32, #tpu.memory_space<vmem>>, vector<16xf32>,
        %add3A_582 = arith.constant 192 : i32
        %add3A_583 = arith.addi %mul3A_481, %add3A_582 : i32
        %swap3A_584 = arith.index_cast %add3A_583 : i32 to index
        %swap3A_585 = tpu.vector_load %arg12[%swap3A_584] {strides = array<i32>} : memref<32768xf32, #tpu.memory_space<vmem>>, vector<16xf32>,
        tpu.vector_store %arg12[%swap3A_584], %while3A_246 {strides = array<i32>} : memref<32768xf32, #tpu.memory_space<vmem>>, vector<16xf32>,
        %add3A_586 = arith.constant 208 : i32
        %add3A_587 = arith.addi %mul3A_481, %add3A_586 : i32
        %swap3A_588 = arith.index_cast %add3A_587 : i32 to index
        %swap3A_589 = tpu.vector_load %arg11[%swap3A_588] {strides = array<i32>} : memref<32768xf32, #tpu.memory_space<vmem>>, vector<16xf32>,
        tpu.vector_store %arg11[%swap3A_588], %while3A_231 {strides = array<i32>} : memref<32768xf32, #tpu.memory_space<vmem>>, vector<16xf32>,
        %add3A_590 = arith.constant 208 : i32
        %add3A_591 = arith.addi %mul3A_481, %add3A_590 : i32
        %swap3A_592 = arith.index_cast %add3A_591 : i32 to index
        %swap3A_593 = tpu.vector_load %arg12[%swap3A_592] {strides = array<i32>} : memref<32768xf32, #tpu.memory_space<vmem>>, vector<16xf32>,
        tpu.vector_store %arg12[%swap3A_592], %while3A_247 {strides = array<i32>} : memref<32768xf32, #tpu.memory_space<vmem>>, vector<16xf32>,
        %add3A_594 = arith.constant 224 : i32
        %add3A_595 = arith.addi %mul3A_481, %add3A_594 : i32
        %swap3A_596 = arith.index_cast %add3A_595 : i32 to index
        %swap3A_597 = tpu.vector_load %arg11[%swap3A_596] {strides = array<i32>} : memref<32768xf32, #tpu.memory_space<vmem>>, vector<16xf32>,
        tpu.vector_store %arg11[%swap3A_596], %while3A_232 {strides = array<i32>} : memref<32768xf32, #tpu.memory_space<vmem>>, vector<16xf32>,
        %add3A_598 = arith.constant 224 : i32
        %add3A_599 = arith.addi %mul3A_481, %add3A_598 : i32
        %swap3A_600 = arith.index_cast %add3A_599 : i32 to index
        %swap3A_601 = tpu.vector_load %arg12[%swap3A_600] {strides = array<i32>} : memref<32768xf32, #tpu.memory_space<vmem>>, vector<16xf32>,
        tpu.vector_store %arg12[%swap3A_600], %while3A_248 {strides = array<i32>} : memref<32768xf32, #tpu.memory_space<vmem>>, vector<16xf32>,
        %add3A_602 = arith.constant 240 : i32
        %add3A_603 = arith.addi %mul3A_481, %add3A_602 : i32
        %swap3A_604 = arith.index_cast %add3A_603 : i32 to index
        %swap3A_605 = tpu.vector_load %arg11[%swap3A_604] {strides = array<i32>} : memref<32768xf32, #tpu.memory_space<vmem>>, vector<16xf32>,
        tpu.vector_store %arg11[%swap3A_604], %while3A_233 {strides = array<i32>} : memref<32768xf32, #tpu.memory_space<vmem>>, vector<16xf32>,
        %add3A_606 = arith.constant 240 : i32
        %add3A_607 = arith.addi %mul3A_481, %add3A_606 : i32
        %swap3A_608 = arith.index_cast %add3A_607 : i32 to index
        %swap3A_609 = tpu.vector_load %arg12[%swap3A_608] {strides = array<i32>} : memref<32768xf32, #tpu.memory_space<vmem>>, vector<16xf32>,
        tpu.vector_store %arg12[%swap3A_608], %while3A_249 {strides = array<i32>} : memref<32768xf32, #tpu.memory_space<vmem>>, vector<16xf32>,
        scf.yield %broadcast_in_dim3A_33, %broadcast_in_dim3A_33, %broadcast_in_dim3A_33, %broadcast_in_dim3A_33, %broadcast_in_dim3A_33, %broadcast_in_dim3A_33, %broadcast_in_dim3A_33, %broadcast_in_dim3A_33, %broadcast_in_dim3A_33, %broadcast_in_dim3A_33, %broadcast_in_dim3A_33, %broadcast_in_dim3A_33, %broadcast_in_dim3A_33, %broadcast_in_dim3A_33, %broadcast_in_dim3A_33, %broadcast_in_dim3A_33, %broadcast_in_dim3A_35, %broadcast_in_dim3A_35, %broadcast_in_dim3A_35, %broadcast_in_dim3A_35, %broadcast_in_dim3A_35, %broadcast_in_dim3A_35, %broadcast_in_dim3A_35, %broadcast_in_dim3A_35, %broadcast_in_dim3A_35, %broadcast_in_dim3A_35, %broadcast_in_dim3A_35, %broadcast_in_dim3A_35, %broadcast_in_dim3A_35, %broadcast_in_dim3A_35, %broadcast_in_dim3A_35, %broadcast_in_dim3A_35 : vector<16xf32>, vector<16xf32>, vector<16xf32>, vector<16xf32>, vector<16xf32>, vector<16xf32>, vector<16xf32>, vector<16xf32>, vector<16xf32>, vector<16xf32>, vector<16xf32>, vector<16xf32>, vector<16xf32>, vector<16xf32>, vector<16xf32>, vector<16xf32>, vector<16xf32>, vector<16xf32>, vector<16xf32>, vector<16xf32>, vector<16xf32>, vector<16xf32>, vector<16xf32>, vector<16xf32>, vector<16xf32>, vector<16xf32>, vector<16xf32>, vector<16xf32>, vector<16xf32>, vector<16xf32>, vector<16xf32>, vector<16xf32>
      } else {
        scf.yield %while3A_218, %while3A_219, %while3A_220, %while3A_221, %while3A_222, %while3A_223, %while3A_224, %while3A_225, %while3A_226, %while3A_227, %while3A_228, %while3A_229, %while3A_230, %while3A_231, %while3A_232, %while3A_233, %while3A_234, %while3A_235, %while3A_236, %while3A_237, %while3A_238, %while3A_239, %while3A_240, %while3A_241, %while3A_242, %while3A_243, %while3A_244, %while3A_245, %while3A_246, %while3A_247, %while3A_248, %while3A_249 : vector<16xf32>, vector<16xf32>, vector<16xf32>, vector<16xf32>, vector<16xf32>, vector<16xf32>, vector<16xf32>, vector<16xf32>, vector<16xf32>, vector<16xf32>, vector<16xf32>, vector<16xf32>, vector<16xf32>, vector<16xf32>, vector<16xf32>, vector<16xf32>, vector<16xf32>, vector<16xf32>, vector<16xf32>, vector<16xf32>, vector<16xf32>, vector<16xf32>, vector<16xf32>, vector<16xf32>, vector<16xf32>, vector<16xf32>, vector<16xf32>, vector<16xf32>, vector<16xf32>, vector<16xf32>, vector<16xf32>, vector<16xf32>
      }
      %get3A_260 = arith.index_cast %while3A_216 : i32 to index
      %get3A_261 = arith.constant 0 : index
      %get3A_262 = tpu.vector_load %arg7[%get3A_260, %get3A_261] {strides = array<i32>} : memref<64x256xf32, #tpu.memory_space<vmem>>, vector<16xf32>,
      %get3A_263 = arith.constant 0 : index
      %get3A_264 = tpu.vector_load %arg10[%get3A_263] {strides = array<i32>} : memref<272xf32, #tpu.memory_space<vmem>>, vector<16xf32>,
      %mul3A_265 = arith.mulf %get3A_262, %get3A_264 : vector<16xf32>
      %add3A_266 = arith.addf %broadcast_in_dim3A_33, %mul3A_265 : vector<16xf32>
      %max3A = arith.maximumf %cond3A_259#16, %get3A_262 : vector<16xf32>
      %get3A_267 = arith.index_cast %while3A_216 : i32 to index
      %get3A_268 = arith.constant 16 : index
      %get3A_269 = tpu.vector_load %arg7[%get3A_267, %get3A_268] {strides = array<i32>} : memref<64x256xf32, #tpu.memory_space<vmem>>, vector<16xf32>,
      %get3A_270 = arith.constant 16 : index
      %get3A_271 = tpu.vector_load %arg10[%get3A_270] {strides = array<i32>} : memref<272xf32, #tpu.memory_space<vmem>>, vector<16xf32>,
      %mul3A_272 = arith.mulf %get3A_269, %get3A_271 : vector<16xf32>
      %add3A_273 = arith.addf %add3A_266, %mul3A_272 : vector<16xf32>
      %max3A_274 = arith.maximumf %cond3A_259#17, %get3A_269 : vector<16xf32>
      %get3A_275 = arith.index_cast %while3A_216 : i32 to index
      %get3A_276 = arith.constant 32 : index
      %get3A_277 = tpu.vector_load %arg7[%get3A_275, %get3A_276] {strides = array<i32>} : memref<64x256xf32, #tpu.memory_space<vmem>>, vector<16xf32>,
      %get3A_278 = arith.constant 32 : index
      %get3A_279 = tpu.vector_load %arg10[%get3A_278] {strides = array<i32>} : memref<272xf32, #tpu.memory_space<vmem>>, vector<16xf32>,
      %mul3A_280 = arith.mulf %get3A_277, %get3A_279 : vector<16xf32>
      %add3A_281 = arith.addf %add3A_273, %mul3A_280 : vector<16xf32>
      %max3A_282 = arith.maximumf %cond3A_259#18, %get3A_277 : vector<16xf32>
      %get3A_283 = arith.index_cast %while3A_216 : i32 to index
      %get3A_284 = arith.constant 48 : index
      %get3A_285 = tpu.vector_load %arg7[%get3A_283, %get3A_284] {strides = array<i32>} : memref<64x256xf32, #tpu.memory_space<vmem>>, vector<16xf32>,
      %get3A_286 = arith.constant 48 : index
      %get3A_287 = tpu.vector_load %arg10[%get3A_286] {strides = array<i32>} : memref<272xf32, #tpu.memory_space<vmem>>, vector<16xf32>,
      %mul3A_288 = arith.mulf %get3A_285, %get3A_287 : vector<16xf32>
      %add3A_289 = arith.addf %add3A_281, %mul3A_288 : vector<16xf32>
      %max3A_290 = arith.maximumf %cond3A_259#19, %get3A_285 : vector<16xf32>
      %get3A_291 = arith.index_cast %while3A_216 : i32 to index
      %get3A_292 = arith.constant 64 : index
      %get3A_293 = tpu.vector_load %arg7[%get3A_291, %get3A_292] {strides = array<i32>} : memref<64x256xf32, #tpu.memory_space<vmem>>, vector<16xf32>,
      %get3A_294 = arith.constant 64 : index
      %get3A_295 = tpu.vector_load %arg10[%get3A_294] {strides = array<i32>} : memref<272xf32, #tpu.memory_space<vmem>>, vector<16xf32>,
      %mul3A_296 = arith.mulf %get3A_293, %get3A_295 : vector<16xf32>
      %add3A_297 = arith.addf %add3A_289, %mul3A_296 : vector<16xf32>
      %max3A_298 = arith.maximumf %cond3A_259#20, %get3A_293 : vector<16xf32>
      %get3A_299 = arith.index_cast %while3A_216 : i32 to index
      %get3A_300 = arith.constant 80 : index
      %get3A_301 = tpu.vector_load %arg7[%get3A_299, %get3A_300] {strides = array<i32>} : memref<64x256xf32, #tpu.memory_space<vmem>>, vector<16xf32>,
      %get3A_302 = arith.constant 80 : index
      %get3A_303 = tpu.vector_load %arg10[%get3A_302] {strides = array<i32>} : memref<272xf32, #tpu.memory_space<vmem>>, vector<16xf32>,
      %mul3A_304 = arith.mulf %get3A_301, %get3A_303 : vector<16xf32>
      %add3A_305 = arith.addf %add3A_297, %mul3A_304 : vector<16xf32>
      %max3A_306 = arith.maximumf %cond3A_259#21, %get3A_301 : vector<16xf32>
      %get3A_307 = arith.index_cast %while3A_216 : i32 to index
      %get3A_308 = arith.constant 96 : index
      %get3A_309 = tpu.vector_load %arg7[%get3A_307, %get3A_308] {strides = array<i32>} : memref<64x256xf32, #tpu.memory_space<vmem>>, vector<16xf32>,
      %get3A_310 = arith.constant 96 : index
      %get3A_311 = tpu.vector_load %arg10[%get3A_310] {strides = array<i32>} : memref<272xf32, #tpu.memory_space<vmem>>, vector<16xf32>,
      %mul3A_312 = arith.mulf %get3A_309, %get3A_311 : vector<16xf32>
      %add3A_313 = arith.addf %add3A_305, %mul3A_312 : vector<16xf32>
      %max3A_314 = arith.maximumf %cond3A_259#22, %get3A_309 : vector<16xf32>
      %get3A_315 = arith.index_cast %while3A_216 : i32 to index
      %get3A_316 = arith.constant 112 : index
      %get3A_317 = tpu.vector_load %arg7[%get3A_315, %get3A_316] {strides = array<i32>} : memref<64x256xf32, #tpu.memory_space<vmem>>, vector<16xf32>,
      %get3A_318 = arith.constant 112 : index
      %get3A_319 = tpu.vector_load %arg10[%get3A_318] {strides = array<i32>} : memref<272xf32, #tpu.memory_space<vmem>>, vector<16xf32>,
      %mul3A_320 = arith.mulf %get3A_317, %get3A_319 : vector<16xf32>
      %add3A_321 = arith.addf %add3A_313, %mul3A_320 : vector<16xf32>
      %max3A_322 = arith.maximumf %cond3A_259#23, %get3A_317 : vector<16xf32>
      %get3A_323 = arith.index_cast %while3A_216 : i32 to index
      %get3A_324 = arith.constant 128 : index
      %get3A_325 = tpu.vector_load %arg7[%get3A_323, %get3A_324] {strides = array<i32>} : memref<64x256xf32, #tpu.memory_space<vmem>>, vector<16xf32>,
      %get3A_326 = arith.constant 128 : index
      %get3A_327 = tpu.vector_load %arg10[%get3A_326] {strides = array<i32>} : memref<272xf32, #tpu.memory_space<vmem>>, vector<16xf32>,
      %mul3A_328 = arith.mulf %get3A_325, %get3A_327 : vector<16xf32>
      %add3A_329 = arith.addf %add3A_321, %mul3A_328 : vector<16xf32>
      %max3A_330 = arith.maximumf %cond3A_259#24, %get3A_325 : vector<16xf32>
      %get3A_331 = arith.index_cast %while3A_216 : i32 to index
      %get3A_332 = arith.constant 144 : index
      %get3A_333 = tpu.vector_load %arg7[%get3A_331, %get3A_332] {strides = array<i32>} : memref<64x256xf32, #tpu.memory_space<vmem>>, vector<16xf32>,
      %get3A_334 = arith.constant 144 : index
      %get3A_335 = tpu.vector_load %arg10[%get3A_334] {strides = array<i32>} : memref<272xf32, #tpu.memory_space<vmem>>, vector<16xf32>,
      %mul3A_336 = arith.mulf %get3A_333, %get3A_335 : vector<16xf32>
      %add3A_337 = arith.addf %add3A_329, %mul3A_336 : vector<16xf32>
      %max3A_338 = arith.maximumf %cond3A_259#25, %get3A_333 : vector<16xf32>
      %get3A_339 = arith.index_cast %while3A_216 : i32 to index
      %get3A_340 = arith.constant 160 : index
      %get3A_341 = tpu.vector_load %arg7[%get3A_339, %get3A_340] {strides = array<i32>} : memref<64x256xf32, #tpu.memory_space<vmem>>, vector<16xf32>,
      %get3A_342 = arith.constant 160 : index
      %get3A_343 = tpu.vector_load %arg10[%get3A_342] {strides = array<i32>} : memref<272xf32, #tpu.memory_space<vmem>>, vector<16xf32>,
      %mul3A_344 = arith.mulf %get3A_341, %get3A_343 : vector<16xf32>
      %add3A_345 = arith.addf %add3A_337, %mul3A_344 : vector<16xf32>
      %max3A_346 = arith.maximumf %cond3A_259#26, %get3A_341 : vector<16xf32>
      %get3A_347 = arith.index_cast %while3A_216 : i32 to index
      %get3A_348 = arith.constant 176 : index
      %get3A_349 = tpu.vector_load %arg7[%get3A_347, %get3A_348] {strides = array<i32>} : memref<64x256xf32, #tpu.memory_space<vmem>>, vector<16xf32>,
      %get3A_350 = arith.constant 176 : index
      %get3A_351 = tpu.vector_load %arg10[%get3A_350] {strides = array<i32>} : memref<272xf32, #tpu.memory_space<vmem>>, vector<16xf32>,
      %mul3A_352 = arith.mulf %get3A_349, %get3A_351 : vector<16xf32>
      %add3A_353 = arith.addf %add3A_345, %mul3A_352 : vector<16xf32>
      %max3A_354 = arith.maximumf %cond3A_259#27, %get3A_349 : vector<16xf32>
      %get3A_355 = arith.index_cast %while3A_216 : i32 to index
      %get3A_356 = arith.constant 192 : index
      %get3A_357 = tpu.vector_load %arg7[%get3A_355, %get3A_356] {strides = array<i32>} : memref<64x256xf32, #tpu.memory_space<vmem>>, vector<16xf32>,
      %get3A_358 = arith.constant 192 : index
      %get3A_359 = tpu.vector_load %arg10[%get3A_358] {strides = array<i32>} : memref<272xf32, #tpu.memory_space<vmem>>, vector<16xf32>,
      %mul3A_360 = arith.mulf %get3A_357, %get3A_359 : vector<16xf32>
      %add3A_361 = arith.addf %add3A_353, %mul3A_360 : vector<16xf32>
      %max3A_362 = arith.maximumf %cond3A_259#28, %get3A_357 : vector<16xf32>
      %get3A_363 = arith.index_cast %while3A_216 : i32 to index
      %get3A_364 = arith.constant 208 : index
      %get3A_365 = tpu.vector_load %arg7[%get3A_363, %get3A_364] {strides = array<i32>} : memref<64x256xf32, #tpu.memory_space<vmem>>, vector<16xf32>,
      %get3A_366 = arith.constant 208 : index
      %get3A_367 = tpu.vector_load %arg10[%get3A_366] {strides = array<i32>} : memref<272xf32, #tpu.memory_space<vmem>>, vector<16xf32>,
      %mul3A_368 = arith.mulf %get3A_365, %get3A_367 : vector<16xf32>
      %add3A_369 = arith.addf %add3A_361, %mul3A_368 : vector<16xf32>
      %max3A_370 = arith.maximumf %cond3A_259#29, %get3A_365 : vector<16xf32>
      %get3A_371 = arith.index_cast %while3A_216 : i32 to index
      %get3A_372 = arith.constant 224 : index
      %get3A_373 = tpu.vector_load %arg7[%get3A_371, %get3A_372] {strides = array<i32>} : memref<64x256xf32, #tpu.memory_space<vmem>>, vector<16xf32>,
      %get3A_374 = arith.constant 224 : index
      %get3A_375 = tpu.vector_load %arg10[%get3A_374] {strides = array<i32>} : memref<272xf32, #tpu.memory_space<vmem>>, vector<16xf32>,
      %mul3A_376 = arith.mulf %get3A_373, %get3A_375 : vector<16xf32>
      %add3A_377 = arith.addf %add3A_369, %mul3A_376 : vector<16xf32>
      %max3A_378 = arith.maximumf %cond3A_259#30, %get3A_373 : vector<16xf32>
      %get3A_379 = arith.index_cast %while3A_216 : i32 to index
      %get3A_380 = arith.constant 240 : index
      %get3A_381 = tpu.vector_load %arg7[%get3A_379, %get3A_380] {strides = array<i32>} : memref<64x256xf32, #tpu.memory_space<vmem>>, vector<16xf32>,
      %get3A_382 = arith.constant 240 : index
      %get3A_383 = tpu.vector_load %arg10[%get3A_382] {strides = array<i32>} : memref<272xf32, #tpu.memory_space<vmem>>, vector<16xf32>,
      %mul3A_384 = arith.mulf %get3A_381, %get3A_383 : vector<16xf32>
      %add3A_385 = arith.addf %add3A_377, %mul3A_384 : vector<16xf32>
      %max3A_386 = arith.maximumf %cond3A_259#31, %get3A_381 : vector<16xf32>
      %reduce_sum3A = arith.constant true
      %reduce_sum3A_387 = vector.broadcast %reduce_sum3A : i1 to vector<16xi1>
      %reduce_sum3A_388 = tpu.scan <sum>, %add3A_385 masked %reduce_sum3A_387 : vector<16xf32>, vector<16xi1> -> vector<16xf32>
      %reduce_sum3A_389 = vector.extract %reduce_sum3A_388[15] : f32 from vector<16xf32>
      %broadcast_in_dim3A_390 = vector.broadcast %reduce_sum3A_389 : f32 to vector<16xf32>
      %add3A_391 = arith.addf %broadcast_in_dim3A_390, %get3A_36 : vector<16xf32>
      %neg3A = arith.constant 0.000000e+00 : f32
      %neg3A_392 = vector.broadcast %neg3A : f32 to vector<16xf32>
      %neg3A_393 = arith.subf %neg3A_392, %add3A_391 : vector<16xf32>
      %exp3A = math.exp %neg3A_393 : vector<16xf32>
      %add3A_394 = arith.constant 1.000000e+00 : f32
      %add3A_395 = vector.broadcast %add3A_394 : f32 to vector<16xf32>
      %add3A_396 = arith.addf %add3A_395, %exp3A : vector<16xf32>
      %div3A_397 = arith.constant 1.000000e+00 : f32
      %div3A_398 = vector.broadcast %div3A_397 : f32 to vector<16xf32>
      %div3A_399 = arith.divf %div3A_398, %add3A_396 : vector<16xf32>
      %get3A_400 = arith.index_cast %while3A_216 : i32 to index
      %get3A_401 = arith.constant 0 : index
      %get3A_402 = tpu.vector_load %arg7[%get3A_400, %get3A_401] {strides = array<i32>} : memref<64x256xf32, #tpu.memory_space<vmem>>, vector<16xf32>,
      %mul3A_403 = arith.mulf %get3A_402, %div3A_399 : vector<16xf32>
      %add3A_404 = arith.addf %cond3A_259#0, %mul3A_403 : vector<16xf32>
      %get3A_405 = arith.index_cast %while3A_216 : i32 to index
      %get3A_406 = arith.constant 16 : index
      %get3A_407 = tpu.vector_load %arg7[%get3A_405, %get3A_406] {strides = array<i32>} : memref<64x256xf32, #tpu.memory_space<vmem>>, vector<16xf32>,
      %mul3A_408 = arith.mulf %get3A_407, %div3A_399 : vector<16xf32>
      %add3A_409 = arith.addf %cond3A_259#1, %mul3A_408 : vector<16xf32>
      %get3A_410 = arith.index_cast %while3A_216 : i32 to index
      %get3A_411 = arith.constant 32 : index
      %get3A_412 = tpu.vector_load %arg7[%get3A_410, %get3A_411] {strides = array<i32>} : memref<64x256xf32, #tpu.memory_space<vmem>>, vector<16xf32>,
      %mul3A_413 = arith.mulf %get3A_412, %div3A_399 : vector<16xf32>
      %add3A_414 = arith.addf %cond3A_259#2, %mul3A_413 : vector<16xf32>
      %get3A_415 = arith.index_cast %while3A_216 : i32 to index
      %get3A_416 = arith.constant 48 : index
      %get3A_417 = tpu.vector_load %arg7[%get3A_415, %get3A_416] {strides = array<i32>} : memref<64x256xf32, #tpu.memory_space<vmem>>, vector<16xf32>,
      %mul3A_418 = arith.mulf %get3A_417, %div3A_399 : vector<16xf32>
      %add3A_419 = arith.addf %cond3A_259#3, %mul3A_418 : vector<16xf32>
      %get3A_420 = arith.index_cast %while3A_216 : i32 to index
      %get3A_421 = arith.constant 64 : index
      %get3A_422 = tpu.vector_load %arg7[%get3A_420, %get3A_421] {strides = array<i32>} : memref<64x256xf32, #tpu.memory_space<vmem>>, vector<16xf32>,
      %mul3A_423 = arith.mulf %get3A_422, %div3A_399 : vector<16xf32>
      %add3A_424 = arith.addf %cond3A_259#4, %mul3A_423 : vector<16xf32>
      %get3A_425 = arith.index_cast %while3A_216 : i32 to index
      %get3A_426 = arith.constant 80 : index
      %get3A_427 = tpu.vector_load %arg7[%get3A_425, %get3A_426] {strides = array<i32>} : memref<64x256xf32, #tpu.memory_space<vmem>>, vector<16xf32>,
      %mul3A_428 = arith.mulf %get3A_427, %div3A_399 : vector<16xf32>
      %add3A_429 = arith.addf %cond3A_259#5, %mul3A_428 : vector<16xf32>
      %get3A_430 = arith.index_cast %while3A_216 : i32 to index
      %get3A_431 = arith.constant 96 : index
      %get3A_432 = tpu.vector_load %arg7[%get3A_430, %get3A_431] {strides = array<i32>} : memref<64x256xf32, #tpu.memory_space<vmem>>, vector<16xf32>,
      %mul3A_433 = arith.mulf %get3A_432, %div3A_399 : vector<16xf32>
      %add3A_434 = arith.addf %cond3A_259#6, %mul3A_433 : vector<16xf32>
      %get3A_435 = arith.index_cast %while3A_216 : i32 to index
      %get3A_436 = arith.constant 112 : index
      %get3A_437 = tpu.vector_load %arg7[%get3A_435, %get3A_436] {strides = array<i32>} : memref<64x256xf32, #tpu.memory_space<vmem>>, vector<16xf32>,
      %mul3A_438 = arith.mulf %get3A_437, %div3A_399 : vector<16xf32>
      %add3A_439 = arith.addf %cond3A_259#7, %mul3A_438 : vector<16xf32>
      %get3A_440 = arith.index_cast %while3A_216 : i32 to index
      %get3A_441 = arith.constant 128 : index
      %get3A_442 = tpu.vector_load %arg7[%get3A_440, %get3A_441] {strides = array<i32>} : memref<64x256xf32, #tpu.memory_space<vmem>>, vector<16xf32>,
      %mul3A_443 = arith.mulf %get3A_442, %div3A_399 : vector<16xf32>
      %add3A_444 = arith.addf %cond3A_259#8, %mul3A_443 : vector<16xf32>
      %get3A_445 = arith.index_cast %while3A_216 : i32 to index
      %get3A_446 = arith.constant 144 : index
      %get3A_447 = tpu.vector_load %arg7[%get3A_445, %get3A_446] {strides = array<i32>} : memref<64x256xf32, #tpu.memory_space<vmem>>, vector<16xf32>,
      %mul3A_448 = arith.mulf %get3A_447, %div3A_399 : vector<16xf32>
      %add3A_449 = arith.addf %cond3A_259#9, %mul3A_448 : vector<16xf32>
      %get3A_450 = arith.index_cast %while3A_216 : i32 to index
      %get3A_451 = arith.constant 160 : index
      %get3A_452 = tpu.vector_load %arg7[%get3A_450, %get3A_451] {strides = array<i32>} : memref<64x256xf32, #tpu.memory_space<vmem>>, vector<16xf32>,
      %mul3A_453 = arith.mulf %get3A_452, %div3A_399 : vector<16xf32>
      %add3A_454 = arith.addf %cond3A_259#10, %mul3A_453 : vector<16xf32>
      %get3A_455 = arith.index_cast %while3A_216 : i32 to index
      %get3A_456 = arith.constant 176 : index
      %get3A_457 = tpu.vector_load %arg7[%get3A_455, %get3A_456] {strides = array<i32>} : memref<64x256xf32, #tpu.memory_space<vmem>>, vector<16xf32>,
      %mul3A_458 = arith.mulf %get3A_457, %div3A_399 : vector<16xf32>
      %add3A_459 = arith.addf %cond3A_259#11, %mul3A_458 : vector<16xf32>
      %get3A_460 = arith.index_cast %while3A_216 : i32 to index
      %get3A_461 = arith.constant 192 : index
      %get3A_462 = tpu.vector_load %arg7[%get3A_460, %get3A_461] {strides = array<i32>} : memref<64x256xf32, #tpu.memory_space<vmem>>, vector<16xf32>,
      %mul3A_463 = arith.mulf %get3A_462, %div3A_399 : vector<16xf32>
      %add3A_464 = arith.addf %cond3A_259#12, %mul3A_463 : vector<16xf32>
      %get3A_465 = arith.index_cast %while3A_216 : i32 to index
      %get3A_466 = arith.constant 208 : index
      %get3A_467 = tpu.vector_load %arg7[%get3A_465, %get3A_466] {strides = array<i32>} : memref<64x256xf32, #tpu.memory_space<vmem>>, vector<16xf32>,
      %mul3A_468 = arith.mulf %get3A_467, %div3A_399 : vector<16xf32>
      %add3A_469 = arith.addf %cond3A_259#13, %mul3A_468 : vector<16xf32>
      %get3A_470 = arith.index_cast %while3A_216 : i32 to index
      %get3A_471 = arith.constant 224 : index
      %get3A_472 = tpu.vector_load %arg7[%get3A_470, %get3A_471] {strides = array<i32>} : memref<64x256xf32, #tpu.memory_space<vmem>>, vector<16xf32>,
      %mul3A_473 = arith.mulf %get3A_472, %div3A_399 : vector<16xf32>
      %add3A_474 = arith.addf %cond3A_259#14, %mul3A_473 : vector<16xf32>
      %get3A_475 = arith.index_cast %while3A_216 : i32 to index
      %get3A_476 = arith.constant 240 : index
      %get3A_477 = tpu.vector_load %arg7[%get3A_475, %get3A_476] {strides = array<i32>} : memref<64x256xf32, #tpu.memory_space<vmem>>, vector<16xf32>,
      %mul3A_478 = arith.mulf %get3A_477, %div3A_399 : vector<16xf32>
      %add3A_479 = arith.addf %cond3A_259#15, %mul3A_478 : vector<16xf32>
      scf.yield %squeeze3A_255, %add3A_404, %add3A_409, %add3A_414, %add3A_419, %add3A_424, %add3A_429, %add3A_434, %add3A_439, %add3A_444, %add3A_449, %add3A_454, %add3A_459, %add3A_464, %add3A_469, %add3A_474, %add3A_479, %max3A, %max3A_274, %max3A_282, %max3A_290, %max3A_298, %max3A_306, %max3A_314, %max3A_322, %max3A_330, %max3A_338, %max3A_346, %max3A_354, %max3A_362, %max3A_370, %max3A_378, %max3A_386 : i32, vector<16xf32>, vector<16xf32>, vector<16xf32>, vector<16xf32>, vector<16xf32>, vector<16xf32>, vector<16xf32>, vector<16xf32>, vector<16xf32>, vector<16xf32>, vector<16xf32>, vector<16xf32>, vector<16xf32>, vector<16xf32>, vector<16xf32>, vector<16xf32>, vector<16xf32>, vector<16xf32>, vector<16xf32>, vector<16xf32>, vector<16xf32>, vector<16xf32>, vector<16xf32>, vector<16xf32>, vector<16xf32>, vector<16xf32>, vector<16xf32>, vector<16xf32>, vector<16xf32>, vector<16xf32>, vector<16xf32>, vector<16xf32>
    }
    %mul3A_83 = arith.constant 256 : i32
    %mul3A_84 = arith.muli %while3A_82#0, %mul3A_83 : i32
    %add3A_85 = arith.constant 0 : i32
    %add3A_86 = arith.addi %mul3A_84, %add3A_85 : i32
    %swap3A = arith.index_cast %add3A_86 : i32 to index
    %swap3A_87 = tpu.vector_load %arg11[%swap3A] {strides = array<i32>} : memref<32768xf32, #tpu.memory_space<vmem>>, vector<16xf32>,
    tpu.vector_store %arg11[%swap3A], %while3A_82#1 {strides = array<i32>} : memref<32768xf32, #tpu.memory_space<vmem>>, vector<16xf32>,
    %add3A_88 = arith.constant 0 : i32
    %add3A_89 = arith.addi %mul3A_84, %add3A_88 : i32
    %swap3A_90 = arith.index_cast %add3A_89 : i32 to index
    %swap3A_91 = tpu.vector_load %arg12[%swap3A_90] {strides = array<i32>} : memref<32768xf32, #tpu.memory_space<vmem>>, vector<16xf32>,
    tpu.vector_store %arg12[%swap3A_90], %while3A_82#17 {strides = array<i32>} : memref<32768xf32, #tpu.memory_space<vmem>>, vector<16xf32>,
    %add3A_92 = arith.constant 16 : i32
    %add3A_93 = arith.addi %mul3A_84, %add3A_92 : i32
    %swap3A_94 = arith.index_cast %add3A_93 : i32 to index
    %swap3A_95 = tpu.vector_load %arg11[%swap3A_94] {strides = array<i32>} : memref<32768xf32, #tpu.memory_space<vmem>>, vector<16xf32>,
    tpu.vector_store %arg11[%swap3A_94], %while3A_82#2 {strides = array<i32>} : memref<32768xf32, #tpu.memory_space<vmem>>, vector<16xf32>,
    %add3A_96 = arith.constant 16 : i32
    %add3A_97 = arith.addi %mul3A_84, %add3A_96 : i32
    %swap3A_98 = arith.index_cast %add3A_97 : i32 to index
    %swap3A_99 = tpu.vector_load %arg12[%swap3A_98] {strides = array<i32>} : memref<32768xf32, #tpu.memory_space<vmem>>, vector<16xf32>,
    tpu.vector_store %arg12[%swap3A_98], %while3A_82#18 {strides = array<i32>} : memref<32768xf32, #tpu.memory_space<vmem>>, vector<16xf32>,
    %add3A_100 = arith.constant 32 : i32
    %add3A_101 = arith.addi %mul3A_84, %add3A_100 : i32
    %swap3A_102 = arith.index_cast %add3A_101 : i32 to index
    %swap3A_103 = tpu.vector_load %arg11[%swap3A_102] {strides = array<i32>} : memref<32768xf32, #tpu.memory_space<vmem>>, vector<16xf32>,
    tpu.vector_store %arg11[%swap3A_102], %while3A_82#3 {strides = array<i32>} : memref<32768xf32, #tpu.memory_space<vmem>>, vector<16xf32>,
    %add3A_104 = arith.constant 32 : i32
    %add3A_105 = arith.addi %mul3A_84, %add3A_104 : i32
    %swap3A_106 = arith.index_cast %add3A_105 : i32 to index
    %swap3A_107 = tpu.vector_load %arg12[%swap3A_106] {strides = array<i32>} : memref<32768xf32, #tpu.memory_space<vmem>>, vector<16xf32>,
    tpu.vector_store %arg12[%swap3A_106], %while3A_82#19 {strides = array<i32>} : memref<32768xf32, #tpu.memory_space<vmem>>, vector<16xf32>,
    %add3A_108 = arith.constant 48 : i32
    %add3A_109 = arith.addi %mul3A_84, %add3A_108 : i32
    %swap3A_110 = arith.index_cast %add3A_109 : i32 to index
    %swap3A_111 = tpu.vector_load %arg11[%swap3A_110] {strides = array<i32>} : memref<32768xf32, #tpu.memory_space<vmem>>, vector<16xf32>,
    tpu.vector_store %arg11[%swap3A_110], %while3A_82#4 {strides = array<i32>} : memref<32768xf32, #tpu.memory_space<vmem>>, vector<16xf32>,
    %add3A_112 = arith.constant 48 : i32
    %add3A_113 = arith.addi %mul3A_84, %add3A_112 : i32
    %swap3A_114 = arith.index_cast %add3A_113 : i32 to index
    %swap3A_115 = tpu.vector_load %arg12[%swap3A_114] {strides = array<i32>} : memref<32768xf32, #tpu.memory_space<vmem>>, vector<16xf32>,
    tpu.vector_store %arg12[%swap3A_114], %while3A_82#20 {strides = array<i32>} : memref<32768xf32, #tpu.memory_space<vmem>>, vector<16xf32>,
    %add3A_116 = arith.constant 64 : i32
    %add3A_117 = arith.addi %mul3A_84, %add3A_116 : i32
    %swap3A_118 = arith.index_cast %add3A_117 : i32 to index
    %swap3A_119 = tpu.vector_load %arg11[%swap3A_118] {strides = array<i32>} : memref<32768xf32, #tpu.memory_space<vmem>>, vector<16xf32>,
    tpu.vector_store %arg11[%swap3A_118], %while3A_82#5 {strides = array<i32>} : memref<32768xf32, #tpu.memory_space<vmem>>, vector<16xf32>,
    %add3A_120 = arith.constant 64 : i32
    %add3A_121 = arith.addi %mul3A_84, %add3A_120 : i32
    %swap3A_122 = arith.index_cast %add3A_121 : i32 to index
    %swap3A_123 = tpu.vector_load %arg12[%swap3A_122] {strides = array<i32>} : memref<32768xf32, #tpu.memory_space<vmem>>, vector<16xf32>,
    tpu.vector_store %arg12[%swap3A_122], %while3A_82#21 {strides = array<i32>} : memref<32768xf32, #tpu.memory_space<vmem>>, vector<16xf32>,
    %add3A_124 = arith.constant 80 : i32
    %add3A_125 = arith.addi %mul3A_84, %add3A_124 : i32
    %swap3A_126 = arith.index_cast %add3A_125 : i32 to index
    %swap3A_127 = tpu.vector_load %arg11[%swap3A_126] {strides = array<i32>} : memref<32768xf32, #tpu.memory_space<vmem>>, vector<16xf32>,
    tpu.vector_store %arg11[%swap3A_126], %while3A_82#6 {strides = array<i32>} : memref<32768xf32, #tpu.memory_space<vmem>>, vector<16xf32>,
    %add3A_128 = arith.constant 80 : i32
    %add3A_129 = arith.addi %mul3A_84, %add3A_128 : i32
    %swap3A_130 = arith.index_cast %add3A_129 : i32 to index
    %swap3A_131 = tpu.vector_load %arg12[%swap3A_130] {strides = array<i32>} : memref<32768xf32, #tpu.memory_space<vmem>>, vector<16xf32>,
    tpu.vector_store %arg12[%swap3A_130], %while3A_82#22 {strides = array<i32>} : memref<32768xf32, #tpu.memory_space<vmem>>, vector<16xf32>,
    %add3A_132 = arith.constant 96 : i32
    %add3A_133 = arith.addi %mul3A_84, %add3A_132 : i32
    %swap3A_134 = arith.index_cast %add3A_133 : i32 to index
    %swap3A_135 = tpu.vector_load %arg11[%swap3A_134] {strides = array<i32>} : memref<32768xf32, #tpu.memory_space<vmem>>, vector<16xf32>,
    tpu.vector_store %arg11[%swap3A_134], %while3A_82#7 {strides = array<i32>} : memref<32768xf32, #tpu.memory_space<vmem>>, vector<16xf32>,
    %add3A_136 = arith.constant 96 : i32
    %add3A_137 = arith.addi %mul3A_84, %add3A_136 : i32
    %swap3A_138 = arith.index_cast %add3A_137 : i32 to index
    %swap3A_139 = tpu.vector_load %arg12[%swap3A_138] {strides = array<i32>} : memref<32768xf32, #tpu.memory_space<vmem>>, vector<16xf32>,
    tpu.vector_store %arg12[%swap3A_138], %while3A_82#23 {strides = array<i32>} : memref<32768xf32, #tpu.memory_space<vmem>>, vector<16xf32>,
    %add3A_140 = arith.constant 112 : i32
    %add3A_141 = arith.addi %mul3A_84, %add3A_140 : i32
    %swap3A_142 = arith.index_cast %add3A_141 : i32 to index
    %swap3A_143 = tpu.vector_load %arg11[%swap3A_142] {strides = array<i32>} : memref<32768xf32, #tpu.memory_space<vmem>>, vector<16xf32>,
    tpu.vector_store %arg11[%swap3A_142], %while3A_82#8 {strides = array<i32>} : memref<32768xf32, #tpu.memory_space<vmem>>, vector<16xf32>,
    %add3A_144 = arith.constant 112 : i32
    %add3A_145 = arith.addi %mul3A_84, %add3A_144 : i32
    %swap3A_146 = arith.index_cast %add3A_145 : i32 to index
    %swap3A_147 = tpu.vector_load %arg12[%swap3A_146] {strides = array<i32>} : memref<32768xf32, #tpu.memory_space<vmem>>, vector<16xf32>,
    tpu.vector_store %arg12[%swap3A_146], %while3A_82#24 {strides = array<i32>} : memref<32768xf32, #tpu.memory_space<vmem>>, vector<16xf32>,
    %add3A_148 = arith.constant 128 : i32
    %add3A_149 = arith.addi %mul3A_84, %add3A_148 : i32
    %swap3A_150 = arith.index_cast %add3A_149 : i32 to index
    %swap3A_151 = tpu.vector_load %arg11[%swap3A_150] {strides = array<i32>} : memref<32768xf32, #tpu.memory_space<vmem>>, vector<16xf32>,
    tpu.vector_store %arg11[%swap3A_150], %while3A_82#9 {strides = array<i32>} : memref<32768xf32, #tpu.memory_space<vmem>>, vector<16xf32>,
    %add3A_152 = arith.constant 128 : i32
    %add3A_153 = arith.addi %mul3A_84, %add3A_152 : i32
    %swap3A_154 = arith.index_cast %add3A_153 : i32 to index
    %swap3A_155 = tpu.vector_load %arg12[%swap3A_154] {strides = array<i32>} : memref<32768xf32, #tpu.memory_space<vmem>>, vector<16xf32>,
    tpu.vector_store %arg12[%swap3A_154], %while3A_82#25 {strides = array<i32>} : memref<32768xf32, #tpu.memory_space<vmem>>, vector<16xf32>,
    %add3A_156 = arith.constant 144 : i32
    %add3A_157 = arith.addi %mul3A_84, %add3A_156 : i32
    %swap3A_158 = arith.index_cast %add3A_157 : i32 to index
    %swap3A_159 = tpu.vector_load %arg11[%swap3A_158] {strides = array<i32>} : memref<32768xf32, #tpu.memory_space<vmem>>, vector<16xf32>,
    tpu.vector_store %arg11[%swap3A_158], %while3A_82#10 {strides = array<i32>} : memref<32768xf32, #tpu.memory_space<vmem>>, vector<16xf32>,
    %add3A_160 = arith.constant 144 : i32
    %add3A_161 = arith.addi %mul3A_84, %add3A_160 : i32
    %swap3A_162 = arith.index_cast %add3A_161 : i32 to index
    %swap3A_163 = tpu.vector_load %arg12[%swap3A_162] {strides = array<i32>} : memref<32768xf32, #tpu.memory_space<vmem>>, vector<16xf32>,
    tpu.vector_store %arg12[%swap3A_162], %while3A_82#26 {strides = array<i32>} : memref<32768xf32, #tpu.memory_space<vmem>>, vector<16xf32>,
    %add3A_164 = arith.constant 160 : i32
    %add3A_165 = arith.addi %mul3A_84, %add3A_164 : i32
    %swap3A_166 = arith.index_cast %add3A_165 : i32 to index
    %swap3A_167 = tpu.vector_load %arg11[%swap3A_166] {strides = array<i32>} : memref<32768xf32, #tpu.memory_space<vmem>>, vector<16xf32>,
    tpu.vector_store %arg11[%swap3A_166], %while3A_82#11 {strides = array<i32>} : memref<32768xf32, #tpu.memory_space<vmem>>, vector<16xf32>,
    %add3A_168 = arith.constant 160 : i32
    %add3A_169 = arith.addi %mul3A_84, %add3A_168 : i32
    %swap3A_170 = arith.index_cast %add3A_169 : i32 to index
    %swap3A_171 = tpu.vector_load %arg12[%swap3A_170] {strides = array<i32>} : memref<32768xf32, #tpu.memory_space<vmem>>, vector<16xf32>,
    tpu.vector_store %arg12[%swap3A_170], %while3A_82#27 {strides = array<i32>} : memref<32768xf32, #tpu.memory_space<vmem>>, vector<16xf32>,
    %add3A_172 = arith.constant 176 : i32
    %add3A_173 = arith.addi %mul3A_84, %add3A_172 : i32
    %swap3A_174 = arith.index_cast %add3A_173 : i32 to index
    %swap3A_175 = tpu.vector_load %arg11[%swap3A_174] {strides = array<i32>} : memref<32768xf32, #tpu.memory_space<vmem>>, vector<16xf32>,
    tpu.vector_store %arg11[%swap3A_174], %while3A_82#12 {strides = array<i32>} : memref<32768xf32, #tpu.memory_space<vmem>>, vector<16xf32>,
    %add3A_176 = arith.constant 176 : i32
    %add3A_177 = arith.addi %mul3A_84, %add3A_176 : i32
    %swap3A_178 = arith.index_cast %add3A_177 : i32 to index
    %swap3A_179 = tpu.vector_load %arg12[%swap3A_178] {strides = array<i32>} : memref<32768xf32, #tpu.memory_space<vmem>>, vector<16xf32>,
    tpu.vector_store %arg12[%swap3A_178], %while3A_82#28 {strides = array<i32>} : memref<32768xf32, #tpu.memory_space<vmem>>, vector<16xf32>,
    %add3A_180 = arith.constant 192 : i32
    %add3A_181 = arith.addi %mul3A_84, %add3A_180 : i32
    %swap3A_182 = arith.index_cast %add3A_181 : i32 to index
    %swap3A_183 = tpu.vector_load %arg11[%swap3A_182] {strides = array<i32>} : memref<32768xf32, #tpu.memory_space<vmem>>, vector<16xf32>,
    tpu.vector_store %arg11[%swap3A_182], %while3A_82#13 {strides = array<i32>} : memref<32768xf32, #tpu.memory_space<vmem>>, vector<16xf32>,
    %add3A_184 = arith.constant 192 : i32
    %add3A_185 = arith.addi %mul3A_84, %add3A_184 : i32
    %swap3A_186 = arith.index_cast %add3A_185 : i32 to index
    %swap3A_187 = tpu.vector_load %arg12[%swap3A_186] {strides = array<i32>} : memref<32768xf32, #tpu.memory_space<vmem>>, vector<16xf32>,
    tpu.vector_store %arg12[%swap3A_186], %while3A_82#29 {strides = array<i32>} : memref<32768xf32, #tpu.memory_space<vmem>>, vector<16xf32>,
    %add3A_188 = arith.constant 208 : i32
    %add3A_189 = arith.addi %mul3A_84, %add3A_188 : i32
    %swap3A_190 = arith.index_cast %add3A_189 : i32 to index
    %swap3A_191 = tpu.vector_load %arg11[%swap3A_190] {strides = array<i32>} : memref<32768xf32, #tpu.memory_space<vmem>>, vector<16xf32>,
    tpu.vector_store %arg11[%swap3A_190], %while3A_82#14 {strides = array<i32>} : memref<32768xf32, #tpu.memory_space<vmem>>, vector<16xf32>,
    %add3A_192 = arith.constant 208 : i32
    %add3A_193 = arith.addi %mul3A_84, %add3A_192 : i32
    %swap3A_194 = arith.index_cast %add3A_193 : i32 to index
    %swap3A_195 = tpu.vector_load %arg12[%swap3A_194] {strides = array<i32>} : memref<32768xf32, #tpu.memory_space<vmem>>, vector<16xf32>,
    tpu.vector_store %arg12[%swap3A_194], %while3A_82#30 {strides = array<i32>} : memref<32768xf32, #tpu.memory_space<vmem>>, vector<16xf32>,
    %add3A_196 = arith.constant 224 : i32
    %add3A_197 = arith.addi %mul3A_84, %add3A_196 : i32
    %swap3A_198 = arith.index_cast %add3A_197 : i32 to index
    %swap3A_199 = tpu.vector_load %arg11[%swap3A_198] {strides = array<i32>} : memref<32768xf32, #tpu.memory_space<vmem>>, vector<16xf32>,
    tpu.vector_store %arg11[%swap3A_198], %while3A_82#15 {strides = array<i32>} : memref<32768xf32, #tpu.memory_space<vmem>>, vector<16xf32>,
    %add3A_200 = arith.constant 224 : i32
    %add3A_201 = arith.addi %mul3A_84, %add3A_200 : i32
    %swap3A_202 = arith.index_cast %add3A_201 : i32 to index
    %swap3A_203 = tpu.vector_load %arg12[%swap3A_202] {strides = array<i32>} : memref<32768xf32, #tpu.memory_space<vmem>>, vector<16xf32>,
    tpu.vector_store %arg12[%swap3A_202], %while3A_82#31 {strides = array<i32>} : memref<32768xf32, #tpu.memory_space<vmem>>, vector<16xf32>,
    %add3A_204 = arith.constant 240 : i32
    %add3A_205 = arith.addi %mul3A_84, %add3A_204 : i32
    %swap3A_206 = arith.index_cast %add3A_205 : i32 to index
    %swap3A_207 = tpu.vector_load %arg11[%swap3A_206] {strides = array<i32>} : memref<32768xf32, #tpu.memory_space<vmem>>, vector<16xf32>,
    tpu.vector_store %arg11[%swap3A_206], %while3A_82#16 {strides = array<i32>} : memref<32768xf32, #tpu.memory_space<vmem>>, vector<16xf32>,
    %add3A_208 = arith.constant 240 : i32
    %add3A_209 = arith.addi %mul3A_84, %add3A_208 : i32
    %swap3A_210 = arith.index_cast %add3A_209 : i32 to index
    %swap3A_211 = tpu.vector_load %arg12[%swap3A_210] {strides = array<i32>} : memref<32768xf32, #tpu.memory_space<vmem>>, vector<16xf32>,
    tpu.vector_store %arg12[%swap3A_210], %while3A_82#32 {strides = array<i32>} : memref<32768xf32, #tpu.memory_space<vmem>>, vector<16xf32>,
    %mul3A_212 = arith.constant 32768 : i32
    %mul3A_213 = arith.muli %add3A, %mul3A_212 : i32
    "tpu.region"() ({
      %run_scoped3A = tpu.sem_alloc : memref<!tpu.dma_semaphore, #tpu.memory_space<semaphore_mem>>
      %dma_start3A_216 = tpu.memref_slice %arg5[%mul3A_213] : memref<1048576xf32, #tpu.memory_space<hbm>> -> memref<32768xf32, #tpu.memory_space<hbm>>
      %dma_start3A_217 = tpu.memref_slice %arg5[%mul3A_213] : memref<1048576xf32, #tpu.memory_space<hbm>> -> memref<32768xf32, #tpu.memory_space<hbm>>
      tpu.enqueue_dma source(%arg11 : memref<32768xf32, #tpu.memory_space<vmem>>) target(%dma_start3A_217 : memref<32768xf32, #tpu.memory_space<hbm>>) target_semaphore(%run_scoped3A : memref<!tpu.dma_semaphore, #tpu.memory_space<semaphore_mem>>)
      %dma_wait3A_218 = tpu.memref_slice %arg5[%mul3A_213] : memref<1048576xf32, #tpu.memory_space<hbm>> -> memref<32768xf32, #tpu.memory_space<hbm>>
      %dma_wait3A_219 = tpu.memref_slice %arg5[%mul3A_213] : memref<1048576xf32, #tpu.memory_space<hbm>> -> memref<32768xf32, #tpu.memory_space<hbm>>
      tpu.wait_dma2 semaphore(%run_scoped3A : memref<!tpu.dma_semaphore, #tpu.memory_space<semaphore_mem>>) src(%arg11 : memref<32768xf32, #tpu.memory_space<vmem>>) dst(%dma_wait3A_219 : memref<32768xf32, #tpu.memory_space<hbm>>)
      tpu.yield
    }) : () -> ()
    %mul3A_214 = arith.constant 32768 : i32
    %mul3A_215 = arith.muli %add3A, %mul3A_214 : i32
    "tpu.region"() ({
      %run_scoped3A = tpu.sem_alloc : memref<!tpu.dma_semaphore, #tpu.memory_space<semaphore_mem>>
      %dma_start3A_216 = tpu.memref_slice %arg6[%mul3A_215] : memref<1048576xf32, #tpu.memory_space<hbm>> -> memref<32768xf32, #tpu.memory_space<hbm>>
      %dma_start3A_217 = tpu.memref_slice %arg6[%mul3A_215] : memref<1048576xf32, #tpu.memory_space<hbm>> -> memref<32768xf32, #tpu.memory_space<hbm>>
      tpu.enqueue_dma source(%arg12 : memref<32768xf32, #tpu.memory_space<vmem>>) target(%dma_start3A_217 : memref<32768xf32, #tpu.memory_space<hbm>>) target_semaphore(%run_scoped3A : memref<!tpu.dma_semaphore, #tpu.memory_space<semaphore_mem>>)
      %dma_wait3A_218 = tpu.memref_slice %arg6[%mul3A_215] : memref<1048576xf32, #tpu.memory_space<hbm>> -> memref<32768xf32, #tpu.memory_space<hbm>>
      %dma_wait3A_219 = tpu.memref_slice %arg6[%mul3A_215] : memref<1048576xf32, #tpu.memory_space<hbm>> -> memref<32768xf32, #tpu.memory_space<hbm>>
      tpu.wait_dma2 semaphore(%run_scoped3A : memref<!tpu.dma_semaphore, #tpu.memory_space<semaphore_mem>>) src(%arg12 : memref<32768xf32, #tpu.memory_space<vmem>>) dst(%dma_wait3A_219 : memref<32768xf32, #tpu.memory_space<hbm>>)
      tpu.yield
    }) : () -> ()
    return
  }
}

module attributes {stable_mosaic.version = 14 : i64} {
  func.func @_tc_body(%arg0: memref<32x128x256xf32, #tpu.memory_space<vmem>>, %arg1: memref<32x128x256xf32, #tpu.memory_space<vmem>>, %arg2: memref<512x256xf32, #tpu.memory_space<vmem>>, %arg3: memref<1x256xf32, #tpu.memory_space<vmem>>, %arg4: memref<128x256xf32, #tpu.memory_space<vmem>>) attributes {dimension_semantics = [], scalar_prefetch = 0 : i64, scratch_operands = 0 : i64, tpu.core_type = #tpu.core_type<tc>} {
    %get3A = arith.constant 0 : index
    %get3A_0 = arith.constant 0 : index
    %get3A_1 = arith.constant 0 : index
    %get3A_2 = vector.load %arg0[%get3A, %get3A_0, %get3A_1] : memref<32x128x256xf32, #tpu.memory_space<vmem>>, vector<32x128x256xf32>
    %reduce_sum3A = arith.constant dense<0.000000e+00> : vector<128x256xf32>
    %reduce_sum3A_3 = vector.multi_reduction <add>, %get3A_2, %reduce_sum3A [0] : vector<32x128x256xf32> to vector<128x256xf32>
    %get3A_4 = arith.constant 0 : index
    %get3A_5 = arith.constant 0 : index
    %get3A_6 = arith.constant 0 : index
    %get3A_7 = vector.load %arg1[%get3A_4, %get3A_5, %get3A_6] : memref<32x128x256xf32, #tpu.memory_space<vmem>>, vector<32x128x256xf32>
    %reduce_max3A = arith.constant dense<0xFF800000> : vector<128x256xf32>
    %reduce_max3A_8 = vector.multi_reduction <maximumf>, %get3A_7, %reduce_max3A [0] : vector<32x128x256xf32> to vector<128x256xf32>
    %get3A_9 = arith.constant 0 : index
    %get3A_10 = arith.constant 0 : index
    %get3A_11 = vector.load %arg2[%get3A_9, %get3A_10] : memref<512x256xf32, #tpu.memory_space<vmem>>, vector<256x256xf32>
    %dot_general3A = arith.constant dense<0.000000e+00> : vector<128x256xf32>
    %dot_general3A_12 = tpu.matmul %reduce_sum3A_3, %get3A_11, %dot_general3A {dimension_numbers = #tpu.dot_dimension_numbers<[1], [0], [0], [1], [0, 0, 1, 1], [], []>, transpose_lhs_hint = false} : vector<128x256xf32>, vector<256x256xf32>, vector<128x256xf32> -> vector<128x256xf32>
    %get3A_13 = arith.constant 256 : index
    %get3A_14 = arith.constant 0 : index
    %get3A_15 = vector.load %arg2[%get3A_13, %get3A_14] : memref<512x256xf32, #tpu.memory_space<vmem>>, vector<256x256xf32>
    %dot_general3A_16 = arith.constant dense<0.000000e+00> : vector<128x256xf32>
    %dot_general3A_17 = tpu.matmul %reduce_max3A_8, %get3A_15, %dot_general3A_16 {dimension_numbers = #tpu.dot_dimension_numbers<[1], [0], [0], [1], [0, 0, 1, 1], [], []>, transpose_lhs_hint = false} : vector<128x256xf32>, vector<256x256xf32>, vector<128x256xf32> -> vector<128x256xf32>
    %add3A = arith.addf %dot_general3A_12, %dot_general3A_17 : vector<128x256xf32>
    %get3A_18 = arith.constant 0 : index
    %get3A_19 = arith.constant 0 : index
    %get3A_20 = vector.load %arg3[%get3A_18, %get3A_19] : memref<1x256xf32, #tpu.memory_space<vmem>>, vector<1x256xf32>
    %add3A_21 = vector.broadcast %get3A_20 : vector<1x256xf32> to vector<128x256xf32>
    %add3A_22 = arith.addf %add3A, %add3A_21 : vector<128x256xf32>
    %swap3A = arith.constant 0 : index
    %swap3A_23 = arith.constant 0 : index
    %swap3A_24 = vector.load %arg4[%swap3A, %swap3A_23] : memref<128x256xf32, #tpu.memory_space<vmem>>, vector<128x256xf32>
    tpu.vector_store %arg4[%swap3A, %swap3A_23], %add3A_22 {strides = array<i32>} : memref<128x256xf32, #tpu.memory_space<vmem>>, vector<128x256xf32>,
    return
  }
}

</mosaic_0001>

<sc_bundles>
// kernel: kernel.4.cloned.1.call-start
scs
__scs_entry_jumppad:
0x0: {  	(pc) =	sbr.rel $0x88, $3  }
0x1: {  	(tag) =	ssettag $0x0;
	lr =	simm.s32 $0x1  }
0x2: {  	[smem:$0x3F9B] =	sst lr;
	_ =	strace $0xD0000000  }
0x3: {  	_ = 	snop  }
0x4: {  	_ = 	snop  }
0x5: {  	_ = 	snop  }
0x6: {  	_ = 	snop  }
0x7: {  	_ = 	snop  }
__scs_overlays_trampoline_lowered:
0x8: {  	[smem:$0x3FAA] =	sst s0  }
0x9: {  	[smem:$0x3FAB] =	sst s1  }
0xa: {  	[smem:$0x3FAC] =	sst s2  }
0xb: {  	[smem:$0x3FAD] =	sst s3  }
0xc: {  	[smem:$0x3FAE] =	sst s4  }
0xd: {  	[smem:$0x3FAF] =	sst s5  }
0xe: {  	[smem:$0x3FB0] =	sst s6  }
0xf: {  	[smem:$0x3FB1] =	sst s7  }
0x10: {  	[smem:$0x3FB2] =	sst s8  }
0x11: {  	[smem:$0x3FB3] =	sst s9;
	s0 =	simm.s32 @!p0 $0x0  }
0x12: {  	s1 =	sld [smem:$0x3F99];
	s0 =	simm.s32 @p0 $0x1  }
0x13: {  	[smem:$0x3FB4] =	sst s0;
	s0 =	simm.s32 @!p1 $0x0  }
0x14: {  	s2 =	sld [smem:$0x3F98];
	s0 =	simm.s32 @p1 $0x1  }
0x15: {  	[smem:$0x3FB5] =	sst s0;
	s0 =	simm.s32 @!p2 $0x0  }
0x16: {  	s3 =	sld [smem:$0x3FDB];
	s0 =	simm.s32 @p2 $0x1  }
0x17: {  	s4 =	simm.s32 $0x1BF5;
	[smem:$0x3FB7] =	sst s0  }
0x18: {  	s0 =	sld [smem:$0x3F9A];
	_ =	swait.ge [sflag:s4], $0x0  }
0x19: {  	s7 =	sld [smem:$0x3F9B]  }
0x1a: {  	s8 =	sadd.s32 $0xFFFFE003, lr  }
0x1b: {  	s9 =	sadd.s32 $0xFFFFFEF7, lr;
	s5 =	simm.s32 $0xFFFFFFFF;
	p2 =	slt.u32 s8, $0xFFFFF086  }
0x1c: {  	p1 =	slt.u32 s9, $0xF7A;
	s5 =	simm.s32 @!p2 $0x0  }
0x1d: {  	s5 =	simm.s32 @p1 $0x1;
	p0 =	seq.s32 s7, s2  }
0x1e: {  	s7 =	smul.u32 @!p0 $0xF7A, s2;
	p2 =	seq.s32 @!p0 s5, $0x0  }
0x1f: {  	s9 =	smul.u32 $0xF7A, s1;
	s8 =	simm.s32 @!p0 $0x1BF5;
	p2 =	por !p2, p0  }
0x20: {  	[sflag:s8] =	ssyncset.s32 @!p0 $0xFFFFF086;
	s6 =	sadd.s32 @!p0 s3, s7;
	s7 =	simm.s32 @!p0 $0x108  }
0x21: {  	s3 =	sadd.s32 s3, s9;
	s6 =	sadd.s32 @!p0 $0x88, s6;
	s7 =	simm.s32 @p2 $0x1082  }
0x22: {  	[simem:s7], [sflag:s8] =	dma.local @!p0 [hbm:s6], $0xF7A  }
0x23: {  	s9 =	sor.u32 $0xD0000000, s2;
	s6 =	simm.s32 $0x108;
	_ =	swait.ge @!p0 [sflag:s8], $0x0  }
0x24: {  	s3 =	sadd.s32 $0x88, s3;
	s6 =	simm.s32 @!p1 $0x1082;
	[sflag:s4] =	ssyncset.s32 $0xFFFFF086  }
0x25: {  	[simem:s6], [sflag:s4] =	dma.local [hbm:s3], $0xF7A  }
0x26: {  	[smem:$0x3F9B] =	sst s1;
	(tag) =	ssettag s2;
	_ =	strace s9  }
0x27: {  	s1 =	sld [smem:$0x3FAB]  }
0x28: {  	s2 =	sld [smem:$0x3FAC]  }
0x29: {  	s4 =	sld [smem:$0x3FAE]  }
0x2a: {  	p0 =	seq.s32 s5, $0x0;
	s5 =	sld [smem:$0x3FAF]  }
0x2b: {  	s6 =	sld [smem:$0x3FB0]  }
0x2c: {  	s7 =	sld [smem:$0x3FB1]  }
0x2d: {  	s3 =	simm.s32 $0x108;
	s8 =	sld [smem:$0x3FB2]  }
0x2e: {  	s3 =	simm.s32 @!p0 $0x1082;
	s9 =	sld [smem:$0x3FB3]  }
0x2f: {  	lr =	sadd.s32 s0, s3;
	s0 =	sld [smem:$0x3FAA]  }
0x30: {  	s3 =	sld [smem:$0x3FAD]  }
0x31: {  	[smem:$0x3FB6] =	sst s10  }
0x32: {  	s10 =	sld [smem:$0x3FB4];
	_ =	sdelay $0x3  }
0x33: {  	p0 =	seq.s32 s10, $0x1;
	s10 =	sld [smem:$0x3FB6];
	_ =	sdelay $0x3  }
0x34: {  	[smem:$0x3FB6] =	sst s10  }
0x35: {  	s10 =	sld [smem:$0x3FB5];
	_ =	sdelay $0x3  }
0x36: {  	p1 =	seq.s32 s10, $0x1;
	s10 =	sld [smem:$0x3FB6];
	_ =	sdelay $0x3  }
0x37: {  	[smem:$0x3FB6] =	sst s10  }
0x38: {  	s10 =	sld [smem:$0x3FB7]  }
0x39: {  	_ = 	snop;
	(pc) =	sbr.ind lr, $3  }
0x3a: {  	_ = 	snop  }
0x3b: {  	_ = 	snop  }
0x3c: {  	p2 =	seq.s32 s10, $0x1;
	s10 =	sld [smem:$0x3FB6]  }
0x3d: {  	_ =	shalt  }
0x3e: {  	_ =	shalt  }
0x3f: {  	_ =	shalt  }
0x40: {  	_ =	shalt  }
0x41: {  	_ =	shalt  }
0x42: {  	_ =	shalt  }
0x43: {  	_ =	shalt  }
0x44: {  	_ =	shalt  }
0x45: {  	_ =	shalt  }
0x46: {  	_ =	shalt  }
0x47: {  	_ =	shalt  }
0x48: {  	_ =	shalt  }
0x49: {  	_ =	shalt  }
0x4a: {  	_ =	shalt  }
0x4b: {  	_ =	shalt  }
0x4c: {  	_ =	shalt  }
0x4d: {  	_ =	shalt  }
0x4e: {  	_ =	shalt  }
0x4f: {  	_ =	shalt  }
0x50: {  	_ =	shalt  }
0x51: {  	_ =	shalt  }
0x52: {  	_ =	shalt  }
0x53: {  	_ =	shalt  }
0x54: {  	_ =	shalt  }
0x55: {  	_ =	shalt  }
0x56: {  	_ =	shalt  }
0x57: {  	_ =	shalt  }
0x58: {  	_ =	shalt  }
0x59: {  	_ =	shalt  }
0x5a: {  	_ =	shalt  }
0x5b: {  	_ =	shalt  }
0x5c: {  	_ =	shalt  }
0x5d: {  	_ =	shalt  }
0x5e: {  	_ =	shalt  }
0x5f: {  	_ =	shalt  }
0x60: {  	_ =	shalt  }
0x61: {  	_ =	shalt  }
0x62: {  	_ =	shalt  }
0x63: {  	_ =	shalt  }
0x64: {  	_ =	shalt  }
0x65: {  	_ =	shalt  }
0x66: {  	_ =	shalt  }
0x67: {  	_ =	shalt  }
0x68: {  	_ =	shalt  }
0x69: {  	_ =	shalt  }
0x6a: {  	_ =	shalt  }
0x6b: {  	_ =	shalt  }
0x6c: {  	_ =	shalt  }
0x6d: {  	_ =	shalt  }
0x6e: {  	_ =	shalt  }
0x6f: {  	_ =	shalt  }
0x70: {  	_ =	shalt  }
0x71: {  	_ =	shalt  }
0x72: {  	_ =	shalt  }
0x73: {  	_ =	shalt  }
0x74: {  	_ =	shalt  }
0x75: {  	_ =	shalt  }
0x76: {  	_ =	shalt  }
0x77: {  	_ =	shalt  }
0x78: {  	_ =	shalt  }
0x79: {  	_ =	shalt  }
0x7a: {  	_ =	shalt  }
0x7b: {  	_ =	shalt  }
0x7c: {  	_ =	shalt  }
0x7d: {  	_ =	shalt  }
0x7e: {  	_ =	shalt  }
0x7f: {  	_ =	shalt  }
0x80: {  	_ =	shalt  }
0x81: {  	_ =	shalt  }
0x82: {  	_ =	shalt  }
0x83: {  	_ =	shalt  }
0x84: {  	_ =	shalt  }
0x85: {  	_ =	shalt  }
0x86: {  	_ =	shalt  }
0x87: {  	_ =	shalt  }
.Lfunc_end0:
.L_simem_size_0:
called_computation_lowered:
.L_overlay_start_0:
0x88: {  	s2 =	sld [smem:$0x3FD9]  }
0x89: {  	s3 =	sld [smem:$0x3FFE];
	_ =	sdelay $0x1  }
0x8a: {  	s1 =	srdreg.scid  }
0x8b: {  	s0 =	sand.u32 $0x1, s1  }
0x8c: {  	s17 =	sshll.u32 s0, $0xA;
	s2 =	sadd.s32 s3, s2  }
0x8d: {  	s2 =	sadd.s32 s2, s17  }
0x8e: {  	[smem:$0x3FC2] =	sst s2  }
0x8f: {  	_ = 	snop  }
0x90: {  	s2 =	sld [smem:$0x3FC9]  }
0x91: {  	s18 =	sld [smem:$0x3FC8]  }
0x92: {  	s4 =	sld [smem:$0x3FD0];
	(tm) =	ssettm $0x1  }
0x93: {  	s5 =	sld [smem:$0x3FFB];
	_ =	sdelay $0x3  }
0x94: {  	_ =	strace s5  }
0x95: {  	s5 =	sld [smem:$0x3FFC];
	_ =	sdelay $0x3  }
0x96: {  	_ =	strace s5  }
0x97: {  	s5 =	sld [smem:$0x3FFD];
	_ =	sdelay $0x3  }
0x98: {  	_ =	strace s5  }
0x99: {  	_ =	strace $0x8FFFFFFF  }
0x9a: {  	s19 =	sld [smem:$0x3FDB];
	_ =	sdelay $0x1  }
0x9b: {  	s6 =	simm.s32 $_scs_section_size  }
0x9c: {  	s7 =	simm.s32 $_size__tile_overlayer_lowered;
	s8 =	simm.s32 $_tile_overlayer_lowered  }
0x9d: {  	s22 =	simm.s32 $0x1BFF;
	s21 =	sshll.u32 s8, $0x1;
	s5 =	sadd.s32 s6, s19  }
0x9e: {  	s9 =	simm.s32 $0x0;
	s20 =	sshll.u32 s7, $0x1;
	s7 =	sadd.s32 s21, s5  }
0x9f: {  	[timem:s9], [sflag:s22] =	dma.local [hbm:s7], s20  }
0xa0: {  	_ =	swait.ge [sflag:s22], s20  }
0xa1: {  	s6 =	ssub.s32 $0x0, s20;
	[sflag:s22] =	ssyncset.done $0x0  }
0xa2: {  	[sflag:s22] =	ssyncadd.s32 s6;
	_ =	sdelay $0x1  }
0xa3: {  	s23 =	simm.s32 $0x1B8B  }
0xa4: {  	_ =	swait.ge [sflag:s23], $0x1  }
0xa5: {  	[sflag:s23] =	ssyncset.done $0x0  }
0xa6: {  	s25 =	simm.s32 $0x1B8E;
	s24 =	sld [smem:$0x3FFE];
	[sflag:s23] =	ssyncadd.s32 $0xFFFFFFFF  }
0xa7: {  	s26 =	simm.s32 $execute0_lowered;
	[smem:$0x3FD2] =	sst s25  }
0xa8: {  	s7 =	sshll.u32 s26, $0x1;
	_ =	strace $0x80000046;
	[dreg:$0x1] =	wrdreg $0xFFFFFFFF  }
0xa9: {  	s28 =	simm.s32 $_size_execute0_lowered;
	s5 =	sadd.s32 s5, s7;
	[dreg:$0x0] =	wrdreg $0x0  }
0xaa: {  	s7 =	sshll.u32 s28, $0x1;
	[dreg:$0x2] =	wrdreg s5  }
0xab: {  	[dreg:$0x3] =	wrdreg s7  }
0xac: {  	[dreg:$0x4] =	wrdreg $0xC0  }
0xad: {  	_ =	task [dreg:s9], $0x5FFFF  }
0xae: {  	[dreg:$0x1] =	wrdreg $0xFFFFFFFF  }
0xaf: {  	[dreg:$0x0] =	wrdreg $0x60  }
0xb0: {  	[dreg:$0x2] =	wrdreg s2  }
0xb1: {  	[dreg:$0x3] =	wrdreg s18  }
0xb2: {  	[dreg:$0x4] =	wrdreg s4  }
0xb3: {  	[dreg:$0x5] =	wrdreg s24  }
0xb4: {  	[dreg:$0x6] =	wrdreg $0x9  }
0xb5: {  	_ =	task.clear_ibuf [dreg:s9], $0x7FFFF;
	_ =	strace $0x90000046  }
0xb6: {  	s29 =	simm.s32 $0x9;
	_ =	strace $0x80000048  }
0xb7: {  	_ =	swait.ge [sflag:s29], $0x1  }
0xb8: {  	[sflag:s29] =	ssyncadd.s32 $0xFFFFFFFF  }
0xb9: {  	_ =	strace $0x90000048  }
0xba: {  	_ =	sfence  }
0xbb: {  	s30 =	sld [smem:$0x0];
	_ =	sdelay $0x2  }
0xbc: {  	s31 =	sshll.u32 s1, $0xD;
	s1 =	sshrl.u32 s1, $0x2  }
0xbd: {  	s3 =	sand.u32 $0x4000, s31;
	s1 =	sadd.s32 s1, s30  }
0xbe: {  	s0 =	sor.u32 s3, s0;
	s1 =	sshll.u32 s1, $0x11  }
0xbf: {  	s0 =	sor.u32 s1, s0  }
0xc0: {  	s0 =	sadd.s32 $0x8F2B, s0  }
0xc1: {  	[sflag:s0] =	ssyncadd.remote.s32 $0x1  }
0xc2: {  	_ =	sfence.sel $0xFFFF  }
0xc3: {  	[dreg:$0x0] =	wrdreg $0xFFFFFFFF;
	(pc) =	sbr.abs _section_cstart, $3  }
0xc4: {  	[dreg:$0x1] =	wrdreg $0xFFFFFFFF  }
0xc5: {  	_ =	task.clear_ibuf [dreg:s9], $0x2FFFF;
	_ =	strace $0x9FFFFFFF  }
0xc6: {  	(tm) =	ssettm $0x7FFFFFFF  }
0xc7: {  	_ =	shalt  }
tec
execute0_lowered:
.L_overlay_start_1:
0x0: {  	(tag) =	ssettag $0x1  }
0x1: {  	s1 =	rddreg [dreg:$0x0]  }
0x2: {  	s0 =	rddreg [dreg:$0x1];
	s2 =	srdreg.scid  }
0x3: {  	s13 =	stileid.u32;
	s3 =	rddreg [dreg:$0x3]  }
0x4: {  	s4 =	simm.s32 $0x0;
	s11 =	simm.s32 $0x5E0;
	s12 =	smul.u32 $0x186, s13  }
0x5: {  	s30 =	simm.s32 $0x2;
	s2 =	sand.u32 $0x1, s2;
	s28 =	smul.u32 $0x30C0, s13  }
0x6: {  	s5 =	sshll.u32 s13, $0x1;
	[smem:$0x7FF] =	sst s4;
	s24 =	smul.u32 $0xC3, s2  }
0x7: {  	s5 =	sor.u32 s2, s5;
	s7 =	ssub.s32 $0x2, s2;
	s2 =	smul.u32 $0x1860, s2  }
0x8: {  	p0 =	slt.u32 s13, $0x5;
	_ =	strace $0x80000047;
	s6 =	smul.u32 $0xC3, s5  }
0x9: {  	s8 =	smin.u32 s5, $0xA;
	s5 =	sshll.u32 s5, $0xC;
	s9 =	sshrl.u32 s7, $0x1  }
0xa: {  	s11 =	simm.s32 @!p0 $0x5D8;
	s3 =	sadd.s32 s5, s3;
	s9 =	ssub.s32 s7, s9  }
0xb: {  	s12 =	sadd.s32 s12, s8;
	s2 =	sadd.s32 s2, s28;
	s13 =	sshll.u32 s8, $0x5  }
0xc: {  	s6 =	sadd.s32 s8, s6;
	s25 =	sadd.s32 $0xE00, s3;
	s3 =	sadd.s32 $0x20E00, s3  }
0xd: {  	s9 =	smax.u32 s9, $0x1;
	s2 =	sadd.s32 s13, s2;
	[dreg:$0x8] =	wrdreg s25  }
0xe: {  	s5 =	sshll.u32 s6, $0x3;
	s6 =	sshll.u32 s6, $0x8;
	[dreg:$0xa] =	wrdreg s3  }
0xf: {  	[dreg:$0xb] =	wrdreg s9;
	s25 =	sadd.s32 $0xFFFFFA40, s11;
	s10 =	smin.u32 s5, $0xBCF8  }
0x10: {  	s6 =	sadd.s32 s1, s6;
	[dreg:$0x13] =	wrdreg s25;
	s23 =	sshrl.u32 s10, $0x3  }
0x11: {  	s8 =	simm.s32 $0x3;
	[dreg:$0x7] =	wrdreg s6;
	s0 =	sadd.s32 s0, s23  }
0x12: {  	s10 =	ssub.s32 s5, s10;
	[dreg:$0x5] =	wrdreg s0;
	s0 =	sadd.s32 s24, s12  }
0x13: {  	s7 =	sadd.s32 s5, s11;
	[dreg:$0x6] =	wrdreg s10;
	s14 =	sshll.u32 s0, $0x3  }
0x14: {  	s6 =	simm.s32 $0x0;
	s17 =	sshll.u32 s0, $0xA;
	[dreg:$0x9] =	wrdreg s14  }
0x15: {  	s10 =	sadd.s32 $0x80, s5;
	s19 =	sshll.u32 s0, $0xB;
	[dreg:$0xe] =	wrdreg s17  }
0x16: {  	s24 =	sshll.u32 s11, $0x8;
	s29 =	sadd.s32 $0xFFFFFFFF, s14;
	[dreg:$0xf] =	wrdreg s19  }
0x17: {  	s12 =	sshll.u32 s0, $0x5;
	s21 =	sadd.s32 $0x3F, s14;
	[dreg:$0xc] =	wrdreg s29  }
0x18: {  	s26 =	smin.u32 s14, $0xBCF8;
	s28 =	sadd.s32 $0x40, s14;
	[dreg:$0x10] =	wrdreg s21  }
0x19: {  	s3 =	sshll.u32 s26, $0x2;
	s26 =	ssub.s32 $0x60000, s24;
	[dreg:$0x16] =	wrdreg s28  }
0x1a: {  	s29 =	sadd.s32 $0x2000, s17;
	s31 =	ssub.s32 s12, s3;
	[dreg:$0x15] =	wrdreg s26  }
0x1b: {  	s2 =	ssub.s32 s2, s3;
	[dreg:$0x17] =	wrdreg s29;
	s12 =	sshra.s32 s31, $0x2  }
0x1c: {  	s18 =	sadd.s32 $0x100, s31;
	s2 =	sadd.s32 $0x1800, s2;
	s31 =	sadd.s32 $0x4000, s19  }
0x1d: {  	s15 =	sadd.s32 $0x8000, s12;
	s20 =	sshra.s32 s18, $0x2;
	[dreg:$0x18] =	wrdreg s31  }
0x1e: {  	s22 =	sshra.s32 s2, $0x2;
	[dreg:$0xd] =	wrdreg s15;
	s0 =	sadd.s32 $0x8000, s20  }
0x1f: {  	s23 =	sshll.u32 s11, $0x7;
	[dreg:$0x11] =	wrdreg s0;
	s0 =	sadd.s32 $0x8000, s22  }
0x20: {  	s16 =	sadd.s32 s14, s11;
	[dreg:$0x12] =	wrdreg s0;
	s0 =	ssub.s32 $0x30000, s23  }
0x21: {  	v0 =	vimm.f32 $0.0e+00;
	v1 =	vimm.f32 $-Inf;
	s3 =	simm.s32 $0x1;
	[dreg:$0x14] =	wrdreg s0;
	s0 =	simm.s32 $0x4000  }
.LBB2_1:
0x22: {  	[dreg:$0x19] =	wrdreg s6  }
0x23: {  	s2 =	rddreg [dreg:$0x2];
	s28 =	simm.s32 $0x8680  }
0x24: {  	[tilespmem:s28], [sflag:$0x3] =	stream.linear.gather [hbm4b:s2+s4], $0x180, $0x38;
	[tilespmem:$0x18800] =	vst v63  }
0x25: {  	_ =	swait.ge [sflag:s8], $0x180  }
0x26: {  	[sflag:s8] =	ssyncset.done $0x0  }
0x27: {  	s31 =	simm.s32 $0x8000;
	s29 =	rddreg [dreg:$0x5];
	[sflag:s8] =	ssyncadd.s32 $0xFFFFFE80  }
0x28: {  	[tilespmem:s31], [sflag:$0x3] =	stream.linear.gather [hbm4b:s29+s4], $0x658, $0x38;
	[tilespmem:$0x18800] =	vst v63  }
0x29: {  	_ =	swait.ge [sflag:s8], $0x658  }
0x2a: {  	[sflag:s8] =	ssyncset.done $0x0  }
0x2b: {  	[sflag:s8] =	ssyncadd.s32 $0xFFFFF9A8  }
0x2c: {  	s6 =	simm.s32 $0x40;
	s8 =	simm.s32 $0x0;
	v2 =	vld [tilespmem:$0x8780]  }
.LBB2_2:
0x2d: {  	p0 =	sne.s32 s6, $0x1FFC0;
	[tilespmem:s8+$0x8800] =	vst v0;
	s9 =	smov.u32 s6;
	s6 =	sadd.s32 $0x40, s6  }
.Ltmp0:
0x2e: {  	[tilespmem:s8+$0x10800] =	vst v1;
	(pc) =	sbr.rel @p0 .LBB2_2-.Ltmp0, $2  }
0x2f: {  	_ =	sdelay $0x2  }
0x30: {  	s8 =	sshra.s32 s9, $0x2  }
0x31: {  	[tilespmem:s8+$0x8800] =	vst v0  }
0x32: {  	[tilespmem:s8+$0x10800] =	vst v1;
	s2 =	rddreg [dreg:$0x6]  }
0x33: {  	v3 =	vld [tilespmem:s2+$0x8000];
	_ =	sdelay $0x4  }
0x34: {  	(v2sf) =	vpush v3, $0x0;
	_ =	sdelay $0x3  }
0x35: {  	s31 =	rddreg [dreg:$0x7]  }
0x36: {  	v19 =	vimm.f32 $0.0e+00;
	v4 =	vimm.f32 $-Inf;
	s29 =	rddreg [dreg:$0x18]  }
0x37: {  	v5 =	vimm.f32 $-Inf;
	v6 =	vimm.f32 $-Inf;
	v7 =	vimm.f32 $-Inf;
	s28 =	rddreg [dreg:$0x17]  }
0x38: {  	v8 =	vimm.f32 $-Inf;
	v9 =	vimm.f32 $-Inf;
	v10 =	vimm.f32 $-Inf;
	s21 =	rddreg [dreg:$0x11]  }
0x39: {  	v11 =	vimm.f32 $-Inf;
	v12 =	vimm.f32 $-Inf;
	v13 =	vimm.f32 $-Inf;
	s26 =	rddreg [dreg:$0x16]  }
0x3a: {  	v14 =	vimm.f32 $-Inf;
	v15 =	vimm.f32 $-Inf;
	v16 =	vimm.f32 $-Inf;
	s20 =	rddreg [dreg:$0x10]  }
0x3b: {  	v17 =	vimm.f32 $-Inf;
	v18 =	vimm.f32 $-Inf;
	v30 =	vimm.f32 $0.0e+00;
	s19 =	rddreg [dreg:$0xf]  }
.Ltmp1:
0x3c: {  	v25 =	vimm.f32 $0.0e+00;
	v29 =	vimm.f32 $0.0e+00;
	v22 =	vimm.f32 $0.0e+00;
	s18 =	rddreg [dreg:$0xe];
	(pc) =	sbr.rel .LBB2_4-.Ltmp1, $4  }
0x3d: {  	v20 =	vimm.f32 $0.0e+00;
	v21 =	vimm.f32 $0.0e+00;
	v28 =	vimm.f32 $0.0e+00;
	s17 =	rddreg [dreg:$0xd]  }
0x3e: {  	s8 =	simm.s32 $0x0;
	v27 =	vimm.f32 $0.0e+00;
	v31 =	vimm.f32 $0.0e+00;
	v26 =	vimm.f32 $0.0e+00;
	s12 =	rddreg [dreg:$0x9]  }
0x3f: {  	v24 =	vimm.f32 $0.0e+00;
	v23 =	vimm.f32 $0.0e+00;
	v33 =	vimm.f32 $0.0e+00;
	[tilespmem:s8], [sflag:$0x1] =	stream.linear.gather [hbm4b:s31+s8], $0x4000, $0x38;
	[tilespmem:$0x18800] =	vst v63  }
0x40: {  	s23 =	rddreg [dreg:$0xc];
	v32 =	vimm.f32 $0.0e+00;
	v34 =	vimm.f32 $0.0e+00;
	v3 =	vimm.f32 $-Inf;
	s22 =	spop (v2sf)  }
.LBB2_10:
0x41: {  	s8 =	sadd.s32 $0x1, s8  }
0x42: {  	p0 =	sne.s32 s8, $0xC  }
.Ltmp2:
0x43: {  	_ = 	snop;
	(pc) =	sbr.rel @!p0 .LBB2_11-.Ltmp2, $4  }
0x44: {  	s23 =	sadd.s32 $0x80, s23  }
0x45: {  	s12 =	sadd.s32 $0x80, s12;
	s17 =	sadd.s32 $0x80, s17;
	s18 =	sadd.s32 $0x4000, s18  }
0x46: {  	s19 =	sadd.s32 $0x8000, s19;
	s20 =	sadd.s32 $0x80, s20;
	s26 =	sadd.s32 $0x80, s26  }
0x47: {  	s21 =	sadd.s32 $0x80, s21;
	s28 =	sadd.s32 $0x4000, s28;
	s29 =	sadd.s32 $0x8000, s29  }
.LBB2_4:
0x48: {  	s14 =	sshll.u32 s8, $0x7  }
0x49: {  	s9 =	sadd.s32 s5, s14  }
0x4a: {  	s24 =	sadd.s32 $0x40, s9;
	s9 =	smax.u32 s9, s7  }
0x4b: {  	s25 =	smin.u32 s24, s7;
	s9 =	ssub.s32 s9, s7  }
0x4c: {  	s11 =	sshll.u32 s25, $0x5;
	p0 =	sgt.s32 s9, $0x3F  }
.Ltmp3:
0x4d: {  	s11 =	sadd.s32 s1, s11;
	(pc) =	sbr.rel @p0 .LBB2_7-.Ltmp3, $4  }
0x4e: {  	[tilespmem:s0], [sflag:$0x2] =	stream.linear.gather [hbm4b:s11+s4], $0x4000, $0x38;
	[tilespmem:$0x18800] =	vst v63  }
0x4f: {  	_ =	swait.ge [sflag:s3], $0x4000  }
0x50: {  	[sflag:s3] =	ssyncset.done $0x0  }
0x51: {  	[sflag:s3] =	ssyncadd.s32 $0xFFFFC000  }
0x52: {  	p0 =	slt.s32 s12, s16;
	s9 =	smov.u32 s16  }
0x53: {  	s9 =	smov.u32 @p0 s12  }
0x54: {  	s13 =	sshll.u32 s9, $0x7;
	s15 =	sshll.u32 s9, $0x8;
	s11 =	ssub.s32 s23, s9  }
0x55: {  	s9 =	ssub.s32 s18, s13;
	s15 =	ssub.s32 s19, s15;
	s13 =	smov.u32 s17  }
.LBB2_6:
0x56: {  	v35 =	vld [tilespmem:s13+$0x0];
	_ =	sdelay $0x4  }
0x57: {  	(v2sf) =	vpush v35, $0x0;
	_ =	sdelay $0xe  }
0x58: {  	s6 =	smov.u32 s22;
	s22 =	spop (v2sf)  }
0x59: {  	p0 =	seq.s32 s22, s6  }
0x5a: {  	s6 =	sshll.u32 @!p0 s6, $0x8  }
0x5b: {  	[tilespmem:s6+$0x8800] =	vst @!p0 v34  }
0x5c: {  	[tilespmem:s6+$0x10800] =	vst @!p0 v18  }
0x5d: {  	[tilespmem:s6+$0x8810] =	vst @!p0 v32  }
0x5e: {  	[tilespmem:s6+$0x10810] =	vst @!p0 v17  }
0x5f: {  	[tilespmem:s6+$0x8820] =	vst @!p0 v33  }
0x60: {  	[tilespmem:s6+$0x10820] =	vst @!p0 v16  }
0x61: {  	[tilespmem:s6+$0x8830] =	vst @!p0 v23  }
0x62: {  	[tilespmem:s6+$0x10830] =	vst @!p0 v15  }
0x63: {  	[tilespmem:s6+$0x8840] =	vst @!p0 v24  }
0x64: {  	[tilespmem:s6+$0x10840] =	vst @!p0 v14  }
0x65: {  	[tilespmem:s6+$0x8850] =	vst @!p0 v26  }
0x66: {  	[tilespmem:s6+$0x10850] =	vst @!p0 v13  }
0x67: {  	[tilespmem:s6+$0x8860] =	vst @!p0 v31  }
0x68: {  	[tilespmem:s6+$0x10860] =	vst @!p0 v12  }
0x69: {  	[tilespmem:s6+$0x8870] =	vst @!p0 v27  }
0x6a: {  	[tilespmem:s6+$0x10870] =	vst @!p0 v11  }
0x6b: {  	[tilespmem:s6+$0x8880] =	vst @!p0 v28  }
0x6c: {  	[tilespmem:s6+$0x10880] =	vst @!p0 v10  }
0x6d: {  	[tilespmem:s6+$0x8890] =	vst @!p0 v21  }
0x6e: {  	[tilespmem:s6+$0x10890] =	vst @!p0 v9  }
0x6f: {  	[tilespmem:s6+$0x88A0] =	vst @!p0 v20  }
0x70: {  	[tilespmem:s6+$0x108A0] =	vst @!p0 v8  }
0x71: {  	[tilespmem:s6+$0x88B0] =	vst @!p0 v22  }
0x72: {  	[tilespmem:s6+$0x108B0] =	vst @!p0 v7  }
0x73: {  	[tilespmem:s6+$0x88C0] =	vst @!p0 v29  }
0x74: {  	[tilespmem:s6+$0x108C0] =	vst @!p0 v6  }
0x75: {  	[tilespmem:s6+$0x88D0] =	vst @!p0 v25  }
0x76: {  	[tilespmem:s6+$0x108D0] =	vst @!p0 v5  }
0x77: {  	[tilespmem:s6+$0x88E0] =	vst @!p0 v30  }
0x78: {  	[tilespmem:s6+$0x108E0] =	vst @!p0 v3  }
0x79: {  	s31 =	sand.u32 $0xFFFFF800, s15;
	s2 =	sand.u32 $0x380, s9;
	[tilespmem:s6+$0x88F0] =	vst @!p0 v19  }
0x7a: {  	s2 =	sor.u32 s2, s31;
	[tilespmem:s6+$0x108F0] =	vst @!p0 v4  }
0x7b: {  	v35 =	vld [tilespmem:s2+$0x0]  }
0x7c: {  	v36 =	vld [tilespmem:$0x8680]  }
0x7d: {  	v37 =	vld [tilespmem:s2+$0x10]  }
0x7e: {  	v38 =	vld [tilespmem:$0x8690]  }
0x7f: {  	v39 =	vld [tilespmem:s2+$0x20]  }
0x80: {  	v40 =	vld [tilespmem:$0x86A0]  }
0x81: {  	v41 =	vld [tilespmem:s2+$0x30];
	v36 =	vmul.f32 v36, v35  }
0x82: {  	v42 =	vld [tilespmem:$0x86B0]  }
0x83: {  	v43 =	vld [tilespmem:s2+$0x40];
	v38 =	vmul.f32 v38, v37;
	v36 =	vadd.f32 $0.0e+00, v36  }
0x84: {  	v44 =	vld [tilespmem:$0x86C0]  }
0x85: {  	v45 =	vld [tilespmem:$0x86D0];
	v53 =	vmul.f32 v40, v39;
	v36 =	vadd.f32 v38, v36  }
0x86: {  	v40 =	vld [tilespmem:s2+$0x50]  }
0x87: {  	v46 =	vld [tilespmem:$0x86E0];
	v54 =	vmul.f32 v42, v41;
	v36 =	vadd.f32 v53, v36  }
0x88: {  	v42 =	vld [tilespmem:s2+$0x60]  }
0x89: {  	v47 =	vld [tilespmem:$0x86F0];
	v55 =	vmul.f32 v44, v43;
	v36 =	vadd.f32 v54, v36  }
0x8a: {  	v44 =	vld [tilespmem:s2+$0x70]  }
0x8b: {  	v48 =	vld [tilespmem:$0x8700];
	v56 =	vmul.f32 v45, v40;
	v36 =	vadd.f32 v55, v36  }
0x8c: {  	v45 =	vld [tilespmem:s2+$0x400]  }
0x8d: {  	v49 =	vld [tilespmem:$0x8710];
	v57 =	vmul.f32 v46, v42;
	v36 =	vadd.f32 v56, v36  }
0x8e: {  	v46 =	vld [tilespmem:s2+$0x410]  }
0x8f: {  	v50 =	vld [tilespmem:$0x8720];
	v58 =	vmul.f32 v47, v44;
	v36 =	vadd.f32 v57, v36  }
0x90: {  	v47 =	vld [tilespmem:s2+$0x420]  }
0x91: {  	v51 =	vld [tilespmem:$0x8730];
	v59 =	vmul.f32 v48, v45;
	v36 =	vadd.f32 v58, v36  }
0x92: {  	v48 =	vld [tilespmem:s2+$0x430]  }
0x93: {  	v52 =	vld [tilespmem:$0x8740];
	v60 =	vmul.f32 v49, v46;
	v36 =	vadd.f32 v59, v36  }
0x94: {  	v49 =	vld [tilespmem:s2+$0x440]  }
0x95: {  	v53 =	vld [tilespmem:$0x8750];
	v61 =	vmul.f32 v50, v47;
	v36 =	vadd.f32 v60, v36  }
0x96: {  	v50 =	vld [tilespmem:s2+$0x450]  }
0x97: {  	v54 =	vld [tilespmem:$0x8760];
	v62 =	vmul.f32 v51, v48;
	v36 =	vadd.f32 v61, v36  }
0x98: {  	v51 =	vld [tilespmem:s2+$0x460]  }
0x99: {  	v55 =	vld [tilespmem:$0x8770];
	v63 =	vmul.f32 v52, v49;
	v36 =	vadd.f32 v62, v36  }
0x9a: {  	v52 =	vld [tilespmem:s2+$0x470]  }
0x9b: {  	v56 =	vmul.f32 v53, v50;
	v36 =	vadd.f32 v63, v36;
	_ =	sdelay $0x1  }
0x9c: {  	v57 =	vmul.f32 v54, v51;
	v36 =	vadd.f32 v56, v36;
	_ =	sdelay $0x1  }
0x9d: {  	v58 =	vmul.f32 v55, v52;
	v36 =	vadd.f32 v57, v36;
	_ =	sdelay $0x1  }
0x9e: {  	v36 =	vadd.f32 v58, v36;
	_ =	sdelay $0x1  }
0x9f: {  	(xrf2) =	vadd.scan.msk.f32 $0xffff, v36;
	_ =	sdelay $0x9  }
0xa0: {  	v36, _, _ =	vpop (xrf2)  }
0xa1: {  	v36 =	vbroadcast v36, $0xF;
	_ =	sdelay $0x1  }
0xa2: {  	v36 =	vadd.f32 v36, v2;
	_ =	sdelay $0x1  }
0xa3: {  	v36 =	vsub.f32 $0.0e+00, v36;
	_ =	sdelay $0x1  }
0xa4: {  	v36 =	vmul.f32 $1.442695020e+00, v36;
	_ =	sdelay $0x1  }
0xa5: {  	(erf) = vpow2.f32 v36;
	_ =	sdelay $0x6  }
0xa6: {  	v23 =	vpsel !p0, $0x0, v23  }
0xa7: {  	v24 =	vpsel !p0, $0x0, v24;
	v26 =	vpsel !p0, $0x0, v26;
	v31 =	vpsel !p0, $0x0, v31  }
0xa8: {  	v27 =	vpsel !p0, $0x0, v27;
	v28 =	vpsel !p0, $0x0, v28;
	v21 =	vpsel !p0, $0x0, v21;
	v36 =	vpop (erf)  }
0xa9: {  	v20 =	vpsel !p0, $0x0, v20;
	v22 =	vpsel !p0, $0x0, v22;
	v36 =	vadd.f32 $1.000000000e+00, v36  }
0xaa: {  	v29 =	vpsel !p0, $0x0, v29;
	v25 =	vpsel !p0, $0x0, v25;
	v30 =	vpsel !p0, $0x0, v30  }
0xab: {  	v19 =	vpsel !p0, $0x0, v19;
	v18 =	vmax.f32 v18, v35;
	(erf) = vrcp.f32 v36  }
0xac: {  	v17 =	vmax.f32 v17, v37;
	v16 =	vmax.f32 v16, v39;
	v15 =	vmax.f32 v15, v41  }
0xad: {  	v14 =	vmax.f32 v14, v43;
	v18 =	vpsel p0, v18, v35;
	v17 =	vpsel p0, v17, v37  }
0xae: {  	v16 =	vpsel p0, v16, v39;
	v15 =	vpsel p0, v15, v41;
	v14 =	vpsel p0, v14, v43  }
0xaf: {  	v13 =	vmax.f32 v13, v40;
	v12 =	vmax.f32 v12, v42;
	v11 =	vmax.f32 v11, v44  }
0xb0: {  	v13 =	vpsel p0, v13, v40;
	v12 =	vpsel p0, v12, v42;
	v11 =	vpsel p0, v11, v44  }
0xb1: {  	v10 =	vmax.f32 v10, v45;
	v9 =	vmax.f32 v9, v46;
	v8 =	vmax.f32 v8, v47  }
0xb2: {  	v10 =	vpsel p0, v10, v45;
	v9 =	vpsel p0, v9, v46;
	v8 =	vpsel p0, v8, v47  }
0xb3: {  	v7 =	vmax.f32 v7, v48;
	v6 =	vmax.f32 v6, v49;
	v5 =	vmax.f32 v5, v50  }
0xb4: {  	v7 =	vpsel p0, v7, v48;
	v6 =	vpsel p0, v6, v49;
	v5 =	vpsel p0, v5, v50;
	v36 =	vpop (erf)  }
0xb5: {  	v59 =	vpsel !p0, $0x0, v34;
	v60 =	vpsel !p0, $0x0, v32;
	v35 =	vmul.f32 v36, v35  }
0xb6: {  	v3 =	vmax.f32 v3, v51;
	v37 =	vmul.f32 v36, v37;
	v62 =	vmul.f32 v36, v39  }
0xb7: {  	v4 =	vmax.f32 v4, v52;
	v63 =	vmul.f32 v36, v41;
	v53 =	vmul.f32 v36, v43  }
0xb8: {  	v61 =	vpsel !p0, $0x0, v33;
	v54 =	vmul.f32 v36, v40;
	v55 =	vmul.f32 v36, v42  }
0xb9: {  	v56 =	vmul.f32 v36, v44;
	v34 =	vadd.f32 v35, v59;
	v32 =	vadd.f32 v37, v60  }
0xba: {  	v57 =	vmul.f32 v36, v45;
	v33 =	vadd.f32 v62, v61;
	v23 =	vadd.f32 v63, v23  }
0xbb: {  	s11 =	sadd.s32 $0x1, s11;
	v58 =	vmul.f32 v36, v46;
	v24 =	vadd.f32 v53, v24;
	v26 =	vadd.f32 v54, v26  }
0xbc: {  	p1 =	slt.u32 s11, $0x3F;
	v31 =	vadd.f32 v55, v31;
	v27 =	vadd.f32 v56, v27;
	v59 =	vmul.f32 v36, v47  }
.Ltmp4:
0xbd: {  	v28 =	vadd.f32 v57, v28;
	v60 =	vmul.f32 v36, v48;
	v61 =	vmul.f32 v36, v49;
	(pc) =	sbr.rel @p1 .LBB2_6-.Ltmp4, $4  }
0xbe: {  	v21 =	vadd.f32 v58, v21;
	v62 =	vmul.f32 v36, v50;
	v63 =	vmul.f32 v36, v51  }
0xbf: {  	v36 =	vmul.f32 v36, v52;
	v20 =	vadd.f32 v59, v20;
	v22 =	vadd.f32 v60, v22  }
0xc0: {  	v3 =	vpsel p0, v3, v51;
	v29 =	vadd.f32 v61, v29;
	v25 =	vadd.f32 v62, v25  }
0xc1: {  	s13 =	sadd.s32 $0x1, s13;
	s9 =	sadd.s32 $0x80, s9;
	s15 =	sadd.s32 $0x100, s15;
	v4 =	vpsel p0, v4, v52;
	v30 =	vadd.f32 v63, v30;
	v19 =	vadd.f32 v36, v19  }
.LBB2_7:
0xc2: {  	s2 =	sadd.s32 s14, s10  }
0xc3: {  	s31 =	ssub.s32 s24, s25;
	s2 =	smin.u32 s2, s7  }
0xc4: {  	p0 =	sgt.s32 s31, $0x3F;
	s2 =	sshll.u32 s2, $0x5  }
.Ltmp5:
0xc5: {  	s2 =	sadd.s32 s1, s2;
	(pc) =	sbr.rel @p0 .LBB2_10-.Ltmp5, $4  }
0xc6: {  	[tilespmem:s4], [sflag:$0x1] =	stream.linear.gather [hbm4b:s2+s4], $0x4000, $0x38;
	[tilespmem:$0x18800] =	vst v63  }
0xc7: {  	_ =	swait.ge [sflag:s30], $0x4000  }
0xc8: {  	[sflag:s30] =	ssyncset.done $0x0  }
0xc9: {  	[sflag:s30] =	ssyncadd.s32 $0xFFFFC000  }
0xca: {  	p0 =	slt.s32 s26, s16;
	s2 =	smov.u32 s16  }
0xcb: {  	s2 =	smov.u32 @p0 s26  }
0xcc: {  	s6 =	sshll.u32 s2, $0x7;
	s13 =	sshll.u32 s2, $0x8;
	s11 =	ssub.s32 s20, s2  }
0xcd: {  	s9 =	ssub.s32 s28, s6;
	s14 =	ssub.s32 s29, s13;
	s13 =	smov.u32 s21  }
.LBB2_9:
0xce: {  	v35 =	vld [tilespmem:s13+$0x0];
	_ =	sdelay $0x4  }
0xcf: {  	(v2sf) =	vpush v35, $0x0;
	_ =	sdelay $0xe  }
0xd0: {  	s2 =	smov.u32 s22;
	s22 =	spop (v2sf)  }
0xd1: {  	p0 =	seq.s32 s22, s2  }
0xd2: {  	s2 =	sshll.u32 @!p0 s2, $0x8  }
0xd3: {  	[tilespmem:s2+$0x8800] =	vst @!p0 v34  }
0xd4: {  	[tilespmem:s2+$0x10800] =	vst @!p0 v18  }
0xd5: {  	[tilespmem:s2+$0x8810] =	vst @!p0 v32  }
0xd6: {  	[tilespmem:s2+$0x10810] =	vst @!p0 v17  }
0xd7: {  	[tilespmem:s2+$0x8820] =	vst @!p0 v33  }
0xd8: {  	[tilespmem:s2+$0x10820] =	vst @!p0 v16  }
0xd9: {  	[tilespmem:s2+$0x8830] =	vst @!p0 v23  }
0xda: {  	[tilespmem:s2+$0x10830] =	vst @!p0 v15  }
0xdb: {  	[tilespmem:s2+$0x8840] =	vst @!p0 v24  }
0xdc: {  	[tilespmem:s2+$0x10840] =	vst @!p0 v14  }
0xdd: {  	[tilespmem:s2+$0x8850] =	vst @!p0 v26  }
0xde: {  	[tilespmem:s2+$0x10850] =	vst @!p0 v13  }
0xdf: {  	[tilespmem:s2+$0x8860] =	vst @!p0 v31  }
0xe0: {  	[tilespmem:s2+$0x10860] =	vst @!p0 v12  }
0xe1: {  	[tilespmem:s2+$0x8870] =	vst @!p0 v27  }
0xe2: {  	[tilespmem:s2+$0x10870] =	vst @!p0 v11  }
0xe3: {  	[tilespmem:s2+$0x8880] =	vst @!p0 v28  }
0xe4: {  	[tilespmem:s2+$0x10880] =	vst @!p0 v10  }
0xe5: {  	[tilespmem:s2+$0x8890] =	vst @!p0 v21  }
0xe6: {  	[tilespmem:s2+$0x10890] =	vst @!p0 v9  }
0xe7: {  	[tilespmem:s2+$0x88A0] =	vst @!p0 v20  }
0xe8: {  	[tilespmem:s2+$0x108A0] =	vst @!p0 v8  }
0xe9: {  	[tilespmem:s2+$0x88B0] =	vst @!p0 v22  }
0xea: {  	[tilespmem:s2+$0x108B0] =	vst @!p0 v7  }
0xeb: {  	[tilespmem:s2+$0x88C0] =	vst @!p0 v29  }
0xec: {  	[tilespmem:s2+$0x108C0] =	vst @!p0 v6  }
0xed: {  	[tilespmem:s2+$0x88D0] =	vst @!p0 v25  }
0xee: {  	[tilespmem:s2+$0x108D0] =	vst @!p0 v5  }
0xef: {  	[tilespmem:s2+$0x88E0] =	vst @!p0 v30  }
0xf0: {  	[tilespmem:s2+$0x108E0] =	vst @!p0 v3  }
0xf1: {  	s6 =	sand.u32 $0xFFFFF800, s14;
	s15 =	sand.u32 $0x380, s9;
	[tilespmem:s2+$0x88F0] =	vst @!p0 v19  }
0xf2: {  	s31 =	sor.u32 s15, s6;
	[tilespmem:s2+$0x108F0] =	vst @!p0 v4  }
0xf3: {  	v35 =	vld [tilespmem:s31+$0x4000]  }
0xf4: {  	v36 =	vld [tilespmem:$0x8680]  }
0xf5: {  	v37 =	vld [tilespmem:s31+$0x4010]  }
0xf6: {  	v38 =	vld [tilespmem:$0x8690]  }
0xf7: {  	v39 =	vld [tilespmem:s31+$0x4020]  }
0xf8: {  	v40 =	vld [tilespmem:$0x86A0]  }
0xf9: {  	v41 =	vld [tilespmem:s31+$0x4030];
	v36 =	vmul.f32 v36, v35  }
0xfa: {  	v42 =	vld [tilespmem:$0x86B0]  }
0xfb: {  	v43 =	vld [tilespmem:s31+$0x4040];
	v38 =	vmul.f32 v38, v37;
	v36 =	vadd.f32 $0.0e+00, v36  }
0xfc: {  	v44 =	vld [tilespmem:$0x86C0]  }
0xfd: {  	v45 =	vld [tilespmem:$0x86D0];
	v53 =	vmul.f32 v40, v39;
	v36 =	vadd.f32 v38, v36  }
0xfe: {  	v40 =	vld [tilespmem:s31+$0x4050]  }
0xff: {  	v46 =	vld [tilespmem:$0x86E0];
	v54 =	vmul.f32 v42, v41;
	v36 =	vadd.f32 v53, v36  }
0x100: {  	v42 =	vld [tilespmem:s31+$0x4060]  }
0x101: {  	v47 =	vld [tilespmem:$0x86F0];
	v55 =	vmul.f32 v44, v43;
	v36 =	vadd.f32 v54, v36  }
0x102: {  	v44 =	vld [tilespmem:s31+$0x4070]  }
0x103: {  	v48 =	vld [tilespmem:$0x8700];
	v56 =	vmul.f32 v45, v40;
	v36 =	vadd.f32 v55, v36  }
0x104: {  	v45 =	vld [tilespmem:s31+$0x4400]  }
0x105: {  	v49 =	vld [tilespmem:$0x8710];
	v57 =	vmul.f32 v46, v42;
	v36 =	vadd.f32 v56, v36  }
0x106: {  	v46 =	vld [tilespmem:s31+$0x4410]  }
0x107: {  	v50 =	vld [tilespmem:$0x8720];
	v58 =	vmul.f32 v47, v44;
	v36 =	vadd.f32 v57, v36  }
0x108: {  	v47 =	vld [tilespmem:s31+$0x4420]  }
0x109: {  	v51 =	vld [tilespmem:$0x8730];
	v59 =	vmul.f32 v48, v45;
	v36 =	vadd.f32 v58, v36  }
0x10a: {  	v48 =	vld [tilespmem:s31+$0x4430]  }
0x10b: {  	v52 =	vld [tilespmem:$0x8740];
	v60 =	vmul.f32 v49, v46;
	v36 =	vadd.f32 v59, v36  }
0x10c: {  	v49 =	vld [tilespmem:s31+$0x4440]  }
0x10d: {  	v53 =	vld [tilespmem:$0x8750];
	v61 =	vmul.f32 v50, v47;
	v36 =	vadd.f32 v60, v36  }
0x10e: {  	v50 =	vld [tilespmem:s31+$0x4450]  }
0x10f: {  	v54 =	vld [tilespmem:$0x8760];
	v62 =	vmul.f32 v51, v48;
	v36 =	vadd.f32 v61, v36  }
0x110: {  	v51 =	vld [tilespmem:s31+$0x4460]  }
0x111: {  	v55 =	vld [tilespmem:$0x8770];
	v63 =	vmul.f32 v52, v49;
	v36 =	vadd.f32 v62, v36  }
0x112: {  	v52 =	vld [tilespmem:s31+$0x4470]  }
0x113: {  	v56 =	vmul.f32 v53, v50;
	v36 =	vadd.f32 v63, v36;
	_ =	sdelay $0x1  }
0x114: {  	v57 =	vmul.f32 v54, v51;
	v36 =	vadd.f32 v56, v36;
	_ =	sdelay $0x1  }
0x115: {  	v58 =	vmul.f32 v55, v52;
	v36 =	vadd.f32 v57, v36;
	_ =	sdelay $0x1  }
0x116: {  	v36 =	vadd.f32 v58, v36;
	_ =	sdelay $0x1  }
0x117: {  	(xrf2) =	vadd.scan.msk.f32 $0xffff, v36;
	_ =	sdelay $0x9  }
0x118: {  	v36, _, _ =	vpop (xrf2)  }
0x119: {  	v36 =	vbroadcast v36, $0xF;
	_ =	sdelay $0x1  }
0x11a: {  	v36 =	vadd.f32 v36, v2;
	_ =	sdelay $0x1  }
0x11b: {  	v36 =	vsub.f32 $0.0e+00, v36;
	_ =	sdelay $0x1  }
0x11c: {  	v36 =	vmul.f32 $1.442695020e+00, v36;
	_ =	sdelay $0x1  }
0x11d: {  	(erf) = vpow2.f32 v36;
	_ =	sdelay $0x6  }
0x11e: {  	v23 =	vpsel !p0, $0x0, v23  }
0x11f: {  	v24 =	vpsel !p0, $0x0, v24;
	v26 =	vpsel !p0, $0x0, v26;
	v31 =	vpsel !p0, $0x0, v31  }
0x120: {  	v27 =	vpsel !p0, $0x0, v27;
	v28 =	vpsel !p0, $0x0, v28;
	v21 =	vpsel !p0, $0x0, v21;
	v36 =	vpop (erf)  }
0x121: {  	v20 =	vpsel !p0, $0x0, v20;
	v22 =	vpsel !p0, $0x0, v22;
	v36 =	vadd.f32 $1.000000000e+00, v36  }
0x122: {  	v29 =	vpsel !p0, $0x0, v29;
	v25 =	vpsel !p0, $0x0, v25;
	v30 =	vpsel !p0, $0x0, v30  }
0x123: {  	v19 =	vpsel !p0, $0x0, v19;
	v18 =	vmax.f32 v18, v35;
	(erf) = vrcp.f32 v36  }
0x124: {  	v17 =	vmax.f32 v17, v37;
	v16 =	vmax.f32 v16, v39;
	v15 =	vmax.f32 v15, v41  }
0x125: {  	v14 =	vmax.f32 v14, v43;
	v18 =	vpsel p0, v18, v35;
	v17 =	vpsel p0, v17, v37  }
0x126: {  	v16 =	vpsel p0, v16, v39;
	v15 =	vpsel p0, v15, v41;
	v14 =	vpsel p0, v14, v43  }
0x127: {  	v13 =	vmax.f32 v13, v40;
	v12 =	vmax.f32 v12, v42;
	v11 =	vmax.f32 v11, v44  }
0x128: {  	v13 =	vpsel p0, v13, v40;
	v12 =	vpsel p0, v12, v42;
	v11 =	vpsel p0, v11, v44  }
0x129: {  	v10 =	vmax.f32 v10, v45;
	v9 =	vmax.f32 v9, v46;
	v8 =	vmax.f32 v8, v47  }
0x12a: {  	v10 =	vpsel p0, v10, v45;
	v9 =	vpsel p0, v9, v46;
	v8 =	vpsel p0, v8, v47  }
0x12b: {  	v7 =	vmax.f32 v7, v48;
	v6 =	vmax.f32 v6, v49;
	v5 =	vmax.f32 v5, v50  }
0x12c: {  	v7 =	vpsel p0, v7, v48;
	v6 =	vpsel p0, v6, v49;
	v5 =	vpsel p0, v5, v50;
	v36 =	vpop (erf)  }
0x12d: {  	v59 =	vpsel !p0, $0x0, v34;
	v60 =	vpsel !p0, $0x0, v32;
	v35 =	vmul.f32 v36, v35  }
0x12e: {  	v3 =	vmax.f32 v3, v51;
	v37 =	vmul.f32 v36, v37;
	v62 =	vmul.f32 v36, v39  }
0x12f: {  	v4 =	vmax.f32 v4, v52;
	v63 =	vmul.f32 v36, v41;
	v53 =	vmul.f32 v36, v43  }
0x130: {  	v61 =	vpsel !p0, $0x0, v33;
	v54 =	vmul.f32 v36, v40;
	v55 =	vmul.f32 v36, v42  }
0x131: {  	v56 =	vmul.f32 v36, v44;
	v34 =	vadd.f32 v35, v59;
	v32 =	vadd.f32 v37, v60  }
0x132: {  	v57 =	vmul.f32 v36, v45;
	v33 =	vadd.f32 v62, v61;
	v23 =	vadd.f32 v63, v23  }
0x133: {  	s11 =	sadd.s32 $0x1, s11;
	v58 =	vmul.f32 v36, v46;
	v24 =	vadd.f32 v53, v24;
	v26 =	vadd.f32 v54, v26  }
0x134: {  	p1 =	slt.u32 s11, $0x3F;
	v31 =	vadd.f32 v55, v31;
	v27 =	vadd.f32 v56, v27;
	v59 =	vmul.f32 v36, v47  }
.Ltmp6:
0x135: {  	v28 =	vadd.f32 v57, v28;
	v60 =	vmul.f32 v36, v48;
	v61 =	vmul.f32 v36, v49;
	(pc) =	sbr.rel @p1 .LBB2_9-.Ltmp6, $4  }
0x136: {  	v21 =	vadd.f32 v58, v21;
	v62 =	vmul.f32 v36, v50;
	v63 =	vmul.f32 v36, v51  }
0x137: {  	v36 =	vmul.f32 v36, v52;
	v20 =	vadd.f32 v59, v20;
	v22 =	vadd.f32 v60, v22  }
0x138: {  	v3 =	vpsel p0, v3, v51;
	v29 =	vadd.f32 v61, v29;
	v25 =	vadd.f32 v62, v25  }
0x139: {  	s13 =	sadd.s32 $0x1, s13;
	s9 =	sadd.s32 $0x80, s9;
	s14 =	sadd.s32 $0x100, s14;
	v4 =	vpsel p0, v4, v52;
	v30 =	vadd.f32 v63, v30;
	v19 =	vadd.f32 v36, v19  }
.Ltmp7:
0x13a: {  	_ = 	snop;
	(pc) =	sbr.rel .LBB2_10-.Ltmp7, $1  }
0x13b: {  	_ =	sdelay $0x3  }
.LBB2_11:
0x13c: {  	_ =	swait.ge [sflag:s3], $0x4000  }
0x13d: {  	s8 =	rddreg [dreg:$0x15]  }
0x13e: {  	s9 =	rddreg [dreg:$0x14]  }
0x13f: {  	[sflag:s3] =	ssyncset.done $0x0;
	s11 =	rddreg [dreg:$0x13]  }
0x140: {  	s12 =	rddreg [dreg:$0x12];
	[sflag:s3] =	ssyncadd.s32 $0xFFFFC000  }
.LBB2_12:
0x141: {  	v35 =	vld [tilespmem:s12+$0x0];
	_ =	sdelay $0x4  }
0x142: {  	(v2sf) =	vpush v35, $0x0;
	_ =	sdelay $0xe  }
0x143: {  	s2 =	smov.u32 s22;
	s22 =	spop (v2sf)  }
0x144: {  	p0 =	seq.s32 s22, s2  }
0x145: {  	s2 =	sshll.u32 @!p0 s2, $0x8  }
0x146: {  	[tilespmem:s2+$0x8800] =	vst @!p0 v34  }
0x147: {  	[tilespmem:s2+$0x10800] =	vst @!p0 v18  }
0x148: {  	[tilespmem:s2+$0x8810] =	vst @!p0 v32  }
0x149: {  	[tilespmem:s2+$0x10810] =	vst @!p0 v17  }
0x14a: {  	[tilespmem:s2+$0x8820] =	vst @!p0 v33  }
0x14b: {  	[tilespmem:s2+$0x10820] =	vst @!p0 v16  }
0x14c: {  	[tilespmem:s2+$0x8830] =	vst @!p0 v23  }
0x14d: {  	[tilespmem:s2+$0x10830] =	vst @!p0 v15  }
0x14e: {  	[tilespmem:s2+$0x8840] =	vst @!p0 v24  }
0x14f: {  	[tilespmem:s2+$0x10840] =	vst @!p0 v14  }
0x150: {  	[tilespmem:s2+$0x8850] =	vst @!p0 v26  }
0x151: {  	[tilespmem:s2+$0x10850] =	vst @!p0 v13  }
0x152: {  	[tilespmem:s2+$0x8860] =	vst @!p0 v31  }
0x153: {  	[tilespmem:s2+$0x10860] =	vst @!p0 v12  }
0x154: {  	[tilespmem:s2+$0x8870] =	vst @!p0 v27  }
0x155: {  	[tilespmem:s2+$0x10870] =	vst @!p0 v11  }
0x156: {  	[tilespmem:s2+$0x8880] =	vst @!p0 v28  }
0x157: {  	[tilespmem:s2+$0x10880] =	vst @!p0 v10  }
0x158: {  	[tilespmem:s2+$0x8890] =	vst @!p0 v21  }
0x159: {  	[tilespmem:s2+$0x10890] =	vst @!p0 v9  }
0x15a: {  	[tilespmem:s2+$0x88A0] =	vst @!p0 v20  }
0x15b: {  	[tilespmem:s2+$0x108A0] =	vst @!p0 v8  }
0x15c: {  	[tilespmem:s2+$0x88B0] =	vst @!p0 v22  }
0x15d: {  	[tilespmem:s2+$0x108B0] =	vst @!p0 v7  }
0x15e: {  	[tilespmem:s2+$0x88C0] =	vst @!p0 v29  }
0x15f: {  	[tilespmem:s2+$0x108C0] =	vst @!p0 v6  }
0x160: {  	[tilespmem:s2+$0x88D0] =	vst @!p0 v25  }
0x161: {  	[tilespmem:s2+$0x108D0] =	vst @!p0 v5  }
0x162: {  	[tilespmem:s2+$0x88E0] =	vst @!p0 v30  }
0x163: {  	[tilespmem:s2+$0x108E0] =	vst @!p0 v3  }
0x164: {  	s6 =	sand.u32 $0x3800, s8;
	s13 =	sand.u32 $0x380, s9;
	[tilespmem:s2+$0x88F0] =	vst @!p0 v19  }
0x165: {  	s31 =	sor.u32 s13, s6;
	[tilespmem:s2+$0x108F0] =	vst @!p0 v4  }
0x166: {  	v35 =	vld [tilespmem:s31+$0x0]  }
0x167: {  	v36 =	vld [tilespmem:$0x8680]  }
0x168: {  	v37 =	vld [tilespmem:s31+$0x10]  }
0x169: {  	v38 =	vld [tilespmem:$0x8690]  }
0x16a: {  	v39 =	vld [tilespmem:s31+$0x20]  }
0x16b: {  	v40 =	vld [tilespmem:$0x86A0]  }
0x16c: {  	v41 =	vld [tilespmem:s31+$0x30];
	v36 =	vmul.f32 v36, v35  }
0x16d: {  	v42 =	vld [tilespmem:$0x86B0]  }
0x16e: {  	v43 =	vld [tilespmem:s31+$0x40];
	v38 =	vmul.f32 v38, v37;
	v36 =	vadd.f32 $0.0e+00, v36  }
0x16f: {  	v44 =	vld [tilespmem:$0x86C0]  }
0x170: {  	v45 =	vld [tilespmem:$0x86D0];
	v53 =	vmul.f32 v40, v39;
	v36 =	vadd.f32 v38, v36  }
0x171: {  	v40 =	vld [tilespmem:s31+$0x50]  }
0x172: {  	v46 =	vld [tilespmem:$0x86E0];
	v54 =	vmul.f32 v42, v41;
	v36 =	vadd.f32 v53, v36  }
0x173: {  	v42 =	vld [tilespmem:s31+$0x60]  }
0x174: {  	v47 =	vld [tilespmem:$0x86F0];
	v55 =	vmul.f32 v44, v43;
	v36 =	vadd.f32 v54, v36  }
0x175: {  	v44 =	vld [tilespmem:s31+$0x70]  }
0x176: {  	v48 =	vld [tilespmem:$0x8700];
	v56 =	vmul.f32 v45, v40;
	v36 =	vadd.f32 v55, v36  }
0x177: {  	v45 =	vld [tilespmem:s31+$0x400]  }
0x178: {  	v49 =	vld [tilespmem:$0x8710];
	v57 =	vmul.f32 v46, v42;
	v36 =	vadd.f32 v56, v36  }
0x179: {  	v46 =	vld [tilespmem:s31+$0x410]  }
0x17a: {  	v50 =	vld [tilespmem:$0x8720];
	v58 =	vmul.f32 v47, v44;
	v36 =	vadd.f32 v57, v36  }
0x17b: {  	v47 =	vld [tilespmem:s31+$0x420]  }
0x17c: {  	v51 =	vld [tilespmem:$0x8730];
	v59 =	vmul.f32 v48, v45;
	v36 =	vadd.f32 v58, v36  }
0x17d: {  	v48 =	vld [tilespmem:s31+$0x430]  }
0x17e: {  	v52 =	vld [tilespmem:$0x8740];
	v60 =	vmul.f32 v49, v46;
	v36 =	vadd.f32 v59, v36  }
0x17f: {  	v49 =	vld [tilespmem:s31+$0x440]  }
0x180: {  	v53 =	vld [tilespmem:$0x8750];
	v61 =	vmul.f32 v50, v47;
	v36 =	vadd.f32 v60, v36  }
0x181: {  	v50 =	vld [tilespmem:s31+$0x450]  }
0x182: {  	v54 =	vld [tilespmem:$0x8760];
	v62 =	vmul.f32 v51, v48;
	v36 =	vadd.f32 v61, v36  }
0x183: {  	v51 =	vld [tilespmem:s31+$0x460]  }
0x184: {  	v55 =	vld [tilespmem:$0x8770];
	v63 =	vmul.f32 v52, v49;
	v36 =	vadd.f32 v62, v36  }
0x185: {  	v52 =	vld [tilespmem:s31+$0x470]  }
0x186: {  	v56 =	vmul.f32 v53, v50;
	v36 =	vadd.f32 v63, v36;
	_ =	sdelay $0x1  }
0x187: {  	v57 =	vmul.f32 v54, v51;
	v36 =	vadd.f32 v56, v36;
	_ =	sdelay $0x1  }
0x188: {  	v58 =	vmul.f32 v55, v52;
	v36 =	vadd.f32 v57, v36;
	_ =	sdelay $0x1  }
0x189: {  	v36 =	vadd.f32 v58, v36;
	_ =	sdelay $0x1  }
0x18a: {  	(xrf2) =	vadd.scan.msk.f32 $0xffff, v36;
	_ =	sdelay $0x9  }
0x18b: {  	v36, _, _ =	vpop (xrf2)  }
0x18c: {  	v36 =	vbroadcast v36, $0xF;
	_ =	sdelay $0x1  }
0x18d: {  	v36 =	vadd.f32 v36, v2;
	_ =	sdelay $0x1  }
0x18e: {  	v36 =	vsub.f32 $0.0e+00, v36;
	_ =	sdelay $0x1  }
0x18f: {  	v36 =	vmul.f32 $1.442695020e+00, v36;
	_ =	sdelay $0x1  }
0x190: {  	(erf) = vpow2.f32 v36;
	_ =	sdelay $0x6  }
0x191: {  	v23 =	vpsel !p0, $0x0, v23  }
0x192: {  	v24 =	vpsel !p0, $0x0, v24;
	v26 =	vpsel !p0, $0x0, v26;
	v31 =	vpsel !p0, $0x0, v31  }
0x193: {  	v27 =	vpsel !p0, $0x0, v27;
	v28 =	vpsel !p0, $0x0, v28;
	v21 =	vpsel !p0, $0x0, v21;
	v36 =	vpop (erf)  }
0x194: {  	v20 =	vpsel !p0, $0x0, v20;
	v22 =	vpsel !p0, $0x0, v22;
	v36 =	vadd.f32 $1.000000000e+00, v36  }
0x195: {  	v29 =	vpsel !p0, $0x0, v29;
	v25 =	vpsel !p0, $0x0, v25;
	v30 =	vpsel !p0, $0x0, v30  }
0x196: {  	v19 =	vpsel !p0, $0x0, v19;
	v18 =	vmax.f32 v18, v35;
	(erf) = vrcp.f32 v36  }
0x197: {  	v17 =	vmax.f32 v17, v37;
	v16 =	vmax.f32 v16, v39;
	v15 =	vmax.f32 v15, v41  }
0x198: {  	v14 =	vmax.f32 v14, v43;
	v18 =	vpsel p0, v18, v35;
	v17 =	vpsel p0, v17, v37  }
0x199: {  	v16 =	vpsel p0, v16, v39;
	v15 =	vpsel p0, v15, v41;
	v14 =	vpsel p0, v14, v43  }
0x19a: {  	v13 =	vmax.f32 v13, v40;
	v12 =	vmax.f32 v12, v42;
	v11 =	vmax.f32 v11, v44  }
0x19b: {  	v13 =	vpsel p0, v13, v40;
	v12 =	vpsel p0, v12, v42;
	v11 =	vpsel p0, v11, v44  }
0x19c: {  	v10 =	vmax.f32 v10, v45;
	v9 =	vmax.f32 v9, v46;
	v8 =	vmax.f32 v8, v47  }
0x19d: {  	v10 =	vpsel p0, v10, v45;
	v9 =	vpsel p0, v9, v46;
	v8 =	vpsel p0, v8, v47  }
0x19e: {  	v7 =	vmax.f32 v7, v48;
	v6 =	vmax.f32 v6, v49;
	v5 =	vmax.f32 v5, v50  }
0x19f: {  	v7 =	vpsel p0, v7, v48;
	v6 =	vpsel p0, v6, v49;
	v5 =	vpsel p0, v5, v50;
	v36 =	vpop (erf)  }
0x1a0: {  	v59 =	vpsel !p0, $0x0, v34;
	v60 =	vpsel !p0, $0x0, v32;
	v35 =	vmul.f32 v36, v35  }
0x1a1: {  	v3 =	vmax.f32 v3, v51;
	v37 =	vmul.f32 v36, v37;
	v62 =	vmul.f32 v36, v39  }
0x1a2: {  	v4 =	vmax.f32 v4, v52;
	v63 =	vmul.f32 v36, v41;
	v53 =	vmul.f32 v36, v43  }
0x1a3: {  	v61 =	vpsel !p0, $0x0, v33;
	v54 =	vmul.f32 v36, v40;
	v55 =	vmul.f32 v36, v42  }
0x1a4: {  	v56 =	vmul.f32 v36, v44;
	v34 =	vadd.f32 v35, v59;
	v32 =	vadd.f32 v37, v60  }
0x1a5: {  	v57 =	vmul.f32 v36, v45;
	v33 =	vadd.f32 v62, v61;
	v23 =	vadd.f32 v63, v23  }
0x1a6: {  	s11 =	sadd.s32 $0xFFFFFFFF, s11;
	v58 =	vmul.f32 v36, v46;
	v24 =	vadd.f32 v53, v24;
	v26 =	vadd.f32 v54, v26  }
0x1a7: {  	p1 =	sne.s32 s11, $0x0;
	v31 =	vadd.f32 v55, v31;
	v27 =	vadd.f32 v56, v27;
	v59 =	vmul.f32 v36, v47  }
.Ltmp8:
0x1a8: {  	v28 =	vadd.f32 v57, v28;
	v60 =	vmul.f32 v36, v48;
	v61 =	vmul.f32 v36, v49;
	(pc) =	sbr.rel @p1 .LBB2_12-.Ltmp8, $4  }
0x1a9: {  	v21 =	vadd.f32 v58, v21;
	v62 =	vmul.f32 v36, v50;
	v63 =	vmul.f32 v36, v51  }
0x1aa: {  	v36 =	vmul.f32 v36, v52;
	v20 =	vadd.f32 v59, v20;
	v22 =	vadd.f32 v60, v22  }
0x1ab: {  	v3 =	vpsel p0, v3, v51;
	v29 =	vadd.f32 v61, v29;
	v25 =	vadd.f32 v62, v25  }
0x1ac: {  	s12 =	sadd.s32 $0x1, s12;
	s9 =	sadd.s32 $0x80, s9;
	s8 =	sadd.s32 $0x100, s8;
	v4 =	vpsel p0, v4, v52;
	v30 =	vadd.f32 v63, v30;
	v19 =	vadd.f32 v36, v19  }
0x1ad: {  	s2 =	sshll.u32 s22, $0x8  }
0x1ae: {  	[tilespmem:s2+$0x8800] =	vst v34  }
0x1af: {  	[tilespmem:s2+$0x10800] =	vst v18  }
0x1b0: {  	[tilespmem:s2+$0x8810] =	vst v32  }
0x1b1: {  	[tilespmem:s2+$0x10810] =	vst v17  }
0x1b2: {  	[tilespmem:s2+$0x8820] =	vst v33  }
0x1b3: {  	[tilespmem:s2+$0x10820] =	vst v16  }
0x1b4: {  	[tilespmem:s2+$0x8830] =	vst v23  }
0x1b5: {  	[tilespmem:s2+$0x10830] =	vst v15  }
0x1b6: {  	[tilespmem:s2+$0x8840] =	vst v24  }
0x1b7: {  	[tilespmem:s2+$0x10840] =	vst v14  }
0x1b8: {  	[tilespmem:s2+$0x8850] =	vst v26  }
0x1b9: {  	[tilespmem:s2+$0x10850] =	vst v13  }
0x1ba: {  	[tilespmem:s2+$0x8860] =	vst v31  }
0x1bb: {  	[tilespmem:s2+$0x10860] =	vst v12  }
0x1bc: {  	[tilespmem:s2+$0x8870] =	vst v27  }
0x1bd: {  	[tilespmem:s2+$0x10870] =	vst v11  }
0x1be: {  	[tilespmem:s2+$0x8880] =	vst v28  }
0x1bf: {  	[tilespmem:s2+$0x10880] =	vst v10  }
0x1c0: {  	[tilespmem:s2+$0x8890] =	vst v21  }
0x1c1: {  	[tilespmem:s2+$0x10890] =	vst v9  }
0x1c2: {  	[tilespmem:s2+$0x88A0] =	vst v20  }
0x1c3: {  	[tilespmem:s2+$0x108A0] =	vst v8  }
0x1c4: {  	[tilespmem:s2+$0x88B0] =	vst v22  }
0x1c5: {  	[tilespmem:s2+$0x108B0] =	vst v7  }
0x1c6: {  	[tilespmem:s2+$0x88C0] =	vst v29  }
0x1c7: {  	[tilespmem:s2+$0x108C0] =	vst v6  }
0x1c8: {  	[tilespmem:s2+$0x88D0] =	vst v25  }
0x1c9: {  	[tilespmem:s2+$0x108D0] =	vst v5  }
0x1ca: {  	[tilespmem:s2+$0x88E0] =	vst v30  }
0x1cb: {  	[tilespmem:s2+$0x108E0] =	vst v3  }
0x1cc: {  	[tilespmem:s2+$0x88F0] =	vst v19  }
0x1cd: {  	s25 =	rddreg [dreg:$0x8];
	s6 =	simm.s32 $0x8800;
	s8 =	simm.s32 $0x3;
	[tilespmem:s2+$0x108F0] =	vst v4  }
0x1ce: {  	[hbm4b:s25+s4] =	stream.linear.scatter [tilespmem:s6], [sflag:$0x3], $0x8000, $0x38;
	[tilespmem:$0x18800] =	vst v63  }
0x1cf: {  	_ =	swait.ge [sflag:s8], $0x8000  }
0x1d0: {  	[sflag:s8] =	ssyncset.done $0x0  }
0x1d1: {  	s28 =	simm.s32 $0x10800;
	s26 =	rddreg [dreg:$0xa];
	[sflag:s8] =	ssyncadd.s32 $0xFFFF8000  }
0x1d2: {  	[hbm4b:s26+s4] =	stream.linear.scatter [tilespmem:s28], [sflag:$0x3], $0x8000, $0x38;
	[tilespmem:$0x18800] =	vst v63  }
0x1d3: {  	_ =	swait.ge [sflag:s8], $0x8000  }
0x1d4: {  	s29 =	rddreg [dreg:$0x19]  }
0x1d5: {  	s31 =	rddreg [dreg:$0xb];
	s6 =	sadd.s32 $0x1, s29  }
0x1d6: {  	p0 =	sne.s32 s6, s31  }
.Ltmp9:
0x1d7: {  	_ = 	snop;
	(pc) =	sbr.rel @p0 .LBB2_1-.Ltmp9, $3  }
0x1d8: {  	_ =	sdelay $0x1  }
0x1d9: {  	[sflag:s8] =	ssyncset.done $0x0  }
0x1da: {  	[sflag:s8] =	ssyncadd.s32 $0xFFFF8000  }
0x1db: {  	_ =	sfence.sel $0x180000  }
0x1dc: {  	[bflag:$0x0] =	sbarrier.arrive $0xFFFF  }
0x1dd: {  	_ =	strace $0x90000047  }
0x1de: {  	s0 =	stileid.u32;
	[bflag:$0x2] =	sbarrier.arrive $0xFFFF  }
0x1df: {  	p0 =	sne.s32 s0, $0x0;
	s0 =	rddreg [dreg:$0x4]  }
0x1e0: {  	s0 =	sadd.s32 @!p0 $0x100000, s0  }
0x1e1: {  	[sflag:s0] =	ssyncadd.tile.s32 @!p0 $0x1;
	_ =	shalt  }
.Lfunc_end2:
_tile_overlayer_lowered:
.L_overlay_start_2:
0x1e2: {  	(tag) =	ssettag $0x2  }
0x1e3: {  	s0 =	rddreg [dreg:$0x0];
	s2 =	stileid.u32  }
0x1e4: {  	s1 =	rddreg [dreg:$0x1];
	p0 =	sne.s32 s2, $0x0  }
0x1e5: {  	s3 =	rddreg [dreg:$0x2];
	[bflag:$0x3] =	sbarrier.arrive $0xFFFF;
	s2 =	simm.s32 @!p0 $0x1C03  }
0x1e6: {  	[timem:s3], [sflag:s2] =	dma.local @!p0 [hbm:s0], s1  }
0x1e7: {  	s0 =	simm.s32 @!p0 $0x3  }
0x1e8: {  	_ =	swait.ge @!p0 [sflag:s0], s1  }
0x1e9: {  	s1 =	ssub.s32 @!p0 $0x0, s1;
	[sflag:s0] =	ssyncset.done @!p0 $0x0  }
0x1ea: {  	[sflag:s0] =	ssyncadd.s32 @!p0 s1  }
0x1eb: {  	[bflag:$0x3] =	sbarrier.arrive $0xFFFF  }
0x1ec: {  	_ =	shalt  }

</sc_bundles>
